<compile_context>
chip_gen: v7x
topology: tpu7x:2x2x1
jax: 0.10.2.dev20260603
libtpu: 0.0.44.dev20260713+nightly
codegen_flags: <defaults>
</compile_context>

<pallas_src>
import functools

import jax
import jax.numpy as jnp
from jax import lax
from jax.experimental import pallas as pl
from jax.experimental.pallas import tpu as pltpu
from jax.experimental.pallas import tpu_sc as plsc

N = 6_400_000
S_SEG = 10_000
L = 16
NW = 32
SPAD = 10_240
COLS = SPAD // NW
CHUNK = N // NW
BLK = 20_000
SIZES = (4_000, 16_000) + (BLK,) * 9
OFFS = tuple(sum(SIZES[:i]) for i in range(len(SIZES)))
NBLK = len(SIZES)
UNROLL = 5

_MESH = dict(core_axis_name="c", subcore_axis_name="s")
_PARAMS = pltpu.CompilerParams(
    needs_layout_passes=False, use_tc_tiling_on_sc=False
)


def _take(x, idx):
    return jnp.take_along_axis(x, idx, axis=0)


def _phase1(data, ids):
    mesh = plsc.VectorSubcoreMesh(**_MESH)

    @functools.partial(
        pl.kernel,
        out_type=jax.ShapeDtypeStruct((NW, SPAD), jnp.float32),
        mesh=mesh,
        scratch_types=[
            pltpu.VMEM((2, BLK), jnp.float32),
            pltpu.VMEM((2, BLK), jnp.int32),
            pltpu.VMEM((SPAD,), jnp.float32),
            pltpu.VMEM((NBLK * L,), jnp.int32),
            pltpu.VMEM((NBLK * L,), jnp.float32),
            pltpu.SemaphoreType.DMA,
            pltpu.SemaphoreType.DMA,
            pltpu.SemaphoreType.DMA,
            pltpu.SemaphoreType.DMA,
            pltpu.SemaphoreType.DMA,
        ],
        compiler_params=_PARAMS,
    )
    def k(data_hbm, ids_hbm, part_hbm, dbuf, ibuf, acc, lid, lval, sd0, sd1,
          si0, si1, so):
        wid = lax.axis_index("c") * 16 + lax.axis_index("s")
        base = wid * CHUNK
        dsem = (sd0, sd1)
        isem = (si0, si1)

        minf = jnp.full((L,), -jnp.inf, dtype=jnp.float32)
        iota = lax.iota(jnp.int32, L)
        last = jnp.full((L,), L - 1, dtype=jnp.int32)

        def ibody(i, c):
            acc[pl.ds(i * L, L)] = minf
            return c

        lax.fori_loop(0, SPAD // L, ibody, 0)

        def issue(b):
            slot = b % 2
            off = base + OFFS[b]
            sz = SIZES[b]
            pltpu.async_copy(data_hbm.at[pl.ds(off, sz)],
                             dbuf.at[slot, pl.ds(0, sz)], dsem[slot])
            pltpu.async_copy(ids_hbm.at[pl.ds(off, sz)],
                             ibuf.at[slot, pl.ds(0, sz)], isem[slot])

        def wait(b):
            slot = b % 2
            off = base + OFFS[b]
            sz = SIZES[b]
            pltpu.make_async_copy(data_hbm.at[pl.ds(off, sz)],
                                  dbuf.at[slot, pl.ds(0, sz)],
                                  dsem[slot]).wait()
            pltpu.make_async_copy(ids_hbm.at[pl.ds(off, sz)],
                                  ibuf.at[slot, pl.ds(0, sz)],
                                  isem[slot]).wait()

        def process(slot, b):
            subl = SIZES[b] // L
            lane_base = iota * subl
            prev0 = plsc.load_gather(ibuf.at[slot], [lane_base])

            @plsc.parallel_loop(0, subl, unroll=UNROLL,
                                carry=(prev0, minf))
            def step(t, carry):
                prev, accv = carry
                fidx = lane_base + t
                idv = plsc.load_gather(ibuf.at[slot], [fidx])
                dv = plsc.load_gather(dbuf.at[slot], [fidx])
                changed = idv != prev
                plsc.store_scatter(acc, [prev], accv, mask=changed)
                accv = jnp.where(changed, dv, jnp.maximum(accv, dv))
                return idv, accv

            prev, accv = step
            lid[pl.ds(b * L, L)] = prev
            lval[pl.ds(b * L, L)] = accv

        issue(0)
        for b in range(NBLK):
            if b + 1 < NBLK:
                issue(b + 1)
            wait(b)
            process(b % 2, b)

        def lbody(e, c):
            seg = lid[pl.ds(e * L, L)]
            vals = lval[pl.ds(e * L, L)]
            for sh in (1, 2, 4, 8):
                pidx = jnp.maximum(iota - sh, 0)
                gseg = _take(seg, pidx)
                gval = _take(vals, pidx)
                vals = jnp.where(seg == gseg, jnp.maximum(vals, gval), vals)
            nseg = _take(seg, jnp.minimum(iota + 1, last))
            end = (seg != nseg) | (iota == last)
            cur = plsc.load_gather(acc, [seg])
            plsc.store_scatter(acc, [seg], jnp.maximum(cur, vals), mask=end)
            return c

        lax.fori_loop(0, NBLK, lbody, 0)

        pltpu.async_copy(acc, part_hbm.at[wid], so).wait()

    return k(data, ids)


def _phase2(part):
    def k(part_ref, out_ref):
        out_ref[...] = jnp.max(part_ref[...], axis=0)

    return pl.pallas_call(
        k,
        out_shape=jax.ShapeDtypeStruct((SPAD,), jnp.float32),
    )(part)


def kernel(data, segment_ids, num_segments):
    del num_segments
    ids = segment_ids.astype(jnp.int32)
    part = _phase1(data, ids)
    out = _phase2(part)
    return out[:S_SEG]

# --- scband reference (transcript-rebuilt; emitter-appended) ---
"""Pipeline reference for scband-agent-56315611185340 (READ-ONLY COPY).

The authoritative reference and input builder live on the scoring server;
editing this copy changes nothing except your own understanding.
"""

import jax, jax.numpy as jnp
import numpy as np

N = 6400000
S = 10000

def setup_inputs(seed: int = 0) -> dict:
    key = jax.random.key(seed)
    k1, k2 = jax.random.split(key)
    data = jax.random.normal(k1, (N,), dtype=jnp.float32)
    segment_ids = jnp.sort(jax.random.randint(k2, (N,), 0, S)).astype(jnp.int64)
    return {"data": data, "segment_ids": segment_ids, "num_segments": S}

def reference(data, segment_ids, num_segments):
    # Faithful core of Agent._max_Q: scatter_max(Q_value, batch)[0]
    # Q_value is a per-node scalar; `batch` maps each node to its graph in the batch.
    out = jax.ops.segment_max(data, segment_ids, num_segments=S, indices_are_sorted=True)
    return jnp.where(num_segments == S, out, out)

if __name__ == "__main__":
    import jax
    _d = setup_inputs()
    print(jax.jit(kernel)(*tuple(_d.values())))

</pallas_src>

<mosaic_0001>
#map = affine_map<(d0, d1) -> (0)>
#map1 = affine_map<(d0, d1) -> (0, 0)>
module attributes {stable_mosaic.version = 14 : i64} {
  func.func @k(%arg0: i32, %arg1: i32, %arg2: memref<6400000xf32, #tpu.memory_space<hbm>>, %arg3: memref<6400000xi32, #tpu.memory_space<hbm>>, %arg4: memref<32x10240xf32, #tpu.memory_space<hbm>>, %arg5: memref<2x20000xf32, #tpu.memory_space<vmem>>, %arg6: memref<2x20000xi32, #tpu.memory_space<vmem>>, %arg7: memref<10240xf32, #tpu.memory_space<vmem>>, %arg8: memref<176xi32, #tpu.memory_space<vmem>>, %arg9: memref<176xf32, #tpu.memory_space<vmem>>, %arg10: memref<!tpu.dma_semaphore, #tpu.memory_space<semaphore_mem>>, %arg11: memref<!tpu.dma_semaphore, #tpu.memory_space<semaphore_mem>>, %arg12: memref<!tpu.dma_semaphore, #tpu.memory_space<semaphore_mem>>, %arg13: memref<!tpu.dma_semaphore, #tpu.memory_space<semaphore_mem>>, %arg14: memref<!tpu.dma_semaphore, #tpu.memory_space<semaphore_mem>>) attributes {dimension_semantics = [#tpu.dimension_semantics<core_parallel>, #tpu.dimension_semantics<subcore_parallel>], iteration_bounds = array<i64: 2, 16>, scalar_prefetch = 0 : i64, scratch_operands = 10 : i64, tpu.core_type = #tpu.core_type<sc_vector_subcore>, window_params = [{transform_indices = #map}, {transform_indices = #map}, {transform_indices = #map1}]} {
    %mul3A = arith.constant 16 : i32
    %mul3A_0 = arith.muli %arg0, %mul3A : i32
    %add3A = arith.addi %mul3A_0, %arg1 : i32
    %mul3A_1 = arith.constant 200000 : i32
    %mul3A_2 = arith.muli %add3A, %mul3A_1 : i32
    %broadcast_in_dim3A = arith.constant 0xFF800000 : f32
    %broadcast_in_dim3A_3 = vector.broadcast %broadcast_in_dim3A : f32 to vector<16xf32>
    %iota3A = tpu.iota {dimensions = array<i32: 0>} : vector<16xi32>
    %broadcast_in_dim3A_4 = arith.constant 15 : i32
    %broadcast_in_dim3A_5 = vector.broadcast %broadcast_in_dim3A_4 : i32 to vector<16xi32>
    %scan3A = arith.constant 0 : i32
    %scan3A_6 = arith.constant 0 : i32
    %scan3A_7 = arith.constant 640 : i32
    %scan3A_8 = arith.addi %scan3A_6, %scan3A_7 : i32
    %scan3A_9 = arith.constant 1 : i32
    scf.for %scan3A_640 = %scan3A_6 to %scan3A_8 step %scan3A_9  : i32 {
      %mul3A_641 = arith.constant 16 : i32
      %mul3A_642 = arith.muli %scan3A_640, %mul3A_641 : i32
      %swap3A_643 = arith.index_cast %mul3A_642 : i32 to index
      %swap3A_644 = tpu.vector_load %arg7[%swap3A_643] {strides = array<i32>} : memref<10240xf32, #tpu.memory_space<vmem>>, vector<16xf32>,
      tpu.vector_store %arg7[%swap3A_643], %broadcast_in_dim3A_3 {strides = array<i32>} : memref<10240xf32, #tpu.memory_space<vmem>>, vector<16xf32>,
    }
    %scan3A_10 = arith.constant 640 : i32
    %add3A_11 = arith.constant 0 : i32
    %add3A_12 = arith.addi %mul3A_2, %add3A_11 : i32
    %dma_start3A = arith.constant 0 : i32
    %dma_start3A_13 = arith.constant 0 : i32
    %dma_start3A_14 = tpu.memref_slice %arg5[%dma_start3A, %dma_start3A_13] : memref<2x20000xf32, #tpu.memory_space<vmem>> -> memref<1x4000xf32, #tpu.memory_space<vmem>>
    %dma_start3A_15 = tpu.memref_squeeze %dma_start3A_14 : memref<1x4000xf32, #tpu.memory_space<vmem>> -> memref<4000xf32, #tpu.memory_space<vmem>>
    %dma_start3A_16 = tpu.memref_slice %arg2[%add3A_12] : memref<6400000xf32, #tpu.memory_space<hbm>> -> memref<4000xf32, #tpu.memory_space<hbm>>
    %dma_start3A_17 = arith.constant 0 : i32
    %dma_start3A_18 = tpu.memref_slice %arg5[%dma_start3A, %dma_start3A_17] : memref<2x20000xf32, #tpu.memory_space<vmem>> -> memref<1x4000xf32, #tpu.memory_space<vmem>>
    %dma_start3A_19 = tpu.memref_squeeze %dma_start3A_18 : memref<1x4000xf32, #tpu.memory_space<vmem>> -> memref<4000xf32, #tpu.memory_space<vmem>>
    %dma_start3A_20 = tpu.memref_slice %arg2[%add3A_12] : memref<6400000xf32, #tpu.memory_space<hbm>> -> memref<4000xf32, #tpu.memory_space<hbm>>
    tpu.enqueue_dma source(%dma_start3A_20 : memref<4000xf32, #tpu.memory_space<hbm>>) target(%dma_start3A_19 : memref<4000xf32, #tpu.memory_space<vmem>>) target_semaphore(%arg10 : memref<!tpu.dma_semaphore, #tpu.memory_space<semaphore_mem>>)
    %dma_start3A_21 = arith.constant 0 : i32
    %dma_start3A_22 = arith.constant 0 : i32
    %dma_start3A_23 = tpu.memref_slice %arg6[%dma_start3A_21, %dma_start3A_22] : memref<2x20000xi32, #tpu.memory_space<vmem>> -> memref<1x4000xi32, #tpu.memory_space<vmem>>
    %dma_start3A_24 = tpu.memref_squeeze %dma_start3A_23 : memref<1x4000xi32, #tpu.memory_space<vmem>> -> memref<4000xi32, #tpu.memory_space<vmem>>
    %dma_start3A_25 = tpu.memref_slice %arg3[%add3A_12] : memref<6400000xi32, #tpu.memory_space<hbm>> -> memref<4000xi32, #tpu.memory_space<hbm>>
    %dma_start3A_26 = arith.constant 0 : i32
    %dma_start3A_27 = tpu.memref_slice %arg6[%dma_start3A_21, %dma_start3A_26] : memref<2x20000xi32, #tpu.memory_space<vmem>> -> memref<1x4000xi32, #tpu.memory_space<vmem>>
    %dma_start3A_28 = tpu.memref_squeeze %dma_start3A_27 : memref<1x4000xi32, #tpu.memory_space<vmem>> -> memref<4000xi32, #tpu.memory_space<vmem>>
    %dma_start3A_29 = tpu.memref_slice %arg3[%add3A_12] : memref<6400000xi32, #tpu.memory_space<hbm>> -> memref<4000xi32, #tpu.memory_space<hbm>>
    tpu.enqueue_dma source(%dma_start3A_29 : memref<4000xi32, #tpu.memory_space<hbm>>) target(%dma_start3A_28 : memref<4000xi32, #tpu.memory_space<vmem>>) target_semaphore(%arg12 : memref<!tpu.dma_semaphore, #tpu.memory_space<semaphore_mem>>)
    %add3A_30 = arith.constant 4000 : i32
    %add3A_31 = arith.addi %mul3A_2, %add3A_30 : i32
    %dma_start3A_32 = arith.constant 1 : i32
    %dma_start3A_33 = arith.constant 0 : i32
    %dma_start3A_34 = tpu.memref_slice %arg5[%dma_start3A_32, %dma_start3A_33] : memref<2x20000xf32, #tpu.memory_space<vmem>> -> memref<1x16000xf32, #tpu.memory_space<vmem>>
    %dma_start3A_35 = tpu.memref_squeeze %dma_start3A_34 : memref<1x16000xf32, #tpu.memory_space<vmem>> -> memref<16000xf32, #tpu.memory_space<vmem>>
    %dma_start3A_36 = tpu.memref_slice %arg2[%add3A_31] : memref<6400000xf32, #tpu.memory_space<hbm>> -> memref<16000xf32, #tpu.memory_space<hbm>>
    %dma_start3A_37 = arith.constant 0 : i32
    %dma_start3A_38 = tpu.memref_slice %arg5[%dma_start3A_32, %dma_start3A_37] : memref<2x20000xf32, #tpu.memory_space<vmem>> -> memref<1x16000xf32, #tpu.memory_space<vmem>>
    %dma_start3A_39 = tpu.memref_squeeze %dma_start3A_38 : memref<1x16000xf32, #tpu.memory_space<vmem>> -> memref<16000xf32, #tpu.memory_space<vmem>>
    %dma_start3A_40 = tpu.memref_slice %arg2[%add3A_31] : memref<6400000xf32, #tpu.memory_space<hbm>> -> memref<16000xf32, #tpu.memory_space<hbm>>
    tpu.enqueue_dma source(%dma_start3A_40 : memref<16000xf32, #tpu.memory_space<hbm>>) target(%dma_start3A_39 : memref<16000xf32, #tpu.memory_space<vmem>>) target_semaphore(%arg11 : memref<!tpu.dma_semaphore, #tpu.memory_space<semaphore_mem>>)
    %dma_start3A_41 = arith.constant 1 : i32
    %dma_start3A_42 = arith.constant 0 : i32
    %dma_start3A_43 = tpu.memref_slice %arg6[%dma_start3A_41, %dma_start3A_42] : memref<2x20000xi32, #tpu.memory_space<vmem>> -> memref<1x16000xi32, #tpu.memory_space<vmem>>
    %dma_start3A_44 = tpu.memref_squeeze %dma_start3A_43 : memref<1x16000xi32, #tpu.memory_space<vmem>> -> memref<16000xi32, #tpu.memory_space<vmem>>
    %dma_start3A_45 = tpu.memref_slice %arg3[%add3A_31] : memref<6400000xi32, #tpu.memory_space<hbm>> -> memref<16000xi32, #tpu.memory_space<hbm>>
    %dma_start3A_46 = arith.constant 0 : i32
    %dma_start3A_47 = tpu.memref_slice %arg6[%dma_start3A_41, %dma_start3A_46] : memref<2x20000xi32, #tpu.memory_space<vmem>> -> memref<1x16000xi32, #tpu.memory_space<vmem>>
    %dma_start3A_48 = tpu.memref_squeeze %dma_start3A_47 : memref<1x16000xi32, #tpu.memory_space<vmem>> -> memref<16000xi32, #tpu.memory_space<vmem>>
    %dma_start3A_49 = tpu.memref_slice %arg3[%add3A_31] : memref<6400000xi32, #tpu.memory_space<hbm>> -> memref<16000xi32, #tpu.memory_space<hbm>>
    tpu.enqueue_dma source(%dma_start3A_49 : memref<16000xi32, #tpu.memory_space<hbm>>) target(%dma_start3A_48 : memref<16000xi32, #tpu.memory_space<vmem>>) target_semaphore(%arg13 : memref<!tpu.dma_semaphore, #tpu.memory_space<semaphore_mem>>)
    %add3A_50 = arith.constant 0 : i32
    %add3A_51 = arith.addi %mul3A_2, %add3A_50 : i32
    %dma_wait3A = arith.constant 0 : i32
    %dma_wait3A_52 = arith.constant 0 : i32
    %dma_wait3A_53 = tpu.memref_slice %arg5[%dma_wait3A, %dma_wait3A_52] : memref<2x20000xf32, #tpu.memory_space<vmem>> -> memref<1x4000xf32, #tpu.memory_space<vmem>>
    %dma_wait3A_54 = tpu.memref_squeeze %dma_wait3A_53 : memref<1x4000xf32, #tpu.memory_space<vmem>> -> memref<4000xf32, #tpu.memory_space<vmem>>
    %dma_wait3A_55 = tpu.memref_slice %arg2[%add3A_51] : memref<6400000xf32, #tpu.memory_space<hbm>> -> memref<4000xf32, #tpu.memory_space<hbm>>
    %dma_wait3A_56 = arith.constant 0 : i32
    %dma_wait3A_57 = tpu.memref_slice %arg5[%dma_wait3A, %dma_wait3A_56] : memref<2x20000xf32, #tpu.memory_space<vmem>> -> memref<1x4000xf32, #tpu.memory_space<vmem>>
    %dma_wait3A_58 = tpu.memref_squeeze %dma_wait3A_57 : memref<1x4000xf32, #tpu.memory_space<vmem>> -> memref<4000xf32, #tpu.memory_space<vmem>>
    %dma_wait3A_59 = tpu.memref_slice %arg2[%add3A_51] : memref<6400000xf32, #tpu.memory_space<hbm>> -> memref<4000xf32, #tpu.memory_space<hbm>>
    tpu.wait_dma2 semaphore(%arg10 : memref<!tpu.dma_semaphore, #tpu.memory_space<semaphore_mem>>) src(%dma_wait3A_59 : memref<4000xf32, #tpu.memory_space<hbm>>) dst(%dma_wait3A_58 : memref<4000xf32, #tpu.memory_space<vmem>>)
    %dma_wait3A_60 = arith.constant 0 : i32
    %dma_wait3A_61 = arith.constant 0 : i32
    %dma_wait3A_62 = tpu.memref_slice %arg6[%dma_wait3A_60, %dma_wait3A_61] : memref<2x20000xi32, #tpu.memory_space<vmem>> -> memref<1x4000xi32, #tpu.memory_space<vmem>>
    %dma_wait3A_63 = tpu.memref_squeeze %dma_wait3A_62 : memref<1x4000xi32, #tpu.memory_space<vmem>> -> memref<4000xi32, #tpu.memory_space<vmem>>
    %dma_wait3A_64 = tpu.memref_slice %arg3[%add3A_51] : memref<6400000xi32, #tpu.memory_space<hbm>> -> memref<4000xi32, #tpu.memory_space<hbm>>
    %dma_wait3A_65 = arith.constant 0 : i32
    %dma_wait3A_66 = tpu.memref_slice %arg6[%dma_wait3A_60, %dma_wait3A_65] : memref<2x20000xi32, #tpu.memory_space<vmem>> -> memref<1x4000xi32, #tpu.memory_space<vmem>>
    %dma_wait3A_67 = tpu.memref_squeeze %dma_wait3A_66 : memref<1x4000xi32, #tpu.memory_space<vmem>> -> memref<4000xi32, #tpu.memory_space<vmem>>
    %dma_wait3A_68 = tpu.memref_slice %arg3[%add3A_51] : memref<6400000xi32, #tpu.memory_space<hbm>> -> memref<4000xi32, #tpu.memory_space<hbm>>
    tpu.wait_dma2 semaphore(%arg12 : memref<!tpu.dma_semaphore, #tpu.memory_space<semaphore_mem>>) src(%dma_wait3A_68 : memref<4000xi32, #tpu.memory_space<hbm>>) dst(%dma_wait3A_67 : memref<4000xi32, #tpu.memory_space<vmem>>)
    %mul3A_69 = arith.constant 250 : i32
    %mul3A_70 = vector.broadcast %mul3A_69 : i32 to vector<16xi32>
    %mul3A_71 = arith.muli %iota3A, %mul3A_70 : vector<16xi32>
    %gather3A = arith.constant 0 : i32
    %gather3A_72 = arith.constant 0 : i32
    %gather3A_73 = tpu.memref_slice %arg6[%gather3A, %gather3A_72] : memref<2x20000xi32, #tpu.memory_space<vmem>> -> memref<1x20000xi32, #tpu.memory_space<vmem>>
    %gather3A_74 = tpu.memref_squeeze %gather3A_73 : memref<1x20000xi32, #tpu.memory_space<vmem>> -> memref<20000xi32, #tpu.memory_space<vmem>>
    %gather3A_75 = tpu.vector_load_idx %gather3A_74[%mul3A_71] : memref<20000xi32, #tpu.memory_space<vmem>>[vector<16xi32>], vector<16xi32>,
    %parallel_loop3A = arith.constant 0 : i32
    %parallel_loop3A_76 = arith.constant 250 : i32
    %parallel_loop3A_77 = arith.constant 1 : i32
    %parallel_loop3A_78:2 = scf.for %parallel_loop3A_640 = %parallel_loop3A to %parallel_loop3A_76 step %parallel_loop3A_77 iter_args(%parallel_loop3A_641 = %gather3A_75, %parallel_loop3A_642 = %broadcast_in_dim3A_3) -> (vector<16xi32>, vector<16xf32>)  : i32 {
      %parallel_loop3A_643 = vector.broadcast %parallel_loop3A_640 : i32 to vector<16xi32>
      %parallel_loop3A_644 = arith.addi %mul3A_71, %parallel_loop3A_643 : vector<16xi32>
      %parallel_loop3A_645 = arith.constant 0 : i32
      %parallel_loop3A_646 = arith.constant 0 : i32
      %parallel_loop3A_647 = tpu.memref_slice %arg6[%parallel_loop3A_645, %parallel_loop3A_646] : memref<2x20000xi32, #tpu.memory_space<vmem>> -> memref<1x20000xi32, #tpu.memory_space<vmem>>
      %parallel_loop3A_648 = tpu.memref_squeeze %parallel_loop3A_647 : memref<1x20000xi32, #tpu.memory_space<vmem>> -> memref<20000xi32, #tpu.memory_space<vmem>>
      %parallel_loop3A_649 = tpu.vector_load_idx %parallel_loop3A_648[%parallel_loop3A_644] : memref<20000xi32, #tpu.memory_space<vmem>>[vector<16xi32>], vector<16xi32>,
      %parallel_loop3A_650 = arith.constant 0 : i32
      %parallel_loop3A_651 = arith.constant 0 : i32
      %parallel_loop3A_652 = tpu.memref_slice %arg5[%parallel_loop3A_650, %parallel_loop3A_651] : memref<2x20000xf32, #tpu.memory_space<vmem>> -> memref<1x20000xf32, #tpu.memory_space<vmem>>
      %parallel_loop3A_653 = tpu.memref_squeeze %parallel_loop3A_652 : memref<1x20000xf32, #tpu.memory_space<vmem>> -> memref<20000xf32, #tpu.memory_space<vmem>>
      %parallel_loop3A_654 = tpu.vector_load_idx %parallel_loop3A_653[%parallel_loop3A_644] : memref<20000xf32, #tpu.memory_space<vmem>>[vector<16xi32>], vector<16xf32>,
      %parallel_loop3A_655 = arith.cmpi ne, %parallel_loop3A_649, %parallel_loop3A_641 : vector<16xi32>
      tpu.vector_store_idx %arg7[%parallel_loop3A_641], %parallel_loop3A_642 masked %parallel_loop3A_655 : memref<10240xf32, #tpu.memory_space<vmem>>[vector<16xi32>], vector<16xf32>, vector<16xi1>
      %parallel_loop3A_656 = arith.maximumf %parallel_loop3A_642, %parallel_loop3A_654 : vector<16xf32>
      %parallel_loop3A_657 = arith.select %parallel_loop3A_655, %parallel_loop3A_654, %parallel_loop3A_656 : vector<16xi1>, vector<16xf32>
      scf.yield %parallel_loop3A_649, %parallel_loop3A_657 : vector<16xi32>, vector<16xf32>
    } {sc.loop_unroll_factor = 5 : i64, sc.parallel_access}
    %swap3A = arith.constant 0 : index
    %swap3A_79 = tpu.vector_load %arg8[%swap3A] {strides = array<i32>} : memref<176xi32, #tpu.memory_space<vmem>>, vector<16xi32>,
    tpu.vector_store %arg8[%swap3A], %parallel_loop3A_78#0 {strides = array<i32>} : memref<176xi32, #tpu.memory_space<vmem>>, vector<16xi32>,
    %swap3A_80 = arith.constant 0 : index
    %swap3A_81 = tpu.vector_load %arg9[%swap3A_80] {strides = array<i32>} : memref<176xf32, #tpu.memory_space<vmem>>, vector<16xf32>,
    tpu.vector_store %arg9[%swap3A_80], %parallel_loop3A_78#1 {strides = array<i32>} : memref<176xf32, #tpu.memory_space<vmem>>, vector<16xf32>,
    %add3A_82 = arith.constant 20000 : i32
    %add3A_83 = arith.addi %mul3A_2, %add3A_82 : i32
    %dma_start3A_84 = arith.constant 0 : i32
    %dma_start3A_85 = arith.constant 0 : i32
    %dma_start3A_86 = tpu.memref_slice %arg5[%dma_start3A_84, %dma_start3A_85] : memref<2x20000xf32, #tpu.memory_space<vmem>> -> memref<1x20000xf32, #tpu.memory_space<vmem>>
    %dma_start3A_87 = tpu.memref_squeeze %dma_start3A_86 : memref<1x20000xf32, #tpu.memory_space<vmem>> -> memref<20000xf32, #tpu.memory_space<vmem>>
    %dma_start3A_88 = tpu.memref_slice %arg2[%add3A_83] : memref<6400000xf32, #tpu.memory_space<hbm>> -> memref<20000xf32, #tpu.memory_space<hbm>>
    %dma_start3A_89 = arith.constant 0 : i32
    %dma_start3A_90 = tpu.memref_slice %arg5[%dma_start3A_84, %dma_start3A_89] : memref<2x20000xf32, #tpu.memory_space<vmem>> -> memref<1x20000xf32, #tpu.memory_space<vmem>>
    %dma_start3A_91 = tpu.memref_squeeze %dma_start3A_90 : memref<1x20000xf32, #tpu.memory_space<vmem>> -> memref<20000xf32, #tpu.memory_space<vmem>>
    %dma_start3A_92 = tpu.memref_slice %arg2[%add3A_83] : memref<6400000xf32, #tpu.memory_space<hbm>> -> memref<20000xf32, #tpu.memory_space<hbm>>
    tpu.enqueue_dma source(%dma_start3A_92 : memref<20000xf32, #tpu.memory_space<hbm>>) target(%dma_start3A_91 : memref<20000xf32, #tpu.memory_space<vmem>>) target_semaphore(%arg10 : memref<!tpu.dma_semaphore, #tpu.memory_space<semaphore_mem>>)
    %dma_start3A_93 = arith.constant 0 : i32
    %dma_start3A_94 = arith.constant 0 : i32
    %dma_start3A_95 = tpu.memref_slice %arg6[%dma_start3A_93, %dma_start3A_94] : memref<2x20000xi32, #tpu.memory_space<vmem>> -> memref<1x20000xi32, #tpu.memory_space<vmem>>
    %dma_start3A_96 = tpu.memref_squeeze %dma_start3A_95 : memref<1x20000xi32, #tpu.memory_space<vmem>> -> memref<20000xi32, #tpu.memory_space<vmem>>
    %dma_start3A_97 = tpu.memref_slice %arg3[%add3A_83] : memref<6400000xi32, #tpu.memory_space<hbm>> -> memref<20000xi32, #tpu.memory_space<hbm>>
    %dma_start3A_98 = arith.constant 0 : i32
    %dma_start3A_99 = tpu.memref_slice %arg6[%dma_start3A_93, %dma_start3A_98] : memref<2x20000xi32, #tpu.memory_space<vmem>> -> memref<1x20000xi32, #tpu.memory_space<vmem>>
    %dma_start3A_100 = tpu.memref_squeeze %dma_start3A_99 : memref<1x20000xi32, #tpu.memory_space<vmem>> -> memref<20000xi32, #tpu.memory_space<vmem>>
    %dma_start3A_101 = tpu.memref_slice %arg3[%add3A_83] : memref<6400000xi32, #tpu.memory_space<hbm>> -> memref<20000xi32, #tpu.memory_space<hbm>>
    tpu.enqueue_dma source(%dma_start3A_101 : memref<20000xi32, #tpu.memory_space<hbm>>) target(%dma_start3A_100 : memref<20000xi32, #tpu.memory_space<vmem>>) target_semaphore(%arg12 : memref<!tpu.dma_semaphore, #tpu.memory_space<semaphore_mem>>)
    %add3A_102 = arith.constant 4000 : i32
    %add3A_103 = arith.addi %mul3A_2, %add3A_102 : i32
    %dma_wait3A_104 = arith.constant 1 : i32
    %dma_wait3A_105 = arith.constant 0 : i32
    %dma_wait3A_106 = tpu.memref_slice %arg5[%dma_wait3A_104, %dma_wait3A_105] : memref<2x20000xf32, #tpu.memory_space<vmem>> -> memref<1x16000xf32, #tpu.memory_space<vmem>>
    %dma_wait3A_107 = tpu.memref_squeeze %dma_wait3A_106 : memref<1x16000xf32, #tpu.memory_space<vmem>> -> memref<16000xf32, #tpu.memory_space<vmem>>
    %dma_wait3A_108 = tpu.memref_slice %arg2[%add3A_103] : memref<6400000xf32, #tpu.memory_space<hbm>> -> memref<16000xf32, #tpu.memory_space<hbm>>
    %dma_wait3A_109 = arith.constant 0 : i32
    %dma_wait3A_110 = tpu.memref_slice %arg5[%dma_wait3A_104, %dma_wait3A_109] : memref<2x20000xf32, #tpu.memory_space<vmem>> -> memref<1x16000xf32, #tpu.memory_space<vmem>>
    %dma_wait3A_111 = tpu.memref_squeeze %dma_wait3A_110 : memref<1x16000xf32, #tpu.memory_space<vmem>> -> memref<16000xf32, #tpu.memory_space<vmem>>
    %dma_wait3A_112 = tpu.memref_slice %arg2[%add3A_103] : memref<6400000xf32, #tpu.memory_space<hbm>> -> memref<16000xf32, #tpu.memory_space<hbm>>
    tpu.wait_dma2 semaphore(%arg11 : memref<!tpu.dma_semaphore, #tpu.memory_space<semaphore_mem>>) src(%dma_wait3A_112 : memref<16000xf32, #tpu.memory_space<hbm>>) dst(%dma_wait3A_111 : memref<16000xf32, #tpu.memory_space<vmem>>)
    %dma_wait3A_113 = arith.constant 1 : i32
    %dma_wait3A_114 = arith.constant 0 : i32
    %dma_wait3A_115 = tpu.memref_slice %arg6[%dma_wait3A_113, %dma_wait3A_114] : memref<2x20000xi32, #tpu.memory_space<vmem>> -> memref<1x16000xi32, #tpu.memory_space<vmem>>
    %dma_wait3A_116 = tpu.memref_squeeze %dma_wait3A_115 : memref<1x16000xi32, #tpu.memory_space<vmem>> -> memref<16000xi32, #tpu.memory_space<vmem>>
    %dma_wait3A_117 = tpu.memref_slice %arg3[%add3A_103] : memref<6400000xi32, #tpu.memory_space<hbm>> -> memref<16000xi32, #tpu.memory_space<hbm>>
    %dma_wait3A_118 = arith.constant 0 : i32
    %dma_wait3A_119 = tpu.memref_slice %arg6[%dma_wait3A_113, %dma_wait3A_118] : memref<2x20000xi32, #tpu.memory_space<vmem>> -> memref<1x16000xi32, #tpu.memory_space<vmem>>
    %dma_wait3A_120 = tpu.memref_squeeze %dma_wait3A_119 : memref<1x16000xi32, #tpu.memory_space<vmem>> -> memref<16000xi32, #tpu.memory_space<vmem>>
    %dma_wait3A_121 = tpu.memref_slice %arg3[%add3A_103] : memref<6400000xi32, #tpu.memory_space<hbm>> -> memref<16000xi32, #tpu.memory_space<hbm>>
    tpu.wait_dma2 semaphore(%arg13 : memref<!tpu.dma_semaphore, #tpu.memory_space<semaphore_mem>>) src(%dma_wait3A_121 : memref<16000xi32, #tpu.memory_space<hbm>>) dst(%dma_wait3A_120 : memref<16000xi32, #tpu.memory_space<vmem>>)
    %mul3A_122 = arith.constant 1000 : i32
    %mul3A_123 = vector.broadcast %mul3A_122 : i32 to vector<16xi32>
    %mul3A_124 = arith.muli %iota3A, %mul3A_123 : vector<16xi32>
    %gather3A_125 = arith.constant 1 : i32
    %gather3A_126 = arith.constant 0 : i32
    %gather3A_127 = tpu.memref_slice %arg6[%gather3A_125, %gather3A_126] : memref<2x20000xi32, #tpu.memory_space<vmem>> -> memref<1x20000xi32, #tpu.memory_space<vmem>>
    %gather3A_128 = tpu.memref_squeeze %gather3A_127 : memref<1x20000xi32, #tpu.memory_space<vmem>> -> memref<20000xi32, #tpu.memory_space<vmem>>
    %gather3A_129 = tpu.vector_load_idx %gather3A_128[%mul3A_124] : memref<20000xi32, #tpu.memory_space<vmem>>[vector<16xi32>], vector<16xi32>,
    %parallel_loop3A_130 = arith.constant 0 : i32
    %parallel_loop3A_131 = arith.constant 1000 : i32
    %parallel_loop3A_132 = arith.constant 1 : i32
    %parallel_loop3A_133:2 = scf.for %parallel_loop3A_640 = %parallel_loop3A_130 to %parallel_loop3A_131 step %parallel_loop3A_132 iter_args(%parallel_loop3A_641 = %gather3A_129, %parallel_loop3A_642 = %broadcast_in_dim3A_3) -> (vector<16xi32>, vector<16xf32>)  : i32 {
      %parallel_loop3A_643 = vector.broadcast %parallel_loop3A_640 : i32 to vector<16xi32>
      %parallel_loop3A_644 = arith.addi %mul3A_124, %parallel_loop3A_643 : vector<16xi32>
      %parallel_loop3A_645 = arith.constant 1 : i32
      %parallel_loop3A_646 = arith.constant 0 : i32
      %parallel_loop3A_647 = tpu.memref_slice %arg6[%parallel_loop3A_645, %parallel_loop3A_646] : memref<2x20000xi32, #tpu.memory_space<vmem>> -> memref<1x20000xi32, #tpu.memory_space<vmem>>
      %parallel_loop3A_648 = tpu.memref_squeeze %parallel_loop3A_647 : memref<1x20000xi32, #tpu.memory_space<vmem>> -> memref<20000xi32, #tpu.memory_space<vmem>>
      %parallel_loop3A_649 = tpu.vector_load_idx %parallel_loop3A_648[%parallel_loop3A_644] : memref<20000xi32, #tpu.memory_space<vmem>>[vector<16xi32>], vector<16xi32>,
      %parallel_loop3A_650 = arith.constant 1 : i32
      %parallel_loop3A_651 = arith.constant 0 : i32
      %parallel_loop3A_652 = tpu.memref_slice %arg5[%parallel_loop3A_650, %parallel_loop3A_651] : memref<2x20000xf32, #tpu.memory_space<vmem>> -> memref<1x20000xf32, #tpu.memory_space<vmem>>
      %parallel_loop3A_653 = tpu.memref_squeeze %parallel_loop3A_652 : memref<1x20000xf32, #tpu.memory_space<vmem>> -> memref<20000xf32, #tpu.memory_space<vmem>>
      %parallel_loop3A_654 = tpu.vector_load_idx %parallel_loop3A_653[%parallel_loop3A_644] : memref<20000xf32, #tpu.memory_space<vmem>>[vector<16xi32>], vector<16xf32>,
      %parallel_loop3A_655 = arith.cmpi ne, %parallel_loop3A_649, %parallel_loop3A_641 : vector<16xi32>
      tpu.vector_store_idx %arg7[%parallel_loop3A_641], %parallel_loop3A_642 masked %parallel_loop3A_655 : memref<10240xf32, #tpu.memory_space<vmem>>[vector<16xi32>], vector<16xf32>, vector<16xi1>
      %parallel_loop3A_656 = arith.maximumf %parallel_loop3A_642, %parallel_loop3A_654 : vector<16xf32>
      %parallel_loop3A_657 = arith.select %parallel_loop3A_655, %parallel_loop3A_654, %parallel_loop3A_656 : vector<16xi1>, vector<16xf32>
      scf.yield %parallel_loop3A_649, %parallel_loop3A_657 : vector<16xi32>, vector<16xf32>
    } {sc.loop_unroll_factor = 5 : i64, sc.parallel_access}
    %swap3A_134 = arith.constant 16 : index
    %swap3A_135 = tpu.vector_load %arg8[%swap3A_134] {strides = array<i32>} : memref<176xi32, #tpu.memory_space<vmem>>, vector<16xi32>,
    tpu.vector_store %arg8[%swap3A_134], %parallel_loop3A_133#0 {strides = array<i32>} : memref<176xi32, #tpu.memory_space<vmem>>, vector<16xi32>,
    %swap3A_136 = arith.constant 16 : index
    %swap3A_137 = tpu.vector_load %arg9[%swap3A_136] {strides = array<i32>} : memref<176xf32, #tpu.memory_space<vmem>>, vector<16xf32>,
    tpu.vector_store %arg9[%swap3A_136], %parallel_loop3A_133#1 {strides = array<i32>} : memref<176xf32, #tpu.memory_space<vmem>>, vector<16xf32>,
    %add3A_138 = arith.constant 40000 : i32
    %add3A_139 = arith.addi %mul3A_2, %add3A_138 : i32
    %dma_start3A_140 = arith.constant 1 : i32
    %dma_start3A_141 = arith.constant 0 : i32
    %dma_start3A_142 = tpu.memref_slice %arg5[%dma_start3A_140, %dma_start3A_141] : memref<2x20000xf32, #tpu.memory_space<vmem>> -> memref<1x20000xf32, #tpu.memory_space<vmem>>
    %dma_start3A_143 = tpu.memref_squeeze %dma_start3A_142 : memref<1x20000xf32, #tpu.memory_space<vmem>> -> memref<20000xf32, #tpu.memory_space<vmem>>
    %dma_start3A_144 = tpu.memref_slice %arg2[%add3A_139] : memref<6400000xf32, #tpu.memory_space<hbm>> -> memref<20000xf32, #tpu.memory_space<hbm>>
    %dma_start3A_145 = arith.constant 0 : i32
    %dma_start3A_146 = tpu.memref_slice %arg5[%dma_start3A_140, %dma_start3A_145] : memref<2x20000xf32, #tpu.memory_space<vmem>> -> memref<1x20000xf32, #tpu.memory_space<vmem>>
    %dma_start3A_147 = tpu.memref_squeeze %dma_start3A_146 : memref<1x20000xf32, #tpu.memory_space<vmem>> -> memref<20000xf32, #tpu.memory_space<vmem>>
    %dma_start3A_148 = tpu.memref_slice %arg2[%add3A_139] : memref<6400000xf32, #tpu.memory_space<hbm>> -> memref<20000xf32, #tpu.memory_space<hbm>>
    tpu.enqueue_dma source(%dma_start3A_148 : memref<20000xf32, #tpu.memory_space<hbm>>) target(%dma_start3A_147 : memref<20000xf32, #tpu.memory_space<vmem>>) target_semaphore(%arg11 : memref<!tpu.dma_semaphore, #tpu.memory_space<semaphore_mem>>)
    %dma_start3A_149 = arith.constant 1 : i32
    %dma_start3A_150 = arith.constant 0 : i32
    %dma_start3A_151 = tpu.memref_slice %arg6[%dma_start3A_149, %dma_start3A_150] : memref<2x20000xi32, #tpu.memory_space<vmem>> -> memref<1x20000xi32, #tpu.memory_space<vmem>>
    %dma_start3A_152 = tpu.memref_squeeze %dma_start3A_151 : memref<1x20000xi32, #tpu.memory_space<vmem>> -> memref<20000xi32, #tpu.memory_space<vmem>>
    %dma_start3A_153 = tpu.memref_slice %arg3[%add3A_139] : memref<6400000xi32, #tpu.memory_space<hbm>> -> memref<20000xi32, #tpu.memory_space<hbm>>
    %dma_start3A_154 = arith.constant 0 : i32
    %dma_start3A_155 = tpu.memref_slice %arg6[%dma_start3A_149, %dma_start3A_154] : memref<2x20000xi32, #tpu.memory_space<vmem>> -> memref<1x20000xi32, #tpu.memory_space<vmem>>
    %dma_start3A_156 = tpu.memref_squeeze %dma_start3A_155 : memref<1x20000xi32, #tpu.memory_space<vmem>> -> memref<20000xi32, #tpu.memory_space<vmem>>
    %dma_start3A_157 = tpu.memref_slice %arg3[%add3A_139] : memref<6400000xi32, #tpu.memory_space<hbm>> -> memref<20000xi32, #tpu.memory_space<hbm>>
    tpu.enqueue_dma source(%dma_start3A_157 : memref<20000xi32, #tpu.memory_space<hbm>>) target(%dma_start3A_156 : memref<20000xi32, #tpu.memory_space<vmem>>) target_semaphore(%arg13 : memref<!tpu.dma_semaphore, #tpu.memory_space<semaphore_mem>>)
    %add3A_158 = arith.constant 20000 : i32
    %add3A_159 = arith.addi %mul3A_2, %add3A_158 : i32
    %dma_wait3A_160 = arith.constant 0 : i32
    %dma_wait3A_161 = arith.constant 0 : i32
    %dma_wait3A_162 = tpu.memref_slice %arg5[%dma_wait3A_160, %dma_wait3A_161] : memref<2x20000xf32, #tpu.memory_space<vmem>> -> memref<1x20000xf32, #tpu.memory_space<vmem>>
    %dma_wait3A_163 = tpu.memref_squeeze %dma_wait3A_162 : memref<1x20000xf32, #tpu.memory_space<vmem>> -> memref<20000xf32, #tpu.memory_space<vmem>>
    %dma_wait3A_164 = tpu.memref_slice %arg2[%add3A_159] : memref<6400000xf32, #tpu.memory_space<hbm>> -> memref<20000xf32, #tpu.memory_space<hbm>>
    %dma_wait3A_165 = arith.constant 0 : i32
    %dma_wait3A_166 = tpu.memref_slice %arg5[%dma_wait3A_160, %dma_wait3A_165] : memref<2x20000xf32, #tpu.memory_space<vmem>> -> memref<1x20000xf32, #tpu.memory_space<vmem>>
    %dma_wait3A_167 = tpu.memref_squeeze %dma_wait3A_166 : memref<1x20000xf32, #tpu.memory_space<vmem>> -> memref<20000xf32, #tpu.memory_space<vmem>>
    %dma_wait3A_168 = tpu.memref_slice %arg2[%add3A_159] : memref<6400000xf32, #tpu.memory_space<hbm>> -> memref<20000xf32, #tpu.memory_space<hbm>>
    tpu.wait_dma2 semaphore(%arg10 : memref<!tpu.dma_semaphore, #tpu.memory_space<semaphore_mem>>) src(%dma_wait3A_168 : memref<20000xf32, #tpu.memory_space<hbm>>) dst(%dma_wait3A_167 : memref<20000xf32, #tpu.memory_space<vmem>>)
    %dma_wait3A_169 = arith.constant 0 : i32
    %dma_wait3A_170 = arith.constant 0 : i32
    %dma_wait3A_171 = tpu.memref_slice %arg6[%dma_wait3A_169, %dma_wait3A_170] : memref<2x20000xi32, #tpu.memory_space<vmem>> -> memref<1x20000xi32, #tpu.memory_space<vmem>>
    %dma_wait3A_172 = tpu.memref_squeeze %dma_wait3A_171 : memref<1x20000xi32, #tpu.memory_space<vmem>> -> memref<20000xi32, #tpu.memory_space<vmem>>
    %dma_wait3A_173 = tpu.memref_slice %arg3[%add3A_159] : memref<6400000xi32, #tpu.memory_space<hbm>> -> memref<20000xi32, #tpu.memory_space<hbm>>
    %dma_wait3A_174 = arith.constant 0 : i32
    %dma_wait3A_175 = tpu.memref_slice %arg6[%dma_wait3A_169, %dma_wait3A_174] : memref<2x20000xi32, #tpu.memory_space<vmem>> -> memref<1x20000xi32, #tpu.memory_space<vmem>>
    %dma_wait3A_176 = tpu.memref_squeeze %dma_wait3A_175 : memref<1x20000xi32, #tpu.memory_space<vmem>> -> memref<20000xi32, #tpu.memory_space<vmem>>
    %dma_wait3A_177 = tpu.memref_slice %arg3[%add3A_159] : memref<6400000xi32, #tpu.memory_space<hbm>> -> memref<20000xi32, #tpu.memory_space<hbm>>
    tpu.wait_dma2 semaphore(%arg12 : memref<!tpu.dma_semaphore, #tpu.memory_space<semaphore_mem>>) src(%dma_wait3A_177 : memref<20000xi32, #tpu.memory_space<hbm>>) dst(%dma_wait3A_176 : memref<20000xi32, #tpu.memory_space<vmem>>)
    %mul3A_178 = arith.constant 1250 : i32
    %mul3A_179 = vector.broadcast %mul3A_178 : i32 to vector<16xi32>
    %mul3A_180 = arith.muli %iota3A, %mul3A_179 : vector<16xi32>
    %gather3A_181 = arith.constant 0 : i32
    %gather3A_182 = arith.constant 0 : i32
    %gather3A_183 = tpu.memref_slice %arg6[%gather3A_181, %gather3A_182] : memref<2x20000xi32, #tpu.memory_space<vmem>> -> memref<1x20000xi32, #tpu.memory_space<vmem>>
    %gather3A_184 = tpu.memref_squeeze %gather3A_183 : memref<1x20000xi32, #tpu.memory_space<vmem>> -> memref<20000xi32, #tpu.memory_space<vmem>>
    %gather3A_185 = tpu.vector_load_idx %gather3A_184[%mul3A_180] : memref<20000xi32, #tpu.memory_space<vmem>>[vector<16xi32>], vector<16xi32>,
    %parallel_loop3A_186 = arith.constant 0 : i32
    %parallel_loop3A_187 = arith.constant 1250 : i32
    %parallel_loop3A_188 = arith.constant 1 : i32
    %parallel_loop3A_189:2 = scf.for %parallel_loop3A_640 = %parallel_loop3A_186 to %parallel_loop3A_187 step %parallel_loop3A_188 iter_args(%parallel_loop3A_641 = %gather3A_185, %parallel_loop3A_642 = %broadcast_in_dim3A_3) -> (vector<16xi32>, vector<16xf32>)  : i32 {
      %parallel_loop3A_643 = vector.broadcast %parallel_loop3A_640 : i32 to vector<16xi32>
      %parallel_loop3A_644 = arith.addi %mul3A_180, %parallel_loop3A_643 : vector<16xi32>
      %parallel_loop3A_645 = arith.constant 0 : i32
      %parallel_loop3A_646 = arith.constant 0 : i32
      %parallel_loop3A_647 = tpu.memref_slice %arg6[%parallel_loop3A_645, %parallel_loop3A_646] : memref<2x20000xi32, #tpu.memory_space<vmem>> -> memref<1x20000xi32, #tpu.memory_space<vmem>>
      %parallel_loop3A_648 = tpu.memref_squeeze %parallel_loop3A_647 : memref<1x20000xi32, #tpu.memory_space<vmem>> -> memref<20000xi32, #tpu.memory_space<vmem>>
      %parallel_loop3A_649 = tpu.vector_load_idx %parallel_loop3A_648[%parallel_loop3A_644] : memref<20000xi32, #tpu.memory_space<vmem>>[vector<16xi32>], vector<16xi32>,
      %parallel_loop3A_650 = arith.constant 0 : i32
      %parallel_loop3A_651 = arith.constant 0 : i32
      %parallel_loop3A_652 = tpu.memref_slice %arg5[%parallel_loop3A_650, %parallel_loop3A_651] : memref<2x20000xf32, #tpu.memory_space<vmem>> -> memref<1x20000xf32, #tpu.memory_space<vmem>>
      %parallel_loop3A_653 = tpu.memref_squeeze %parallel_loop3A_652 : memref<1x20000xf32, #tpu.memory_space<vmem>> -> memref<20000xf32, #tpu.memory_space<vmem>>
      %parallel_loop3A_654 = tpu.vector_load_idx %parallel_loop3A_653[%parallel_loop3A_644] : memref<20000xf32, #tpu.memory_space<vmem>>[vector<16xi32>], vector<16xf32>,
      %parallel_loop3A_655 = arith.cmpi ne, %parallel_loop3A_649, %parallel_loop3A_641 : vector<16xi32>
      tpu.vector_store_idx %arg7[%parallel_loop3A_641], %parallel_loop3A_642 masked %parallel_loop3A_655 : memref<10240xf32, #tpu.memory_space<vmem>>[vector<16xi32>], vector<16xf32>, vector<16xi1>
      %parallel_loop3A_656 = arith.maximumf %parallel_loop3A_642, %parallel_loop3A_654 : vector<16xf32>
      %parallel_loop3A_657 = arith.select %parallel_loop3A_655, %parallel_loop3A_654, %parallel_loop3A_656 : vector<16xi1>, vector<16xf32>
      scf.yield %parallel_loop3A_649, %parallel_loop3A_657 : vector<16xi32>, vector<16xf32>
    } {sc.loop_unroll_factor = 5 : i64, sc.parallel_access}
    %swap3A_190 = arith.constant 32 : index
    %swap3A_191 = tpu.vector_load %arg8[%swap3A_190] {strides = array<i32>} : memref<176xi32, #tpu.memory_space<vmem>>, vector<16xi32>,
    tpu.vector_store %arg8[%swap3A_190], %parallel_loop3A_189#0 {strides = array<i32>} : memref<176xi32, #tpu.memory_space<vmem>>, vector<16xi32>,
    %swap3A_192 = arith.constant 32 : index
    %swap3A_193 = tpu.vector_load %arg9[%swap3A_192] {strides = array<i32>} : memref<176xf32, #tpu.memory_space<vmem>>, vector<16xf32>,
    tpu.vector_store %arg9[%swap3A_192], %parallel_loop3A_189#1 {strides = array<i32>} : memref<176xf32, #tpu.memory_space<vmem>>, vector<16xf32>,
    %add3A_194 = arith.constant 60000 : i32
    %add3A_195 = arith.addi %mul3A_2, %add3A_194 : i32
    %dma_start3A_196 = arith.constant 0 : i32
    %dma_start3A_197 = arith.constant 0 : i32
    %dma_start3A_198 = tpu.memref_slice %arg5[%dma_start3A_196, %dma_start3A_197] : memref<2x20000xf32, #tpu.memory_space<vmem>> -> memref<1x20000xf32, #tpu.memory_space<vmem>>
    %dma_start3A_199 = tpu.memref_squeeze %dma_start3A_198 : memref<1x20000xf32, #tpu.memory_space<vmem>> -> memref<20000xf32, #tpu.memory_space<vmem>>
    %dma_start3A_200 = tpu.memref_slice %arg2[%add3A_195] : memref<6400000xf32, #tpu.memory_space<hbm>> -> memref<20000xf32, #tpu.memory_space<hbm>>
    %dma_start3A_201 = arith.constant 0 : i32
    %dma_start3A_202 = tpu.memref_slice %arg5[%dma_start3A_196, %dma_start3A_201] : memref<2x20000xf32, #tpu.memory_space<vmem>> -> memref<1x20000xf32, #tpu.memory_space<vmem>>
    %dma_start3A_203 = tpu.memref_squeeze %dma_start3A_202 : memref<1x20000xf32, #tpu.memory_space<vmem>> -> memref<20000xf32, #tpu.memory_space<vmem>>
    %dma_start3A_204 = tpu.memref_slice %arg2[%add3A_195] : memref<6400000xf32, #tpu.memory_space<hbm>> -> memref<20000xf32, #tpu.memory_space<hbm>>
    tpu.enqueue_dma source(%dma_start3A_204 : memref<20000xf32, #tpu.memory_space<hbm>>) target(%dma_start3A_203 : memref<20000xf32, #tpu.memory_space<vmem>>) target_semaphore(%arg10 : memref<!tpu.dma_semaphore, #tpu.memory_space<semaphore_mem>>)
    %dma_start3A_205 = arith.constant 0 : i32
    %dma_start3A_206 = arith.constant 0 : i32
    %dma_start3A_207 = tpu.memref_slice %arg6[%dma_start3A_205, %dma_start3A_206] : memref<2x20000xi32, #tpu.memory_space<vmem>> -> memref<1x20000xi32, #tpu.memory_space<vmem>>
    %dma_start3A_208 = tpu.memref_squeeze %dma_start3A_207 : memref<1x20000xi32, #tpu.memory_space<vmem>> -> memref<20000xi32, #tpu.memory_space<vmem>>
    %dma_start3A_209 = tpu.memref_slice %arg3[%add3A_195] : memref<6400000xi32, #tpu.memory_space<hbm>> -> memref<20000xi32, #tpu.memory_space<hbm>>
    %dma_start3A_210 = arith.constant 0 : i32
    %dma_start3A_211 = tpu.memref_slice %arg6[%dma_start3A_205, %dma_start3A_210] : memref<2x20000xi32, #tpu.memory_space<vmem>> -> memref<1x20000xi32, #tpu.memory_space<vmem>>
    %dma_start3A_212 = tpu.memref_squeeze %dma_start3A_211 : memref<1x20000xi32, #tpu.memory_space<vmem>> -> memref<20000xi32, #tpu.memory_space<vmem>>
    %dma_start3A_213 = tpu.memref_slice %arg3[%add3A_195] : memref<6400000xi32, #tpu.memory_space<hbm>> -> memref<20000xi32, #tpu.memory_space<hbm>>
    tpu.enqueue_dma source(%dma_start3A_213 : memref<20000xi32, #tpu.memory_space<hbm>>) target(%dma_start3A_212 : memref<20000xi32, #tpu.memory_space<vmem>>) target_semaphore(%arg12 : memref<!tpu.dma_semaphore, #tpu.memory_space<semaphore_mem>>)
    %add3A_214 = arith.constant 40000 : i32
    %add3A_215 = arith.addi %mul3A_2, %add3A_214 : i32
    %dma_wait3A_216 = arith.constant 1 : i32
    %dma_wait3A_217 = arith.constant 0 : i32
    %dma_wait3A_218 = tpu.memref_slice %arg5[%dma_wait3A_216, %dma_wait3A_217] : memref<2x20000xf32, #tpu.memory_space<vmem>> -> memref<1x20000xf32, #tpu.memory_space<vmem>>
    %dma_wait3A_219 = tpu.memref_squeeze %dma_wait3A_218 : memref<1x20000xf32, #tpu.memory_space<vmem>> -> memref<20000xf32, #tpu.memory_space<vmem>>
    %dma_wait3A_220 = tpu.memref_slice %arg2[%add3A_215] : memref<6400000xf32, #tpu.memory_space<hbm>> -> memref<20000xf32, #tpu.memory_space<hbm>>
    %dma_wait3A_221 = arith.constant 0 : i32
    %dma_wait3A_222 = tpu.memref_slice %arg5[%dma_wait3A_216, %dma_wait3A_221] : memref<2x20000xf32, #tpu.memory_space<vmem>> -> memref<1x20000xf32, #tpu.memory_space<vmem>>
    %dma_wait3A_223 = tpu.memref_squeeze %dma_wait3A_222 : memref<1x20000xf32, #tpu.memory_space<vmem>> -> memref<20000xf32, #tpu.memory_space<vmem>>
    %dma_wait3A_224 = tpu.memref_slice %arg2[%add3A_215] : memref<6400000xf32, #tpu.memory_space<hbm>> -> memref<20000xf32, #tpu.memory_space<hbm>>
    tpu.wait_dma2 semaphore(%arg11 : memref<!tpu.dma_semaphore, #tpu.memory_space<semaphore_mem>>) src(%dma_wait3A_224 : memref<20000xf32, #tpu.memory_space<hbm>>) dst(%dma_wait3A_223 : memref<20000xf32, #tpu.memory_space<vmem>>)
    %dma_wait3A_225 = arith.constant 1 : i32
    %dma_wait3A_226 = arith.constant 0 : i32
    %dma_wait3A_227 = tpu.memref_slice %arg6[%dma_wait3A_225, %dma_wait3A_226] : memref<2x20000xi32, #tpu.memory_space<vmem>> -> memref<1x20000xi32, #tpu.memory_space<vmem>>
    %dma_wait3A_228 = tpu.memref_squeeze %dma_wait3A_227 : memref<1x20000xi32, #tpu.memory_space<vmem>> -> memref<20000xi32, #tpu.memory_space<vmem>>
    %dma_wait3A_229 = tpu.memref_slice %arg3[%add3A_215] : memref<6400000xi32, #tpu.memory_space<hbm>> -> memref<20000xi32, #tpu.memory_space<hbm>>
    %dma_wait3A_230 = arith.constant 0 : i32
    %dma_wait3A_231 = tpu.memref_slice %arg6[%dma_wait3A_225, %dma_wait3A_230] : memref<2x20000xi32, #tpu.memory_space<vmem>> -> memref<1x20000xi32, #tpu.memory_space<vmem>>
    %dma_wait3A_232 = tpu.memref_squeeze %dma_wait3A_231 : memref<1x20000xi32, #tpu.memory_space<vmem>> -> memref<20000xi32, #tpu.memory_space<vmem>>
    %dma_wait3A_233 = tpu.memref_slice %arg3[%add3A_215] : memref<6400000xi32, #tpu.memory_space<hbm>> -> memref<20000xi32, #tpu.memory_space<hbm>>
    tpu.wait_dma2 semaphore(%arg13 : memref<!tpu.dma_semaphore, #tpu.memory_space<semaphore_mem>>) src(%dma_wait3A_233 : memref<20000xi32, #tpu.memory_space<hbm>>) dst(%dma_wait3A_232 : memref<20000xi32, #tpu.memory_space<vmem>>)
    %mul3A_234 = arith.constant 1250 : i32
    %mul3A_235 = vector.broadcast %mul3A_234 : i32 to vector<16xi32>
    %mul3A_236 = arith.muli %iota3A, %mul3A_235 : vector<16xi32>
    %gather3A_237 = arith.constant 1 : i32
    %gather3A_238 = arith.constant 0 : i32
    %gather3A_239 = tpu.memref_slice %arg6[%gather3A_237, %gather3A_238] : memref<2x20000xi32, #tpu.memory_space<vmem>> -> memref<1x20000xi32, #tpu.memory_space<vmem>>
    %gather3A_240 = tpu.memref_squeeze %gather3A_239 : memref<1x20000xi32, #tpu.memory_space<vmem>> -> memref<20000xi32, #tpu.memory_space<vmem>>
    %gather3A_241 = tpu.vector_load_idx %gather3A_240[%mul3A_236] : memref<20000xi32, #tpu.memory_space<vmem>>[vector<16xi32>], vector<16xi32>,
    %parallel_loop3A_242 = arith.constant 0 : i32
    %parallel_loop3A_243 = arith.constant 1250 : i32
    %parallel_loop3A_244 = arith.constant 1 : i32
    %parallel_loop3A_245:2 = scf.for %parallel_loop3A_640 = %parallel_loop3A_242 to %parallel_loop3A_243 step %parallel_loop3A_244 iter_args(%parallel_loop3A_641 = %gather3A_241, %parallel_loop3A_642 = %broadcast_in_dim3A_3) -> (vector<16xi32>, vector<16xf32>)  : i32 {
      %parallel_loop3A_643 = vector.broadcast %parallel_loop3A_640 : i32 to vector<16xi32>
      %parallel_loop3A_644 = arith.addi %mul3A_236, %parallel_loop3A_643 : vector<16xi32>
      %parallel_loop3A_645 = arith.constant 1 : i32
      %parallel_loop3A_646 = arith.constant 0 : i32
      %parallel_loop3A_647 = tpu.memref_slice %arg6[%parallel_loop3A_645, %parallel_loop3A_646] : memref<2x20000xi32, #tpu.memory_space<vmem>> -> memref<1x20000xi32, #tpu.memory_space<vmem>>
      %parallel_loop3A_648 = tpu.memref_squeeze %parallel_loop3A_647 : memref<1x20000xi32, #tpu.memory_space<vmem>> -> memref<20000xi32, #tpu.memory_space<vmem>>
      %parallel_loop3A_649 = tpu.vector_load_idx %parallel_loop3A_648[%parallel_loop3A_644] : memref<20000xi32, #tpu.memory_space<vmem>>[vector<16xi32>], vector<16xi32>,
      %parallel_loop3A_650 = arith.constant 1 : i32
      %parallel_loop3A_651 = arith.constant 0 : i32
      %parallel_loop3A_652 = tpu.memref_slice %arg5[%parallel_loop3A_650, %parallel_loop3A_651] : memref<2x20000xf32, #tpu.memory_space<vmem>> -> memref<1x20000xf32, #tpu.memory_space<vmem>>
      %parallel_loop3A_653 = tpu.memref_squeeze %parallel_loop3A_652 : memref<1x20000xf32, #tpu.memory_space<vmem>> -> memref<20000xf32, #tpu.memory_space<vmem>>
      %parallel_loop3A_654 = tpu.vector_load_idx %parallel_loop3A_653[%parallel_loop3A_644] : memref<20000xf32, #tpu.memory_space<vmem>>[vector<16xi32>], vector<16xf32>,
      %parallel_loop3A_655 = arith.cmpi ne, %parallel_loop3A_649, %parallel_loop3A_641 : vector<16xi32>
      tpu.vector_store_idx %arg7[%parallel_loop3A_641], %parallel_loop3A_642 masked %parallel_loop3A_655 : memref<10240xf32, #tpu.memory_space<vmem>>[vector<16xi32>], vector<16xf32>, vector<16xi1>
      %parallel_loop3A_656 = arith.maximumf %parallel_loop3A_642, %parallel_loop3A_654 : vector<16xf32>
      %parallel_loop3A_657 = arith.select %parallel_loop3A_655, %parallel_loop3A_654, %parallel_loop3A_656 : vector<16xi1>, vector<16xf32>
      scf.yield %parallel_loop3A_649, %parallel_loop3A_657 : vector<16xi32>, vector<16xf32>
    } {sc.loop_unroll_factor = 5 : i64, sc.parallel_access}
    %swap3A_246 = arith.constant 48 : index
    %swap3A_247 = tpu.vector_load %arg8[%swap3A_246] {strides = array<i32>} : memref<176xi32, #tpu.memory_space<vmem>>, vector<16xi32>,
    tpu.vector_store %arg8[%swap3A_246], %parallel_loop3A_245#0 {strides = array<i32>} : memref<176xi32, #tpu.memory_space<vmem>>, vector<16xi32>,
    %swap3A_248 = arith.constant 48 : index
    %swap3A_249 = tpu.vector_load %arg9[%swap3A_248] {strides = array<i32>} : memref<176xf32, #tpu.memory_space<vmem>>, vector<16xf32>,
    tpu.vector_store %arg9[%swap3A_248], %parallel_loop3A_245#1 {strides = array<i32>} : memref<176xf32, #tpu.memory_space<vmem>>, vector<16xf32>,
    %add3A_250 = arith.constant 80000 : i32
    %add3A_251 = arith.addi %mul3A_2, %add3A_250 : i32
    %dma_start3A_252 = arith.constant 1 : i32
    %dma_start3A_253 = arith.constant 0 : i32
    %dma_start3A_254 = tpu.memref_slice %arg5[%dma_start3A_252, %dma_start3A_253] : memref<2x20000xf32, #tpu.memory_space<vmem>> -> memref<1x20000xf32, #tpu.memory_space<vmem>>
    %dma_start3A_255 = tpu.memref_squeeze %dma_start3A_254 : memref<1x20000xf32, #tpu.memory_space<vmem>> -> memref<20000xf32, #tpu.memory_space<vmem>>
    %dma_start3A_256 = tpu.memref_slice %arg2[%add3A_251] : memref<6400000xf32, #tpu.memory_space<hbm>> -> memref<20000xf32, #tpu.memory_space<hbm>>
    %dma_start3A_257 = arith.constant 0 : i32
    %dma_start3A_258 = tpu.memref_slice %arg5[%dma_start3A_252, %dma_start3A_257] : memref<2x20000xf32, #tpu.memory_space<vmem>> -> memref<1x20000xf32, #tpu.memory_space<vmem>>
    %dma_start3A_259 = tpu.memref_squeeze %dma_start3A_258 : memref<1x20000xf32, #tpu.memory_space<vmem>> -> memref<20000xf32, #tpu.memory_space<vmem>>
    %dma_start3A_260 = tpu.memref_slice %arg2[%add3A_251] : memref<6400000xf32, #tpu.memory_space<hbm>> -> memref<20000xf32, #tpu.memory_space<hbm>>
    tpu.enqueue_dma source(%dma_start3A_260 : memref<20000xf32, #tpu.memory_space<hbm>>) target(%dma_start3A_259 : memref<20000xf32, #tpu.memory_space<vmem>>) target_semaphore(%arg11 : memref<!tpu.dma_semaphore, #tpu.memory_space<semaphore_mem>>)
    %dma_start3A_261 = arith.constant 1 : i32
    %dma_start3A_262 = arith.constant 0 : i32
    %dma_start3A_263 = tpu.memref_slice %arg6[%dma_start3A_261, %dma_start3A_262] : memref<2x20000xi32, #tpu.memory_space<vmem>> -> memref<1x20000xi32, #tpu.memory_space<vmem>>
    %dma_start3A_264 = tpu.memref_squeeze %dma_start3A_263 : memref<1x20000xi32, #tpu.memory_space<vmem>> -> memref<20000xi32, #tpu.memory_space<vmem>>
    %dma_start3A_265 = tpu.memref_slice %arg3[%add3A_251] : memref<6400000xi32, #tpu.memory_space<hbm>> -> memref<20000xi32, #tpu.memory_space<hbm>>
    %dma_start3A_266 = arith.constant 0 : i32
    %dma_start3A_267 = tpu.memref_slice %arg6[%dma_start3A_261, %dma_start3A_266] : memref<2x20000xi32, #tpu.memory_space<vmem>> -> memref<1x20000xi32, #tpu.memory_space<vmem>>
    %dma_start3A_268 = tpu.memref_squeeze %dma_start3A_267 : memref<1x20000xi32, #tpu.memory_space<vmem>> -> memref<20000xi32, #tpu.memory_space<vmem>>
    %dma_start3A_269 = tpu.memref_slice %arg3[%add3A_251] : memref<6400000xi32, #tpu.memory_space<hbm>> -> memref<20000xi32, #tpu.memory_space<hbm>>
    tpu.enqueue_dma source(%dma_start3A_269 : memref<20000xi32, #tpu.memory_space<hbm>>) target(%dma_start3A_268 : memref<20000xi32, #tpu.memory_space<vmem>>) target_semaphore(%arg13 : memref<!tpu.dma_semaphore, #tpu.memory_space<semaphore_mem>>)
    %add3A_270 = arith.constant 60000 : i32
    %add3A_271 = arith.addi %mul3A_2, %add3A_270 : i32
    %dma_wait3A_272 = arith.constant 0 : i32
    %dma_wait3A_273 = arith.constant 0 : i32
    %dma_wait3A_274 = tpu.memref_slice %arg5[%dma_wait3A_272, %dma_wait3A_273] : memref<2x20000xf32, #tpu.memory_space<vmem>> -> memref<1x20000xf32, #tpu.memory_space<vmem>>
    %dma_wait3A_275 = tpu.memref_squeeze %dma_wait3A_274 : memref<1x20000xf32, #tpu.memory_space<vmem>> -> memref<20000xf32, #tpu.memory_space<vmem>>
    %dma_wait3A_276 = tpu.memref_slice %arg2[%add3A_271] : memref<6400000xf32, #tpu.memory_space<hbm>> -> memref<20000xf32, #tpu.memory_space<hbm>>
    %dma_wait3A_277 = arith.constant 0 : i32
    %dma_wait3A_278 = tpu.memref_slice %arg5[%dma_wait3A_272, %dma_wait3A_277] : memref<2x20000xf32, #tpu.memory_space<vmem>> -> memref<1x20000xf32, #tpu.memory_space<vmem>>
    %dma_wait3A_279 = tpu.memref_squeeze %dma_wait3A_278 : memref<1x20000xf32, #tpu.memory_space<vmem>> -> memref<20000xf32, #tpu.memory_space<vmem>>
    %dma_wait3A_280 = tpu.memref_slice %arg2[%add3A_271] : memref<6400000xf32, #tpu.memory_space<hbm>> -> memref<20000xf32, #tpu.memory_space<hbm>>
    tpu.wait_dma2 semaphore(%arg10 : memref<!tpu.dma_semaphore, #tpu.memory_space<semaphore_mem>>) src(%dma_wait3A_280 : memref<20000xf32, #tpu.memory_space<hbm>>) dst(%dma_wait3A_279 : memref<20000xf32, #tpu.memory_space<vmem>>)
    %dma_wait3A_281 = arith.constant 0 : i32
    %dma_wait3A_282 = arith.constant 0 : i32
    %dma_wait3A_283 = tpu.memref_slice %arg6[%dma_wait3A_281, %dma_wait3A_282] : memref<2x20000xi32, #tpu.memory_space<vmem>> -> memref<1x20000xi32, #tpu.memory_space<vmem>>
    %dma_wait3A_284 = tpu.memref_squeeze %dma_wait3A_283 : memref<1x20000xi32, #tpu.memory_space<vmem>> -> memref<20000xi32, #tpu.memory_space<vmem>>
    %dma_wait3A_285 = tpu.memref_slice %arg3[%add3A_271] : memref<6400000xi32, #tpu.memory_space<hbm>> -> memref<20000xi32, #tpu.memory_space<hbm>>
    %dma_wait3A_286 = arith.constant 0 : i32
    %dma_wait3A_287 = tpu.memref_slice %arg6[%dma_wait3A_281, %dma_wait3A_286] : memref<2x20000xi32, #tpu.memory_space<vmem>> -> memref<1x20000xi32, #tpu.memory_space<vmem>>
    %dma_wait3A_288 = tpu.memref_squeeze %dma_wait3A_287 : memref<1x20000xi32, #tpu.memory_space<vmem>> -> memref<20000xi32, #tpu.memory_space<vmem>>
    %dma_wait3A_289 = tpu.memref_slice %arg3[%add3A_271] : memref<6400000xi32, #tpu.memory_space<hbm>> -> memref<20000xi32, #tpu.memory_space<hbm>>
    tpu.wait_dma2 semaphore(%arg12 : memref<!tpu.dma_semaphore, #tpu.memory_space<semaphore_mem>>) src(%dma_wait3A_289 : memref<20000xi32, #tpu.memory_space<hbm>>) dst(%dma_wait3A_288 : memref<20000xi32, #tpu.memory_space<vmem>>)
    %mul3A_290 = arith.constant 1250 : i32
    %mul3A_291 = vector.broadcast %mul3A_290 : i32 to vector<16xi32>
    %mul3A_292 = arith.muli %iota3A, %mul3A_291 : vector<16xi32>
    %gather3A_293 = arith.constant 0 : i32
    %gather3A_294 = arith.constant 0 : i32
    %gather3A_295 = tpu.memref_slice %arg6[%gather3A_293, %gather3A_294] : memref<2x20000xi32, #tpu.memory_space<vmem>> -> memref<1x20000xi32, #tpu.memory_space<vmem>>
    %gather3A_296 = tpu.memref_squeeze %gather3A_295 : memref<1x20000xi32, #tpu.memory_space<vmem>> -> memref<20000xi32, #tpu.memory_space<vmem>>
    %gather3A_297 = tpu.vector_load_idx %gather3A_296[%mul3A_292] : memref<20000xi32, #tpu.memory_space<vmem>>[vector<16xi32>], vector<16xi32>,
    %parallel_loop3A_298 = arith.constant 0 : i32
    %parallel_loop3A_299 = arith.constant 1250 : i32
    %parallel_loop3A_300 = arith.constant 1 : i32
    %parallel_loop3A_301:2 = scf.for %parallel_loop3A_640 = %parallel_loop3A_298 to %parallel_loop3A_299 step %parallel_loop3A_300 iter_args(%parallel_loop3A_641 = %gather3A_297, %parallel_loop3A_642 = %broadcast_in_dim3A_3) -> (vector<16xi32>, vector<16xf32>)  : i32 {
      %parallel_loop3A_643 = vector.broadcast %parallel_loop3A_640 : i32 to vector<16xi32>
      %parallel_loop3A_644 = arith.addi %mul3A_292, %parallel_loop3A_643 : vector<16xi32>
      %parallel_loop3A_645 = arith.constant 0 : i32
      %parallel_loop3A_646 = arith.constant 0 : i32
      %parallel_loop3A_647 = tpu.memref_slice %arg6[%parallel_loop3A_645, %parallel_loop3A_646] : memref<2x20000xi32, #tpu.memory_space<vmem>> -> memref<1x20000xi32, #tpu.memory_space<vmem>>
      %parallel_loop3A_648 = tpu.memref_squeeze %parallel_loop3A_647 : memref<1x20000xi32, #tpu.memory_space<vmem>> -> memref<20000xi32, #tpu.memory_space<vmem>>
      %parallel_loop3A_649 = tpu.vector_load_idx %parallel_loop3A_648[%parallel_loop3A_644] : memref<20000xi32, #tpu.memory_space<vmem>>[vector<16xi32>], vector<16xi32>,
      %parallel_loop3A_650 = arith.constant 0 : i32
      %parallel_loop3A_651 = arith.constant 0 : i32
      %parallel_loop3A_652 = tpu.memref_slice %arg5[%parallel_loop3A_650, %parallel_loop3A_651] : memref<2x20000xf32, #tpu.memory_space<vmem>> -> memref<1x20000xf32, #tpu.memory_space<vmem>>
      %parallel_loop3A_653 = tpu.memref_squeeze %parallel_loop3A_652 : memref<1x20000xf32, #tpu.memory_space<vmem>> -> memref<20000xf32, #tpu.memory_space<vmem>>
      %parallel_loop3A_654 = tpu.vector_load_idx %parallel_loop3A_653[%parallel_loop3A_644] : memref<20000xf32, #tpu.memory_space<vmem>>[vector<16xi32>], vector<16xf32>,
      %parallel_loop3A_655 = arith.cmpi ne, %parallel_loop3A_649, %parallel_loop3A_641 : vector<16xi32>
      tpu.vector_store_idx %arg7[%parallel_loop3A_641], %parallel_loop3A_642 masked %parallel_loop3A_655 : memref<10240xf32, #tpu.memory_space<vmem>>[vector<16xi32>], vector<16xf32>, vector<16xi1>
      %parallel_loop3A_656 = arith.maximumf %parallel_loop3A_642, %parallel_loop3A_654 : vector<16xf32>
      %parallel_loop3A_657 = arith.select %parallel_loop3A_655, %parallel_loop3A_654, %parallel_loop3A_656 : vector<16xi1>, vector<16xf32>
      scf.yield %parallel_loop3A_649, %parallel_loop3A_657 : vector<16xi32>, vector<16xf32>
    } {sc.loop_unroll_factor = 5 : i64, sc.parallel_access}
    %swap3A_302 = arith.constant 64 : index
    %swap3A_303 = tpu.vector_load %arg8[%swap3A_302] {strides = array<i32>} : memref<176xi32, #tpu.memory_space<vmem>>, vector<16xi32>,
    tpu.vector_store %arg8[%swap3A_302], %parallel_loop3A_301#0 {strides = array<i32>} : memref<176xi32, #tpu.memory_space<vmem>>, vector<16xi32>,
    %swap3A_304 = arith.constant 64 : index
    %swap3A_305 = tpu.vector_load %arg9[%swap3A_304] {strides = array<i32>} : memref<176xf32, #tpu.memory_space<vmem>>, vector<16xf32>,
    tpu.vector_store %arg9[%swap3A_304], %parallel_loop3A_301#1 {strides = array<i32>} : memref<176xf32, #tpu.memory_space<vmem>>, vector<16xf32>,
    %add3A_306 = arith.constant 100000 : i32
    %add3A_307 = arith.addi %mul3A_2, %add3A_306 : i32
    %dma_start3A_308 = arith.constant 0 : i32
    %dma_start3A_309 = arith.constant 0 : i32
    %dma_start3A_310 = tpu.memref_slice %arg5[%dma_start3A_308, %dma_start3A_309] : memref<2x20000xf32, #tpu.memory_space<vmem>> -> memref<1x20000xf32, #tpu.memory_space<vmem>>
    %dma_start3A_311 = tpu.memref_squeeze %dma_start3A_310 : memref<1x20000xf32, #tpu.memory_space<vmem>> -> memref<20000xf32, #tpu.memory_space<vmem>>
    %dma_start3A_312 = tpu.memref_slice %arg2[%add3A_307] : memref<6400000xf32, #tpu.memory_space<hbm>> -> memref<20000xf32, #tpu.memory_space<hbm>>
    %dma_start3A_313 = arith.constant 0 : i32
    %dma_start3A_314 = tpu.memref_slice %arg5[%dma_start3A_308, %dma_start3A_313] : memref<2x20000xf32, #tpu.memory_space<vmem>> -> memref<1x20000xf32, #tpu.memory_space<vmem>>
    %dma_start3A_315 = tpu.memref_squeeze %dma_start3A_314 : memref<1x20000xf32, #tpu.memory_space<vmem>> -> memref<20000xf32, #tpu.memory_space<vmem>>
    %dma_start3A_316 = tpu.memref_slice %arg2[%add3A_307] : memref<6400000xf32, #tpu.memory_space<hbm>> -> memref<20000xf32, #tpu.memory_space<hbm>>
    tpu.enqueue_dma source(%dma_start3A_316 : memref<20000xf32, #tpu.memory_space<hbm>>) target(%dma_start3A_315 : memref<20000xf32, #tpu.memory_space<vmem>>) target_semaphore(%arg10 : memref<!tpu.dma_semaphore, #tpu.memory_space<semaphore_mem>>)
    %dma_start3A_317 = arith.constant 0 : i32
    %dma_start3A_318 = arith.constant 0 : i32
    %dma_start3A_319 = tpu.memref_slice %arg6[%dma_start3A_317, %dma_start3A_318] : memref<2x20000xi32, #tpu.memory_space<vmem>> -> memref<1x20000xi32, #tpu.memory_space<vmem>>
    %dma_start3A_320 = tpu.memref_squeeze %dma_start3A_319 : memref<1x20000xi32, #tpu.memory_space<vmem>> -> memref<20000xi32, #tpu.memory_space<vmem>>
    %dma_start3A_321 = tpu.memref_slice %arg3[%add3A_307] : memref<6400000xi32, #tpu.memory_space<hbm>> -> memref<20000xi32, #tpu.memory_space<hbm>>
    %dma_start3A_322 = arith.constant 0 : i32
    %dma_start3A_323 = tpu.memref_slice %arg6[%dma_start3A_317, %dma_start3A_322] : memref<2x20000xi32, #tpu.memory_space<vmem>> -> memref<1x20000xi32, #tpu.memory_space<vmem>>
    %dma_start3A_324 = tpu.memref_squeeze %dma_start3A_323 : memref<1x20000xi32, #tpu.memory_space<vmem>> -> memref<20000xi32, #tpu.memory_space<vmem>>
    %dma_start3A_325 = tpu.memref_slice %arg3[%add3A_307] : memref<6400000xi32, #tpu.memory_space<hbm>> -> memref<20000xi32, #tpu.memory_space<hbm>>
    tpu.enqueue_dma source(%dma_start3A_325 : memref<20000xi32, #tpu.memory_space<hbm>>) target(%dma_start3A_324 : memref<20000xi32, #tpu.memory_space<vmem>>) target_semaphore(%arg12 : memref<!tpu.dma_semaphore, #tpu.memory_space<semaphore_mem>>)
    %add3A_326 = arith.constant 80000 : i32
    %add3A_327 = arith.addi %mul3A_2, %add3A_326 : i32
    %dma_wait3A_328 = arith.constant 1 : i32
    %dma_wait3A_329 = arith.constant 0 : i32
    %dma_wait3A_330 = tpu.memref_slice %arg5[%dma_wait3A_328, %dma_wait3A_329] : memref<2x20000xf32, #tpu.memory_space<vmem>> -> memref<1x20000xf32, #tpu.memory_space<vmem>>
    %dma_wait3A_331 = tpu.memref_squeeze %dma_wait3A_330 : memref<1x20000xf32, #tpu.memory_space<vmem>> -> memref<20000xf32, #tpu.memory_space<vmem>>
    %dma_wait3A_332 = tpu.memref_slice %arg2[%add3A_327] : memref<6400000xf32, #tpu.memory_space<hbm>> -> memref<20000xf32, #tpu.memory_space<hbm>>
    %dma_wait3A_333 = arith.constant 0 : i32
    %dma_wait3A_334 = tpu.memref_slice %arg5[%dma_wait3A_328, %dma_wait3A_333] : memref<2x20000xf32, #tpu.memory_space<vmem>> -> memref<1x20000xf32, #tpu.memory_space<vmem>>
    %dma_wait3A_335 = tpu.memref_squeeze %dma_wait3A_334 : memref<1x20000xf32, #tpu.memory_space<vmem>> -> memref<20000xf32, #tpu.memory_space<vmem>>
    %dma_wait3A_336 = tpu.memref_slice %arg2[%add3A_327] : memref<6400000xf32, #tpu.memory_space<hbm>> -> memref<20000xf32, #tpu.memory_space<hbm>>
    tpu.wait_dma2 semaphore(%arg11 : memref<!tpu.dma_semaphore, #tpu.memory_space<semaphore_mem>>) src(%dma_wait3A_336 : memref<20000xf32, #tpu.memory_space<hbm>>) dst(%dma_wait3A_335 : memref<20000xf32, #tpu.memory_space<vmem>>)
    %dma_wait3A_337 = arith.constant 1 : i32
    %dma_wait3A_338 = arith.constant 0 : i32
    %dma_wait3A_339 = tpu.memref_slice %arg6[%dma_wait3A_337, %dma_wait3A_338] : memref<2x20000xi32, #tpu.memory_space<vmem>> -> memref<1x20000xi32, #tpu.memory_space<vmem>>
    %dma_wait3A_340 = tpu.memref_squeeze %dma_wait3A_339 : memref<1x20000xi32, #tpu.memory_space<vmem>> -> memref<20000xi32, #tpu.memory_space<vmem>>
    %dma_wait3A_341 = tpu.memref_slice %arg3[%add3A_327] : memref<6400000xi32, #tpu.memory_space<hbm>> -> memref<20000xi32, #tpu.memory_space<hbm>>
    %dma_wait3A_342 = arith.constant 0 : i32
    %dma_wait3A_343 = tpu.memref_slice %arg6[%dma_wait3A_337, %dma_wait3A_342] : memref<2x20000xi32, #tpu.memory_space<vmem>> -> memref<1x20000xi32, #tpu.memory_space<vmem>>
    %dma_wait3A_344 = tpu.memref_squeeze %dma_wait3A_343 : memref<1x20000xi32, #tpu.memory_space<vmem>> -> memref<20000xi32, #tpu.memory_space<vmem>>
    %dma_wait3A_345 = tpu.memref_slice %arg3[%add3A_327] : memref<6400000xi32, #tpu.memory_space<hbm>> -> memref<20000xi32, #tpu.memory_space<hbm>>
    tpu.wait_dma2 semaphore(%arg13 : memref<!tpu.dma_semaphore, #tpu.memory_space<semaphore_mem>>) src(%dma_wait3A_345 : memref<20000xi32, #tpu.memory_space<hbm>>) dst(%dma_wait3A_344 : memref<20000xi32, #tpu.memory_space<vmem>>)
    %mul3A_346 = arith.constant 1250 : i32
    %mul3A_347 = vector.broadcast %mul3A_346 : i32 to vector<16xi32>
    %mul3A_348 = arith.muli %iota3A, %mul3A_347 : vector<16xi32>
    %gather3A_349 = arith.constant 1 : i32
    %gather3A_350 = arith.constant 0 : i32
    %gather3A_351 = tpu.memref_slice %arg6[%gather3A_349, %gather3A_350] : memref<2x20000xi32, #tpu.memory_space<vmem>> -> memref<1x20000xi32, #tpu.memory_space<vmem>>
    %gather3A_352 = tpu.memref_squeeze %gather3A_351 : memref<1x20000xi32, #tpu.memory_space<vmem>> -> memref<20000xi32, #tpu.memory_space<vmem>>
    %gather3A_353 = tpu.vector_load_idx %gather3A_352[%mul3A_348] : memref<20000xi32, #tpu.memory_space<vmem>>[vector<16xi32>], vector<16xi32>,
    %parallel_loop3A_354 = arith.constant 0 : i32
    %parallel_loop3A_355 = arith.constant 1250 : i32
    %parallel_loop3A_356 = arith.constant 1 : i32
    %parallel_loop3A_357:2 = scf.for %parallel_loop3A_640 = %parallel_loop3A_354 to %parallel_loop3A_355 step %parallel_loop3A_356 iter_args(%parallel_loop3A_641 = %gather3A_353, %parallel_loop3A_642 = %broadcast_in_dim3A_3) -> (vector<16xi32>, vector<16xf32>)  : i32 {
      %parallel_loop3A_643 = vector.broadcast %parallel_loop3A_640 : i32 to vector<16xi32>
      %parallel_loop3A_644 = arith.addi %mul3A_348, %parallel_loop3A_643 : vector<16xi32>
      %parallel_loop3A_645 = arith.constant 1 : i32
      %parallel_loop3A_646 = arith.constant 0 : i32
      %parallel_loop3A_647 = tpu.memref_slice %arg6[%parallel_loop3A_645, %parallel_loop3A_646] : memref<2x20000xi32, #tpu.memory_space<vmem>> -> memref<1x20000xi32, #tpu.memory_space<vmem>>
      %parallel_loop3A_648 = tpu.memref_squeeze %parallel_loop3A_647 : memref<1x20000xi32, #tpu.memory_space<vmem>> -> memref<20000xi32, #tpu.memory_space<vmem>>
      %parallel_loop3A_649 = tpu.vector_load_idx %parallel_loop3A_648[%parallel_loop3A_644] : memref<20000xi32, #tpu.memory_space<vmem>>[vector<16xi32>], vector<16xi32>,
      %parallel_loop3A_650 = arith.constant 1 : i32
      %parallel_loop3A_651 = arith.constant 0 : i32
      %parallel_loop3A_652 = tpu.memref_slice %arg5[%parallel_loop3A_650, %parallel_loop3A_651] : memref<2x20000xf32, #tpu.memory_space<vmem>> -> memref<1x20000xf32, #tpu.memory_space<vmem>>
      %parallel_loop3A_653 = tpu.memref_squeeze %parallel_loop3A_652 : memref<1x20000xf32, #tpu.memory_space<vmem>> -> memref<20000xf32, #tpu.memory_space<vmem>>
      %parallel_loop3A_654 = tpu.vector_load_idx %parallel_loop3A_653[%parallel_loop3A_644] : memref<20000xf32, #tpu.memory_space<vmem>>[vector<16xi32>], vector<16xf32>,
      %parallel_loop3A_655 = arith.cmpi ne, %parallel_loop3A_649, %parallel_loop3A_641 : vector<16xi32>
      tpu.vector_store_idx %arg7[%parallel_loop3A_641], %parallel_loop3A_642 masked %parallel_loop3A_655 : memref<10240xf32, #tpu.memory_space<vmem>>[vector<16xi32>], vector<16xf32>, vector<16xi1>
      %parallel_loop3A_656 = arith.maximumf %parallel_loop3A_642, %parallel_loop3A_654 : vector<16xf32>
      %parallel_loop3A_657 = arith.select %parallel_loop3A_655, %parallel_loop3A_654, %parallel_loop3A_656 : vector<16xi1>, vector<16xf32>
      scf.yield %parallel_loop3A_649, %parallel_loop3A_657 : vector<16xi32>, vector<16xf32>
    } {sc.loop_unroll_factor = 5 : i64, sc.parallel_access}
    %swap3A_358 = arith.constant 80 : index
    %swap3A_359 = tpu.vector_load %arg8[%swap3A_358] {strides = array<i32>} : memref<176xi32, #tpu.memory_space<vmem>>, vector<16xi32>,
    tpu.vector_store %arg8[%swap3A_358], %parallel_loop3A_357#0 {strides = array<i32>} : memref<176xi32, #tpu.memory_space<vmem>>, vector<16xi32>,
    %swap3A_360 = arith.constant 80 : index
    %swap3A_361 = tpu.vector_load %arg9[%swap3A_360] {strides = array<i32>} : memref<176xf32, #tpu.memory_space<vmem>>, vector<16xf32>,
    tpu.vector_store %arg9[%swap3A_360], %parallel_loop3A_357#1 {strides = array<i32>} : memref<176xf32, #tpu.memory_space<vmem>>, vector<16xf32>,
    %add3A_362 = arith.constant 120000 : i32
    %add3A_363 = arith.addi %mul3A_2, %add3A_362 : i32
    %dma_start3A_364 = arith.constant 1 : i32
    %dma_start3A_365 = arith.constant 0 : i32
    %dma_start3A_366 = tpu.memref_slice %arg5[%dma_start3A_364, %dma_start3A_365] : memref<2x20000xf32, #tpu.memory_space<vmem>> -> memref<1x20000xf32, #tpu.memory_space<vmem>>
    %dma_start3A_367 = tpu.memref_squeeze %dma_start3A_366 : memref<1x20000xf32, #tpu.memory_space<vmem>> -> memref<20000xf32, #tpu.memory_space<vmem>>
    %dma_start3A_368 = tpu.memref_slice %arg2[%add3A_363] : memref<6400000xf32, #tpu.memory_space<hbm>> -> memref<20000xf32, #tpu.memory_space<hbm>>
    %dma_start3A_369 = arith.constant 0 : i32
    %dma_start3A_370 = tpu.memref_slice %arg5[%dma_start3A_364, %dma_start3A_369] : memref<2x20000xf32, #tpu.memory_space<vmem>> -> memref<1x20000xf32, #tpu.memory_space<vmem>>
    %dma_start3A_371 = tpu.memref_squeeze %dma_start3A_370 : memref<1x20000xf32, #tpu.memory_space<vmem>> -> memref<20000xf32, #tpu.memory_space<vmem>>
    %dma_start3A_372 = tpu.memref_slice %arg2[%add3A_363] : memref<6400000xf32, #tpu.memory_space<hbm>> -> memref<20000xf32, #tpu.memory_space<hbm>>
    tpu.enqueue_dma source(%dma_start3A_372 : memref<20000xf32, #tpu.memory_space<hbm>>) target(%dma_start3A_371 : memref<20000xf32, #tpu.memory_space<vmem>>) target_semaphore(%arg11 : memref<!tpu.dma_semaphore, #tpu.memory_space<semaphore_mem>>)
    %dma_start3A_373 = arith.constant 1 : i32
    %dma_start3A_374 = arith.constant 0 : i32
    %dma_start3A_375 = tpu.memref_slice %arg6[%dma_start3A_373, %dma_start3A_374] : memref<2x20000xi32, #tpu.memory_space<vmem>> -> memref<1x20000xi32, #tpu.memory_space<vmem>>
    %dma_start3A_376 = tpu.memref_squeeze %dma_start3A_375 : memref<1x20000xi32, #tpu.memory_space<vmem>> -> memref<20000xi32, #tpu.memory_space<vmem>>
    %dma_start3A_377 = tpu.memref_slice %arg3[%add3A_363] : memref<6400000xi32, #tpu.memory_space<hbm>> -> memref<20000xi32, #tpu.memory_space<hbm>>
    %dma_start3A_378 = arith.constant 0 : i32
    %dma_start3A_379 = tpu.memref_slice %arg6[%dma_start3A_373, %dma_start3A_378] : memref<2x20000xi32, #tpu.memory_space<vmem>> -> memref<1x20000xi32, #tpu.memory_space<vmem>>
    %dma_start3A_380 = tpu.memref_squeeze %dma_start3A_379 : memref<1x20000xi32, #tpu.memory_space<vmem>> -> memref<20000xi32, #tpu.memory_space<vmem>>
    %dma_start3A_381 = tpu.memref_slice %arg3[%add3A_363] : memref<6400000xi32, #tpu.memory_space<hbm>> -> memref<20000xi32, #tpu.memory_space<hbm>>
    tpu.enqueue_dma source(%dma_start3A_381 : memref<20000xi32, #tpu.memory_space<hbm>>) target(%dma_start3A_380 : memref<20000xi32, #tpu.memory_space<vmem>>) target_semaphore(%arg13 : memref<!tpu.dma_semaphore, #tpu.memory_space<semaphore_mem>>)
    %add3A_382 = arith.constant 100000 : i32
    %add3A_383 = arith.addi %mul3A_2, %add3A_382 : i32
    %dma_wait3A_384 = arith.constant 0 : i32
    %dma_wait3A_385 = arith.constant 0 : i32
    %dma_wait3A_386 = tpu.memref_slice %arg5[%dma_wait3A_384, %dma_wait3A_385] : memref<2x20000xf32, #tpu.memory_space<vmem>> -> memref<1x20000xf32, #tpu.memory_space<vmem>>
    %dma_wait3A_387 = tpu.memref_squeeze %dma_wait3A_386 : memref<1x20000xf32, #tpu.memory_space<vmem>> -> memref<20000xf32, #tpu.memory_space<vmem>>
    %dma_wait3A_388 = tpu.memref_slice %arg2[%add3A_383] : memref<6400000xf32, #tpu.memory_space<hbm>> -> memref<20000xf32, #tpu.memory_space<hbm>>
    %dma_wait3A_389 = arith.constant 0 : i32
    %dma_wait3A_390 = tpu.memref_slice %arg5[%dma_wait3A_384, %dma_wait3A_389] : memref<2x20000xf32, #tpu.memory_space<vmem>> -> memref<1x20000xf32, #tpu.memory_space<vmem>>
    %dma_wait3A_391 = tpu.memref_squeeze %dma_wait3A_390 : memref<1x20000xf32, #tpu.memory_space<vmem>> -> memref<20000xf32, #tpu.memory_space<vmem>>
    %dma_wait3A_392 = tpu.memref_slice %arg2[%add3A_383] : memref<6400000xf32, #tpu.memory_space<hbm>> -> memref<20000xf32, #tpu.memory_space<hbm>>
    tpu.wait_dma2 semaphore(%arg10 : memref<!tpu.dma_semaphore, #tpu.memory_space<semaphore_mem>>) src(%dma_wait3A_392 : memref<20000xf32, #tpu.memory_space<hbm>>) dst(%dma_wait3A_391 : memref<20000xf32, #tpu.memory_space<vmem>>)
    %dma_wait3A_393 = arith.constant 0 : i32
    %dma_wait3A_394 = arith.constant 0 : i32
    %dma_wait3A_395 = tpu.memref_slice %arg6[%dma_wait3A_393, %dma_wait3A_394] : memref<2x20000xi32, #tpu.memory_space<vmem>> -> memref<1x20000xi32, #tpu.memory_space<vmem>>
    %dma_wait3A_396 = tpu.memref_squeeze %dma_wait3A_395 : memref<1x20000xi32, #tpu.memory_space<vmem>> -> memref<20000xi32, #tpu.memory_space<vmem>>
    %dma_wait3A_397 = tpu.memref_slice %arg3[%add3A_383] : memref<6400000xi32, #tpu.memory_space<hbm>> -> memref<20000xi32, #tpu.memory_space<hbm>>
    %dma_wait3A_398 = arith.constant 0 : i32
    %dma_wait3A_399 = tpu.memref_slice %arg6[%dma_wait3A_393, %dma_wait3A_398] : memref<2x20000xi32, #tpu.memory_space<vmem>> -> memref<1x20000xi32, #tpu.memory_space<vmem>>
    %dma_wait3A_400 = tpu.memref_squeeze %dma_wait3A_399 : memref<1x20000xi32, #tpu.memory_space<vmem>> -> memref<20000xi32, #tpu.memory_space<vmem>>
    %dma_wait3A_401 = tpu.memref_slice %arg3[%add3A_383] : memref<6400000xi32, #tpu.memory_space<hbm>> -> memref<20000xi32, #tpu.memory_space<hbm>>
    tpu.wait_dma2 semaphore(%arg12 : memref<!tpu.dma_semaphore, #tpu.memory_space<semaphore_mem>>) src(%dma_wait3A_401 : memref<20000xi32, #tpu.memory_space<hbm>>) dst(%dma_wait3A_400 : memref<20000xi32, #tpu.memory_space<vmem>>)
    %mul3A_402 = arith.constant 1250 : i32
    %mul3A_403 = vector.broadcast %mul3A_402 : i32 to vector<16xi32>
    %mul3A_404 = arith.muli %iota3A, %mul3A_403 : vector<16xi32>
    %gather3A_405 = arith.constant 0 : i32
    %gather3A_406 = arith.constant 0 : i32
    %gather3A_407 = tpu.memref_slice %arg6[%gather3A_405, %gather3A_406] : memref<2x20000xi32, #tpu.memory_space<vmem>> -> memref<1x20000xi32, #tpu.memory_space<vmem>>
    %gather3A_408 = tpu.memref_squeeze %gather3A_407 : memref<1x20000xi32, #tpu.memory_space<vmem>> -> memref<20000xi32, #tpu.memory_space<vmem>>
    %gather3A_409 = tpu.vector_load_idx %gather3A_408[%mul3A_404] : memref<20000xi32, #tpu.memory_space<vmem>>[vector<16xi32>], vector<16xi32>,
    %parallel_loop3A_410 = arith.constant 0 : i32
    %parallel_loop3A_411 = arith.constant 1250 : i32
    %parallel_loop3A_412 = arith.constant 1 : i32
    %parallel_loop3A_413:2 = scf.for %parallel_loop3A_640 = %parallel_loop3A_410 to %parallel_loop3A_411 step %parallel_loop3A_412 iter_args(%parallel_loop3A_641 = %gather3A_409, %parallel_loop3A_642 = %broadcast_in_dim3A_3) -> (vector<16xi32>, vector<16xf32>)  : i32 {
      %parallel_loop3A_643 = vector.broadcast %parallel_loop3A_640 : i32 to vector<16xi32>
      %parallel_loop3A_644 = arith.addi %mul3A_404, %parallel_loop3A_643 : vector<16xi32>
      %parallel_loop3A_645 = arith.constant 0 : i32
      %parallel_loop3A_646 = arith.constant 0 : i32
      %parallel_loop3A_647 = tpu.memref_slice %arg6[%parallel_loop3A_645, %parallel_loop3A_646] : memref<2x20000xi32, #tpu.memory_space<vmem>> -> memref<1x20000xi32, #tpu.memory_space<vmem>>
      %parallel_loop3A_648 = tpu.memref_squeeze %parallel_loop3A_647 : memref<1x20000xi32, #tpu.memory_space<vmem>> -> memref<20000xi32, #tpu.memory_space<vmem>>
      %parallel_loop3A_649 = tpu.vector_load_idx %parallel_loop3A_648[%parallel_loop3A_644] : memref<20000xi32, #tpu.memory_space<vmem>>[vector<16xi32>], vector<16xi32>,
      %parallel_loop3A_650 = arith.constant 0 : i32
      %parallel_loop3A_651 = arith.constant 0 : i32
      %parallel_loop3A_652 = tpu.memref_slice %arg5[%parallel_loop3A_650, %parallel_loop3A_651] : memref<2x20000xf32, #tpu.memory_space<vmem>> -> memref<1x20000xf32, #tpu.memory_space<vmem>>
      %parallel_loop3A_653 = tpu.memref_squeeze %parallel_loop3A_652 : memref<1x20000xf32, #tpu.memory_space<vmem>> -> memref<20000xf32, #tpu.memory_space<vmem>>
      %parallel_loop3A_654 = tpu.vector_load_idx %parallel_loop3A_653[%parallel_loop3A_644] : memref<20000xf32, #tpu.memory_space<vmem>>[vector<16xi32>], vector<16xf32>,
      %parallel_loop3A_655 = arith.cmpi ne, %parallel_loop3A_649, %parallel_loop3A_641 : vector<16xi32>
      tpu.vector_store_idx %arg7[%parallel_loop3A_641], %parallel_loop3A_642 masked %parallel_loop3A_655 : memref<10240xf32, #tpu.memory_space<vmem>>[vector<16xi32>], vector<16xf32>, vector<16xi1>
      %parallel_loop3A_656 = arith.maximumf %parallel_loop3A_642, %parallel_loop3A_654 : vector<16xf32>
      %parallel_loop3A_657 = arith.select %parallel_loop3A_655, %parallel_loop3A_654, %parallel_loop3A_656 : vector<16xi1>, vector<16xf32>
      scf.yield %parallel_loop3A_649, %parallel_loop3A_657 : vector<16xi32>, vector<16xf32>
    } {sc.loop_unroll_factor = 5 : i64, sc.parallel_access}
    %swap3A_414 = arith.constant 96 : index
    %swap3A_415 = tpu.vector_load %arg8[%swap3A_414] {strides = array<i32>} : memref<176xi32, #tpu.memory_space<vmem>>, vector<16xi32>,
    tpu.vector_store %arg8[%swap3A_414], %parallel_loop3A_413#0 {strides = array<i32>} : memref<176xi32, #tpu.memory_space<vmem>>, vector<16xi32>,
    %swap3A_416 = arith.constant 96 : index
    %swap3A_417 = tpu.vector_load %arg9[%swap3A_416] {strides = array<i32>} : memref<176xf32, #tpu.memory_space<vmem>>, vector<16xf32>,
    tpu.vector_store %arg9[%swap3A_416], %parallel_loop3A_413#1 {strides = array<i32>} : memref<176xf32, #tpu.memory_space<vmem>>, vector<16xf32>,
    %add3A_418 = arith.constant 140000 : i32
    %add3A_419 = arith.addi %mul3A_2, %add3A_418 : i32
    %dma_start3A_420 = arith.constant 0 : i32
    %dma_start3A_421 = arith.constant 0 : i32
    %dma_start3A_422 = tpu.memref_slice %arg5[%dma_start3A_420, %dma_start3A_421] : memref<2x20000xf32, #tpu.memory_space<vmem>> -> memref<1x20000xf32, #tpu.memory_space<vmem>>
    %dma_start3A_423 = tpu.memref_squeeze %dma_start3A_422 : memref<1x20000xf32, #tpu.memory_space<vmem>> -> memref<20000xf32, #tpu.memory_space<vmem>>
    %dma_start3A_424 = tpu.memref_slice %arg2[%add3A_419] : memref<6400000xf32, #tpu.memory_space<hbm>> -> memref<20000xf32, #tpu.memory_space<hbm>>
    %dma_start3A_425 = arith.constant 0 : i32
    %dma_start3A_426 = tpu.memref_slice %arg5[%dma_start3A_420, %dma_start3A_425] : memref<2x20000xf32, #tpu.memory_space<vmem>> -> memref<1x20000xf32, #tpu.memory_space<vmem>>
    %dma_start3A_427 = tpu.memref_squeeze %dma_start3A_426 : memref<1x20000xf32, #tpu.memory_space<vmem>> -> memref<20000xf32, #tpu.memory_space<vmem>>
    %dma_start3A_428 = tpu.memref_slice %arg2[%add3A_419] : memref<6400000xf32, #tpu.memory_space<hbm>> -> memref<20000xf32, #tpu.memory_space<hbm>>
    tpu.enqueue_dma source(%dma_start3A_428 : memref<20000xf32, #tpu.memory_space<hbm>>) target(%dma_start3A_427 : memref<20000xf32, #tpu.memory_space<vmem>>) target_semaphore(%arg10 : memref<!tpu.dma_semaphore, #tpu.memory_space<semaphore_mem>>)
    %dma_start3A_429 = arith.constant 0 : i32
    %dma_start3A_430 = arith.constant 0 : i32
    %dma_start3A_431 = tpu.memref_slice %arg6[%dma_start3A_429, %dma_start3A_430] : memref<2x20000xi32, #tpu.memory_space<vmem>> -> memref<1x20000xi32, #tpu.memory_space<vmem>>
    %dma_start3A_432 = tpu.memref_squeeze %dma_start3A_431 : memref<1x20000xi32, #tpu.memory_space<vmem>> -> memref<20000xi32, #tpu.memory_space<vmem>>
    %dma_start3A_433 = tpu.memref_slice %arg3[%add3A_419] : memref<6400000xi32, #tpu.memory_space<hbm>> -> memref<20000xi32, #tpu.memory_space<hbm>>
    %dma_start3A_434 = arith.constant 0 : i32
    %dma_start3A_435 = tpu.memref_slice %arg6[%dma_start3A_429, %dma_start3A_434] : memref<2x20000xi32, #tpu.memory_space<vmem>> -> memref<1x20000xi32, #tpu.memory_space<vmem>>
    %dma_start3A_436 = tpu.memref_squeeze %dma_start3A_435 : memref<1x20000xi32, #tpu.memory_space<vmem>> -> memref<20000xi32, #tpu.memory_space<vmem>>
    %dma_start3A_437 = tpu.memref_slice %arg3[%add3A_419] : memref<6400000xi32, #tpu.memory_space<hbm>> -> memref<20000xi32, #tpu.memory_space<hbm>>
    tpu.enqueue_dma source(%dma_start3A_437 : memref<20000xi32, #tpu.memory_space<hbm>>) target(%dma_start3A_436 : memref<20000xi32, #tpu.memory_space<vmem>>) target_semaphore(%arg12 : memref<!tpu.dma_semaphore, #tpu.memory_space<semaphore_mem>>)
    %add3A_438 = arith.constant 120000 : i32
    %add3A_439 = arith.addi %mul3A_2, %add3A_438 : i32
    %dma_wait3A_440 = arith.constant 1 : i32
    %dma_wait3A_441 = arith.constant 0 : i32
    %dma_wait3A_442 = tpu.memref_slice %arg5[%dma_wait3A_440, %dma_wait3A_441] : memref<2x20000xf32, #tpu.memory_space<vmem>> -> memref<1x20000xf32, #tpu.memory_space<vmem>>
    %dma_wait3A_443 = tpu.memref_squeeze %dma_wait3A_442 : memref<1x20000xf32, #tpu.memory_space<vmem>> -> memref<20000xf32, #tpu.memory_space<vmem>>
    %dma_wait3A_444 = tpu.memref_slice %arg2[%add3A_439] : memref<6400000xf32, #tpu.memory_space<hbm>> -> memref<20000xf32, #tpu.memory_space<hbm>>
    %dma_wait3A_445 = arith.constant 0 : i32
    %dma_wait3A_446 = tpu.memref_slice %arg5[%dma_wait3A_440, %dma_wait3A_445] : memref<2x20000xf32, #tpu.memory_space<vmem>> -> memref<1x20000xf32, #tpu.memory_space<vmem>>
    %dma_wait3A_447 = tpu.memref_squeeze %dma_wait3A_446 : memref<1x20000xf32, #tpu.memory_space<vmem>> -> memref<20000xf32, #tpu.memory_space<vmem>>
    %dma_wait3A_448 = tpu.memref_slice %arg2[%add3A_439] : memref<6400000xf32, #tpu.memory_space<hbm>> -> memref<20000xf32, #tpu.memory_space<hbm>>
    tpu.wait_dma2 semaphore(%arg11 : memref<!tpu.dma_semaphore, #tpu.memory_space<semaphore_mem>>) src(%dma_wait3A_448 : memref<20000xf32, #tpu.memory_space<hbm>>) dst(%dma_wait3A_447 : memref<20000xf32, #tpu.memory_space<vmem>>)
    %dma_wait3A_449 = arith.constant 1 : i32
    %dma_wait3A_450 = arith.constant 0 : i32
    %dma_wait3A_451 = tpu.memref_slice %arg6[%dma_wait3A_449, %dma_wait3A_450] : memref<2x20000xi32, #tpu.memory_space<vmem>> -> memref<1x20000xi32, #tpu.memory_space<vmem>>
    %dma_wait3A_452 = tpu.memref_squeeze %dma_wait3A_451 : memref<1x20000xi32, #tpu.memory_space<vmem>> -> memref<20000xi32, #tpu.memory_space<vmem>>
    %dma_wait3A_453 = tpu.memref_slice %arg3[%add3A_439] : memref<6400000xi32, #tpu.memory_space<hbm>> -> memref<20000xi32, #tpu.memory_space<hbm>>
    %dma_wait3A_454 = arith.constant 0 : i32
    %dma_wait3A_455 = tpu.memref_slice %arg6[%dma_wait3A_449, %dma_wait3A_454] : memref<2x20000xi32, #tpu.memory_space<vmem>> -> memref<1x20000xi32, #tpu.memory_space<vmem>>
    %dma_wait3A_456 = tpu.memref_squeeze %dma_wait3A_455 : memref<1x20000xi32, #tpu.memory_space<vmem>> -> memref<20000xi32, #tpu.memory_space<vmem>>
    %dma_wait3A_457 = tpu.memref_slice %arg3[%add3A_439] : memref<6400000xi32, #tpu.memory_space<hbm>> -> memref<20000xi32, #tpu.memory_space<hbm>>
    tpu.wait_dma2 semaphore(%arg13 : memref<!tpu.dma_semaphore, #tpu.memory_space<semaphore_mem>>) src(%dma_wait3A_457 : memref<20000xi32, #tpu.memory_space<hbm>>) dst(%dma_wait3A_456 : memref<20000xi32, #tpu.memory_space<vmem>>)
    %mul3A_458 = arith.constant 1250 : i32
    %mul3A_459 = vector.broadcast %mul3A_458 : i32 to vector<16xi32>
    %mul3A_460 = arith.muli %iota3A, %mul3A_459 : vector<16xi32>
    %gather3A_461 = arith.constant 1 : i32
    %gather3A_462 = arith.constant 0 : i32
    %gather3A_463 = tpu.memref_slice %arg6[%gather3A_461, %gather3A_462] : memref<2x20000xi32, #tpu.memory_space<vmem>> -> memref<1x20000xi32, #tpu.memory_space<vmem>>
    %gather3A_464 = tpu.memref_squeeze %gather3A_463 : memref<1x20000xi32, #tpu.memory_space<vmem>> -> memref<20000xi32, #tpu.memory_space<vmem>>
    %gather3A_465 = tpu.vector_load_idx %gather3A_464[%mul3A_460] : memref<20000xi32, #tpu.memory_space<vmem>>[vector<16xi32>], vector<16xi32>,
    %parallel_loop3A_466 = arith.constant 0 : i32
    %parallel_loop3A_467 = arith.constant 1250 : i32
    %parallel_loop3A_468 = arith.constant 1 : i32
    %parallel_loop3A_469:2 = scf.for %parallel_loop3A_640 = %parallel_loop3A_466 to %parallel_loop3A_467 step %parallel_loop3A_468 iter_args(%parallel_loop3A_641 = %gather3A_465, %parallel_loop3A_642 = %broadcast_in_dim3A_3) -> (vector<16xi32>, vector<16xf32>)  : i32 {
      %parallel_loop3A_643 = vector.broadcast %parallel_loop3A_640 : i32 to vector<16xi32>
      %parallel_loop3A_644 = arith.addi %mul3A_460, %parallel_loop3A_643 : vector<16xi32>
      %parallel_loop3A_645 = arith.constant 1 : i32
      %parallel_loop3A_646 = arith.constant 0 : i32
      %parallel_loop3A_647 = tpu.memref_slice %arg6[%parallel_loop3A_645, %parallel_loop3A_646] : memref<2x20000xi32, #tpu.memory_space<vmem>> -> memref<1x20000xi32, #tpu.memory_space<vmem>>
      %parallel_loop3A_648 = tpu.memref_squeeze %parallel_loop3A_647 : memref<1x20000xi32, #tpu.memory_space<vmem>> -> memref<20000xi32, #tpu.memory_space<vmem>>
      %parallel_loop3A_649 = tpu.vector_load_idx %parallel_loop3A_648[%parallel_loop3A_644] : memref<20000xi32, #tpu.memory_space<vmem>>[vector<16xi32>], vector<16xi32>,
      %parallel_loop3A_650 = arith.constant 1 : i32
      %parallel_loop3A_651 = arith.constant 0 : i32
      %parallel_loop3A_652 = tpu.memref_slice %arg5[%parallel_loop3A_650, %parallel_loop3A_651] : memref<2x20000xf32, #tpu.memory_space<vmem>> -> memref<1x20000xf32, #tpu.memory_space<vmem>>
      %parallel_loop3A_653 = tpu.memref_squeeze %parallel_loop3A_652 : memref<1x20000xf32, #tpu.memory_space<vmem>> -> memref<20000xf32, #tpu.memory_space<vmem>>
      %parallel_loop3A_654 = tpu.vector_load_idx %parallel_loop3A_653[%parallel_loop3A_644] : memref<20000xf32, #tpu.memory_space<vmem>>[vector<16xi32>], vector<16xf32>,
      %parallel_loop3A_655 = arith.cmpi ne, %parallel_loop3A_649, %parallel_loop3A_641 : vector<16xi32>
      tpu.vector_store_idx %arg7[%parallel_loop3A_641], %parallel_loop3A_642 masked %parallel_loop3A_655 : memref<10240xf32, #tpu.memory_space<vmem>>[vector<16xi32>], vector<16xf32>, vector<16xi1>
      %parallel_loop3A_656 = arith.maximumf %parallel_loop3A_642, %parallel_loop3A_654 : vector<16xf32>
      %parallel_loop3A_657 = arith.select %parallel_loop3A_655, %parallel_loop3A_654, %parallel_loop3A_656 : vector<16xi1>, vector<16xf32>
      scf.yield %parallel_loop3A_649, %parallel_loop3A_657 : vector<16xi32>, vector<16xf32>
    } {sc.loop_unroll_factor = 5 : i64, sc.parallel_access}
    %swap3A_470 = arith.constant 112 : index
    %swap3A_471 = tpu.vector_load %arg8[%swap3A_470] {strides = array<i32>} : memref<176xi32, #tpu.memory_space<vmem>>, vector<16xi32>,
    tpu.vector_store %arg8[%swap3A_470], %parallel_loop3A_469#0 {strides = array<i32>} : memref<176xi32, #tpu.memory_space<vmem>>, vector<16xi32>,
    %swap3A_472 = arith.constant 112 : index
    %swap3A_473 = tpu.vector_load %arg9[%swap3A_472] {strides = array<i32>} : memref<176xf32, #tpu.memory_space<vmem>>, vector<16xf32>,
    tpu.vector_store %arg9[%swap3A_472], %parallel_loop3A_469#1 {strides = array<i32>} : memref<176xf32, #tpu.memory_space<vmem>>, vector<16xf32>,
    %add3A_474 = arith.constant 160000 : i32
    %add3A_475 = arith.addi %mul3A_2, %add3A_474 : i32
    %dma_start3A_476 = arith.constant 1 : i32
    %dma_start3A_477 = arith.constant 0 : i32
    %dma_start3A_478 = tpu.memref_slice %arg5[%dma_start3A_476, %dma_start3A_477] : memref<2x20000xf32, #tpu.memory_space<vmem>> -> memref<1x20000xf32, #tpu.memory_space<vmem>>
    %dma_start3A_479 = tpu.memref_squeeze %dma_start3A_478 : memref<1x20000xf32, #tpu.memory_space<vmem>> -> memref<20000xf32, #tpu.memory_space<vmem>>
    %dma_start3A_480 = tpu.memref_slice %arg2[%add3A_475] : memref<6400000xf32, #tpu.memory_space<hbm>> -> memref<20000xf32, #tpu.memory_space<hbm>>
    %dma_start3A_481 = arith.constant 0 : i32
    %dma_start3A_482 = tpu.memref_slice %arg5[%dma_start3A_476, %dma_start3A_481] : memref<2x20000xf32, #tpu.memory_space<vmem>> -> memref<1x20000xf32, #tpu.memory_space<vmem>>
    %dma_start3A_483 = tpu.memref_squeeze %dma_start3A_482 : memref<1x20000xf32, #tpu.memory_space<vmem>> -> memref<20000xf32, #tpu.memory_space<vmem>>
    %dma_start3A_484 = tpu.memref_slice %arg2[%add3A_475] : memref<6400000xf32, #tpu.memory_space<hbm>> -> memref<20000xf32, #tpu.memory_space<hbm>>
    tpu.enqueue_dma source(%dma_start3A_484 : memref<20000xf32, #tpu.memory_space<hbm>>) target(%dma_start3A_483 : memref<20000xf32, #tpu.memory_space<vmem>>) target_semaphore(%arg11 : memref<!tpu.dma_semaphore, #tpu.memory_space<semaphore_mem>>)
    %dma_start3A_485 = arith.constant 1 : i32
    %dma_start3A_486 = arith.constant 0 : i32
    %dma_start3A_487 = tpu.memref_slice %arg6[%dma_start3A_485, %dma_start3A_486] : memref<2x20000xi32, #tpu.memory_space<vmem>> -> memref<1x20000xi32, #tpu.memory_space<vmem>>
    %dma_start3A_488 = tpu.memref_squeeze %dma_start3A_487 : memref<1x20000xi32, #tpu.memory_space<vmem>> -> memref<20000xi32, #tpu.memory_space<vmem>>
    %dma_start3A_489 = tpu.memref_slice %arg3[%add3A_475] : memref<6400000xi32, #tpu.memory_space<hbm>> -> memref<20000xi32, #tpu.memory_space<hbm>>
    %dma_start3A_490 = arith.constant 0 : i32
    %dma_start3A_491 = tpu.memref_slice %arg6[%dma_start3A_485, %dma_start3A_490] : memref<2x20000xi32, #tpu.memory_space<vmem>> -> memref<1x20000xi32, #tpu.memory_space<vmem>>
    %dma_start3A_492 = tpu.memref_squeeze %dma_start3A_491 : memref<1x20000xi32, #tpu.memory_space<vmem>> -> memref<20000xi32, #tpu.memory_space<vmem>>
    %dma_start3A_493 = tpu.memref_slice %arg3[%add3A_475] : memref<6400000xi32, #tpu.memory_space<hbm>> -> memref<20000xi32, #tpu.memory_space<hbm>>
    tpu.enqueue_dma source(%dma_start3A_493 : memref<20000xi32, #tpu.memory_space<hbm>>) target(%dma_start3A_492 : memref<20000xi32, #tpu.memory_space<vmem>>) target_semaphore(%arg13 : memref<!tpu.dma_semaphore, #tpu.memory_space<semaphore_mem>>)
    %add3A_494 = arith.constant 140000 : i32
    %add3A_495 = arith.addi %mul3A_2, %add3A_494 : i32
    %dma_wait3A_496 = arith.constant 0 : i32
    %dma_wait3A_497 = arith.constant 0 : i32
    %dma_wait3A_498 = tpu.memref_slice %arg5[%dma_wait3A_496, %dma_wait3A_497] : memref<2x20000xf32, #tpu.memory_space<vmem>> -> memref<1x20000xf32, #tpu.memory_space<vmem>>
    %dma_wait3A_499 = tpu.memref_squeeze %dma_wait3A_498 : memref<1x20000xf32, #tpu.memory_space<vmem>> -> memref<20000xf32, #tpu.memory_space<vmem>>
    %dma_wait3A_500 = tpu.memref_slice %arg2[%add3A_495] : memref<6400000xf32, #tpu.memory_space<hbm>> -> memref<20000xf32, #tpu.memory_space<hbm>>
    %dma_wait3A_501 = arith.constant 0 : i32
    %dma_wait3A_502 = tpu.memref_slice %arg5[%dma_wait3A_496, %dma_wait3A_501] : memref<2x20000xf32, #tpu.memory_space<vmem>> -> memref<1x20000xf32, #tpu.memory_space<vmem>>
    %dma_wait3A_503 = tpu.memref_squeeze %dma_wait3A_502 : memref<1x20000xf32, #tpu.memory_space<vmem>> -> memref<20000xf32, #tpu.memory_space<vmem>>
    %dma_wait3A_504 = tpu.memref_slice %arg2[%add3A_495] : memref<6400000xf32, #tpu.memory_space<hbm>> -> memref<20000xf32, #tpu.memory_space<hbm>>
    tpu.wait_dma2 semaphore(%arg10 : memref<!tpu.dma_semaphore, #tpu.memory_space<semaphore_mem>>) src(%dma_wait3A_504 : memref<20000xf32, #tpu.memory_space<hbm>>) dst(%dma_wait3A_503 : memref<20000xf32, #tpu.memory_space<vmem>>)
    %dma_wait3A_505 = arith.constant 0 : i32
    %dma_wait3A_506 = arith.constant 0 : i32
    %dma_wait3A_507 = tpu.memref_slice %arg6[%dma_wait3A_505, %dma_wait3A_506] : memref<2x20000xi32, #tpu.memory_space<vmem>> -> memref<1x20000xi32, #tpu.memory_space<vmem>>
    %dma_wait3A_508 = tpu.memref_squeeze %dma_wait3A_507 : memref<1x20000xi32, #tpu.memory_space<vmem>> -> memref<20000xi32, #tpu.memory_space<vmem>>
    %dma_wait3A_509 = tpu.memref_slice %arg3[%add3A_495] : memref<6400000xi32, #tpu.memory_space<hbm>> -> memref<20000xi32, #tpu.memory_space<hbm>>
    %dma_wait3A_510 = arith.constant 0 : i32
    %dma_wait3A_511 = tpu.memref_slice %arg6[%dma_wait3A_505, %dma_wait3A_510] : memref<2x20000xi32, #tpu.memory_space<vmem>> -> memref<1x20000xi32, #tpu.memory_space<vmem>>
    %dma_wait3A_512 = tpu.memref_squeeze %dma_wait3A_511 : memref<1x20000xi32, #tpu.memory_space<vmem>> -> memref<20000xi32, #tpu.memory_space<vmem>>
    %dma_wait3A_513 = tpu.memref_slice %arg3[%add3A_495] : memref<6400000xi32, #tpu.memory_space<hbm>> -> memref<20000xi32, #tpu.memory_space<hbm>>
    tpu.wait_dma2 semaphore(%arg12 : memref<!tpu.dma_semaphore, #tpu.memory_space<semaphore_mem>>) src(%dma_wait3A_513 : memref<20000xi32, #tpu.memory_space<hbm>>) dst(%dma_wait3A_512 : memref<20000xi32, #tpu.memory_space<vmem>>)
    %mul3A_514 = arith.constant 1250 : i32
    %mul3A_515 = vector.broadcast %mul3A_514 : i32 to vector<16xi32>
    %mul3A_516 = arith.muli %iota3A, %mul3A_515 : vector<16xi32>
    %gather3A_517 = arith.constant 0 : i32
    %gather3A_518 = arith.constant 0 : i32
    %gather3A_519 = tpu.memref_slice %arg6[%gather3A_517, %gather3A_518] : memref<2x20000xi32, #tpu.memory_space<vmem>> -> memref<1x20000xi32, #tpu.memory_space<vmem>>
    %gather3A_520 = tpu.memref_squeeze %gather3A_519 : memref<1x20000xi32, #tpu.memory_space<vmem>> -> memref<20000xi32, #tpu.memory_space<vmem>>
    %gather3A_521 = tpu.vector_load_idx %gather3A_520[%mul3A_516] : memref<20000xi32, #tpu.memory_space<vmem>>[vector<16xi32>], vector<16xi32>,
    %parallel_loop3A_522 = arith.constant 0 : i32
    %parallel_loop3A_523 = arith.constant 1250 : i32
    %parallel_loop3A_524 = arith.constant 1 : i32
    %parallel_loop3A_525:2 = scf.for %parallel_loop3A_640 = %parallel_loop3A_522 to %parallel_loop3A_523 step %parallel_loop3A_524 iter_args(%parallel_loop3A_641 = %gather3A_521, %parallel_loop3A_642 = %broadcast_in_dim3A_3) -> (vector<16xi32>, vector<16xf32>)  : i32 {
      %parallel_loop3A_643 = vector.broadcast %parallel_loop3A_640 : i32 to vector<16xi32>
      %parallel_loop3A_644 = arith.addi %mul3A_516, %parallel_loop3A_643 : vector<16xi32>
      %parallel_loop3A_645 = arith.constant 0 : i32
      %parallel_loop3A_646 = arith.constant 0 : i32
      %parallel_loop3A_647 = tpu.memref_slice %arg6[%parallel_loop3A_645, %parallel_loop3A_646] : memref<2x20000xi32, #tpu.memory_space<vmem>> -> memref<1x20000xi32, #tpu.memory_space<vmem>>
      %parallel_loop3A_648 = tpu.memref_squeeze %parallel_loop3A_647 : memref<1x20000xi32, #tpu.memory_space<vmem>> -> memref<20000xi32, #tpu.memory_space<vmem>>
      %parallel_loop3A_649 = tpu.vector_load_idx %parallel_loop3A_648[%parallel_loop3A_644] : memref<20000xi32, #tpu.memory_space<vmem>>[vector<16xi32>], vector<16xi32>,
      %parallel_loop3A_650 = arith.constant 0 : i32
      %parallel_loop3A_651 = arith.constant 0 : i32
      %parallel_loop3A_652 = tpu.memref_slice %arg5[%parallel_loop3A_650, %parallel_loop3A_651] : memref<2x20000xf32, #tpu.memory_space<vmem>> -> memref<1x20000xf32, #tpu.memory_space<vmem>>
      %parallel_loop3A_653 = tpu.memref_squeeze %parallel_loop3A_652 : memref<1x20000xf32, #tpu.memory_space<vmem>> -> memref<20000xf32, #tpu.memory_space<vmem>>
      %parallel_loop3A_654 = tpu.vector_load_idx %parallel_loop3A_653[%parallel_loop3A_644] : memref<20000xf32, #tpu.memory_space<vmem>>[vector<16xi32>], vector<16xf32>,
      %parallel_loop3A_655 = arith.cmpi ne, %parallel_loop3A_649, %parallel_loop3A_641 : vector<16xi32>
      tpu.vector_store_idx %arg7[%parallel_loop3A_641], %parallel_loop3A_642 masked %parallel_loop3A_655 : memref<10240xf32, #tpu.memory_space<vmem>>[vector<16xi32>], vector<16xf32>, vector<16xi1>
      %parallel_loop3A_656 = arith.maximumf %parallel_loop3A_642, %parallel_loop3A_654 : vector<16xf32>
      %parallel_loop3A_657 = arith.select %parallel_loop3A_655, %parallel_loop3A_654, %parallel_loop3A_656 : vector<16xi1>, vector<16xf32>
      scf.yield %parallel_loop3A_649, %parallel_loop3A_657 : vector<16xi32>, vector<16xf32>
    } {sc.loop_unroll_factor = 5 : i64, sc.parallel_access}
    %swap3A_526 = arith.constant 128 : index
    %swap3A_527 = tpu.vector_load %arg8[%swap3A_526] {strides = array<i32>} : memref<176xi32, #tpu.memory_space<vmem>>, vector<16xi32>,
    tpu.vector_store %arg8[%swap3A_526], %parallel_loop3A_525#0 {strides = array<i32>} : memref<176xi32, #tpu.memory_space<vmem>>, vector<16xi32>,
    %swap3A_528 = arith.constant 128 : index
    %swap3A_529 = tpu.vector_load %arg9[%swap3A_528] {strides = array<i32>} : memref<176xf32, #tpu.memory_space<vmem>>, vector<16xf32>,
    tpu.vector_store %arg9[%swap3A_528], %parallel_loop3A_525#1 {strides = array<i32>} : memref<176xf32, #tpu.memory_space<vmem>>, vector<16xf32>,
    %add3A_530 = arith.constant 180000 : i32
    %add3A_531 = arith.addi %mul3A_2, %add3A_530 : i32
    %dma_start3A_532 = arith.constant 0 : i32
    %dma_start3A_533 = arith.constant 0 : i32
    %dma_start3A_534 = tpu.memref_slice %arg5[%dma_start3A_532, %dma_start3A_533] : memref<2x20000xf32, #tpu.memory_space<vmem>> -> memref<1x20000xf32, #tpu.memory_space<vmem>>
    %dma_start3A_535 = tpu.memref_squeeze %dma_start3A_534 : memref<1x20000xf32, #tpu.memory_space<vmem>> -> memref<20000xf32, #tpu.memory_space<vmem>>
    %dma_start3A_536 = tpu.memref_slice %arg2[%add3A_531] : memref<6400000xf32, #tpu.memory_space<hbm>> -> memref<20000xf32, #tpu.memory_space<hbm>>
    %dma_start3A_537 = arith.constant 0 : i32
    %dma_start3A_538 = tpu.memref_slice %arg5[%dma_start3A_532, %dma_start3A_537] : memref<2x20000xf32, #tpu.memory_space<vmem>> -> memref<1x20000xf32, #tpu.memory_space<vmem>>
    %dma_start3A_539 = tpu.memref_squeeze %dma_start3A_538 : memref<1x20000xf32, #tpu.memory_space<vmem>> -> memref<20000xf32, #tpu.memory_space<vmem>>
    %dma_start3A_540 = tpu.memref_slice %arg2[%add3A_531] : memref<6400000xf32, #tpu.memory_space<hbm>> -> memref<20000xf32, #tpu.memory_space<hbm>>
    tpu.enqueue_dma source(%dma_start3A_540 : memref<20000xf32, #tpu.memory_space<hbm>>) target(%dma_start3A_539 : memref<20000xf32, #tpu.memory_space<vmem>>) target_semaphore(%arg10 : memref<!tpu.dma_semaphore, #tpu.memory_space<semaphore_mem>>)
    %dma_start3A_541 = arith.constant 0 : i32
    %dma_start3A_542 = arith.constant 0 : i32
    %dma_start3A_543 = tpu.memref_slice %arg6[%dma_start3A_541, %dma_start3A_542] : memref<2x20000xi32, #tpu.memory_space<vmem>> -> memref<1x20000xi32, #tpu.memory_space<vmem>>
    %dma_start3A_544 = tpu.memref_squeeze %dma_start3A_543 : memref<1x20000xi32, #tpu.memory_space<vmem>> -> memref<20000xi32, #tpu.memory_space<vmem>>
    %dma_start3A_545 = tpu.memref_slice %arg3[%add3A_531] : memref<6400000xi32, #tpu.memory_space<hbm>> -> memref<20000xi32, #tpu.memory_space<hbm>>
    %dma_start3A_546 = arith.constant 0 : i32
    %dma_start3A_547 = tpu.memref_slice %arg6[%dma_start3A_541, %dma_start3A_546] : memref<2x20000xi32, #tpu.memory_space<vmem>> -> memref<1x20000xi32, #tpu.memory_space<vmem>>
    %dma_start3A_548 = tpu.memref_squeeze %dma_start3A_547 : memref<1x20000xi32, #tpu.memory_space<vmem>> -> memref<20000xi32, #tpu.memory_space<vmem>>
    %dma_start3A_549 = tpu.memref_slice %arg3[%add3A_531] : memref<6400000xi32, #tpu.memory_space<hbm>> -> memref<20000xi32, #tpu.memory_space<hbm>>
    tpu.enqueue_dma source(%dma_start3A_549 : memref<20000xi32, #tpu.memory_space<hbm>>) target(%dma_start3A_548 : memref<20000xi32, #tpu.memory_space<vmem>>) target_semaphore(%arg12 : memref<!tpu.dma_semaphore, #tpu.memory_space<semaphore_mem>>)
    %add3A_550 = arith.constant 160000 : i32
    %add3A_551 = arith.addi %mul3A_2, %add3A_550 : i32
    %dma_wait3A_552 = arith.constant 1 : i32
    %dma_wait3A_553 = arith.constant 0 : i32
    %dma_wait3A_554 = tpu.memref_slice %arg5[%dma_wait3A_552, %dma_wait3A_553] : memref<2x20000xf32, #tpu.memory_space<vmem>> -> memref<1x20000xf32, #tpu.memory_space<vmem>>
    %dma_wait3A_555 = tpu.memref_squeeze %dma_wait3A_554 : memref<1x20000xf32, #tpu.memory_space<vmem>> -> memref<20000xf32, #tpu.memory_space<vmem>>
    %dma_wait3A_556 = tpu.memref_slice %arg2[%add3A_551] : memref<6400000xf32, #tpu.memory_space<hbm>> -> memref<20000xf32, #tpu.memory_space<hbm>>
    %dma_wait3A_557 = arith.constant 0 : i32
    %dma_wait3A_558 = tpu.memref_slice %arg5[%dma_wait3A_552, %dma_wait3A_557] : memref<2x20000xf32, #tpu.memory_space<vmem>> -> memref<1x20000xf32, #tpu.memory_space<vmem>>
    %dma_wait3A_559 = tpu.memref_squeeze %dma_wait3A_558 : memref<1x20000xf32, #tpu.memory_space<vmem>> -> memref<20000xf32, #tpu.memory_space<vmem>>
    %dma_wait3A_560 = tpu.memref_slice %arg2[%add3A_551] : memref<6400000xf32, #tpu.memory_space<hbm>> -> memref<20000xf32, #tpu.memory_space<hbm>>
    tpu.wait_dma2 semaphore(%arg11 : memref<!tpu.dma_semaphore, #tpu.memory_space<semaphore_mem>>) src(%dma_wait3A_560 : memref<20000xf32, #tpu.memory_space<hbm>>) dst(%dma_wait3A_559 : memref<20000xf32, #tpu.memory_space<vmem>>)
    %dma_wait3A_561 = arith.constant 1 : i32
    %dma_wait3A_562 = arith.constant 0 : i32
    %dma_wait3A_563 = tpu.memref_slice %arg6[%dma_wait3A_561, %dma_wait3A_562] : memref<2x20000xi32, #tpu.memory_space<vmem>> -> memref<1x20000xi32, #tpu.memory_space<vmem>>
    %dma_wait3A_564 = tpu.memref_squeeze %dma_wait3A_563 : memref<1x20000xi32, #tpu.memory_space<vmem>> -> memref<20000xi32, #tpu.memory_space<vmem>>
    %dma_wait3A_565 = tpu.memref_slice %arg3[%add3A_551] : memref<6400000xi32, #tpu.memory_space<hbm>> -> memref<20000xi32, #tpu.memory_space<hbm>>
    %dma_wait3A_566 = arith.constant 0 : i32
    %dma_wait3A_567 = tpu.memref_slice %arg6[%dma_wait3A_561, %dma_wait3A_566] : memref<2x20000xi32, #tpu.memory_space<vmem>> -> memref<1x20000xi32, #tpu.memory_space<vmem>>
    %dma_wait3A_568 = tpu.memref_squeeze %dma_wait3A_567 : memref<1x20000xi32, #tpu.memory_space<vmem>> -> memref<20000xi32, #tpu.memory_space<vmem>>
    %dma_wait3A_569 = tpu.memref_slice %arg3[%add3A_551] : memref<6400000xi32, #tpu.memory_space<hbm>> -> memref<20000xi32, #tpu.memory_space<hbm>>
    tpu.wait_dma2 semaphore(%arg13 : memref<!tpu.dma_semaphore, #tpu.memory_space<semaphore_mem>>) src(%dma_wait3A_569 : memref<20000xi32, #tpu.memory_space<hbm>>) dst(%dma_wait3A_568 : memref<20000xi32, #tpu.memory_space<vmem>>)
    %mul3A_570 = arith.constant 1250 : i32
    %mul3A_571 = vector.broadcast %mul3A_570 : i32 to vector<16xi32>
    %mul3A_572 = arith.muli %iota3A, %mul3A_571 : vector<16xi32>
    %gather3A_573 = arith.constant 1 : i32
    %gather3A_574 = arith.constant 0 : i32
    %gather3A_575 = tpu.memref_slice %arg6[%gather3A_573, %gather3A_574] : memref<2x20000xi32, #tpu.memory_space<vmem>> -> memref<1x20000xi32, #tpu.memory_space<vmem>>
    %gather3A_576 = tpu.memref_squeeze %gather3A_575 : memref<1x20000xi32, #tpu.memory_space<vmem>> -> memref<20000xi32, #tpu.memory_space<vmem>>
    %gather3A_577 = tpu.vector_load_idx %gather3A_576[%mul3A_572] : memref<20000xi32, #tpu.memory_space<vmem>>[vector<16xi32>], vector<16xi32>,
    %parallel_loop3A_578 = arith.constant 0 : i32
    %parallel_loop3A_579 = arith.constant 1250 : i32
    %parallel_loop3A_580 = arith.constant 1 : i32
    %parallel_loop3A_581:2 = scf.for %parallel_loop3A_640 = %parallel_loop3A_578 to %parallel_loop3A_579 step %parallel_loop3A_580 iter_args(%parallel_loop3A_641 = %gather3A_577, %parallel_loop3A_642 = %broadcast_in_dim3A_3) -> (vector<16xi32>, vector<16xf32>)  : i32 {
      %parallel_loop3A_643 = vector.broadcast %parallel_loop3A_640 : i32 to vector<16xi32>
      %parallel_loop3A_644 = arith.addi %mul3A_572, %parallel_loop3A_643 : vector<16xi32>
      %parallel_loop3A_645 = arith.constant 1 : i32
      %parallel_loop3A_646 = arith.constant 0 : i32
      %parallel_loop3A_647 = tpu.memref_slice %arg6[%parallel_loop3A_645, %parallel_loop3A_646] : memref<2x20000xi32, #tpu.memory_space<vmem>> -> memref<1x20000xi32, #tpu.memory_space<vmem>>
      %parallel_loop3A_648 = tpu.memref_squeeze %parallel_loop3A_647 : memref<1x20000xi32, #tpu.memory_space<vmem>> -> memref<20000xi32, #tpu.memory_space<vmem>>
      %parallel_loop3A_649 = tpu.vector_load_idx %parallel_loop3A_648[%parallel_loop3A_644] : memref<20000xi32, #tpu.memory_space<vmem>>[vector<16xi32>], vector<16xi32>,
      %parallel_loop3A_650 = arith.constant 1 : i32
      %parallel_loop3A_651 = arith.constant 0 : i32
      %parallel_loop3A_652 = tpu.memref_slice %arg5[%parallel_loop3A_650, %parallel_loop3A_651] : memref<2x20000xf32, #tpu.memory_space<vmem>> -> memref<1x20000xf32, #tpu.memory_space<vmem>>
      %parallel_loop3A_653 = tpu.memref_squeeze %parallel_loop3A_652 : memref<1x20000xf32, #tpu.memory_space<vmem>> -> memref<20000xf32, #tpu.memory_space<vmem>>
      %parallel_loop3A_654 = tpu.vector_load_idx %parallel_loop3A_653[%parallel_loop3A_644] : memref<20000xf32, #tpu.memory_space<vmem>>[vector<16xi32>], vector<16xf32>,
      %parallel_loop3A_655 = arith.cmpi ne, %parallel_loop3A_649, %parallel_loop3A_641 : vector<16xi32>
      tpu.vector_store_idx %arg7[%parallel_loop3A_641], %parallel_loop3A_642 masked %parallel_loop3A_655 : memref<10240xf32, #tpu.memory_space<vmem>>[vector<16xi32>], vector<16xf32>, vector<16xi1>
      %parallel_loop3A_656 = arith.maximumf %parallel_loop3A_642, %parallel_loop3A_654 : vector<16xf32>
      %parallel_loop3A_657 = arith.select %parallel_loop3A_655, %parallel_loop3A_654, %parallel_loop3A_656 : vector<16xi1>, vector<16xf32>
      scf.yield %parallel_loop3A_649, %parallel_loop3A_657 : vector<16xi32>, vector<16xf32>
    } {sc.loop_unroll_factor = 5 : i64, sc.parallel_access}
    %swap3A_582 = arith.constant 144 : index
    %swap3A_583 = tpu.vector_load %arg8[%swap3A_582] {strides = array<i32>} : memref<176xi32, #tpu.memory_space<vmem>>, vector<16xi32>,
    tpu.vector_store %arg8[%swap3A_582], %parallel_loop3A_581#0 {strides = array<i32>} : memref<176xi32, #tpu.memory_space<vmem>>, vector<16xi32>,
    %swap3A_584 = arith.constant 144 : index
    %swap3A_585 = tpu.vector_load %arg9[%swap3A_584] {strides = array<i32>} : memref<176xf32, #tpu.memory_space<vmem>>, vector<16xf32>,
    tpu.vector_store %arg9[%swap3A_584], %parallel_loop3A_581#1 {strides = array<i32>} : memref<176xf32, #tpu.memory_space<vmem>>, vector<16xf32>,
    %add3A_586 = arith.constant 180000 : i32
    %add3A_587 = arith.addi %mul3A_2, %add3A_586 : i32
    %dma_wait3A_588 = arith.constant 0 : i32
    %dma_wait3A_589 = arith.constant 0 : i32
    %dma_wait3A_590 = tpu.memref_slice %arg5[%dma_wait3A_588, %dma_wait3A_589] : memref<2x20000xf32, #tpu.memory_space<vmem>> -> memref<1x20000xf32, #tpu.memory_space<vmem>>
    %dma_wait3A_591 = tpu.memref_squeeze %dma_wait3A_590 : memref<1x20000xf32, #tpu.memory_space<vmem>> -> memref<20000xf32, #tpu.memory_space<vmem>>
    %dma_wait3A_592 = tpu.memref_slice %arg2[%add3A_587] : memref<6400000xf32, #tpu.memory_space<hbm>> -> memref<20000xf32, #tpu.memory_space<hbm>>
    %dma_wait3A_593 = arith.constant 0 : i32
    %dma_wait3A_594 = tpu.memref_slice %arg5[%dma_wait3A_588, %dma_wait3A_593] : memref<2x20000xf32, #tpu.memory_space<vmem>> -> memref<1x20000xf32, #tpu.memory_space<vmem>>
    %dma_wait3A_595 = tpu.memref_squeeze %dma_wait3A_594 : memref<1x20000xf32, #tpu.memory_space<vmem>> -> memref<20000xf32, #tpu.memory_space<vmem>>
    %dma_wait3A_596 = tpu.memref_slice %arg2[%add3A_587] : memref<6400000xf32, #tpu.memory_space<hbm>> -> memref<20000xf32, #tpu.memory_space<hbm>>
    tpu.wait_dma2 semaphore(%arg10 : memref<!tpu.dma_semaphore, #tpu.memory_space<semaphore_mem>>) src(%dma_wait3A_596 : memref<20000xf32, #tpu.memory_space<hbm>>) dst(%dma_wait3A_595 : memref<20000xf32, #tpu.memory_space<vmem>>)
    %dma_wait3A_597 = arith.constant 0 : i32
    %dma_wait3A_598 = arith.constant 0 : i32
    %dma_wait3A_599 = tpu.memref_slice %arg6[%dma_wait3A_597, %dma_wait3A_598] : memref<2x20000xi32, #tpu.memory_space<vmem>> -> memref<1x20000xi32, #tpu.memory_space<vmem>>
    %dma_wait3A_600 = tpu.memref_squeeze %dma_wait3A_599 : memref<1x20000xi32, #tpu.memory_space<vmem>> -> memref<20000xi32, #tpu.memory_space<vmem>>
    %dma_wait3A_601 = tpu.memref_slice %arg3[%add3A_587] : memref<6400000xi32, #tpu.memory_space<hbm>> -> memref<20000xi32, #tpu.memory_space<hbm>>
    %dma_wait3A_602 = arith.constant 0 : i32
    %dma_wait3A_603 = tpu.memref_slice %arg6[%dma_wait3A_597, %dma_wait3A_602] : memref<2x20000xi32, #tpu.memory_space<vmem>> -> memref<1x20000xi32, #tpu.memory_space<vmem>>
    %dma_wait3A_604 = tpu.memref_squeeze %dma_wait3A_603 : memref<1x20000xi32, #tpu.memory_space<vmem>> -> memref<20000xi32, #tpu.memory_space<vmem>>
    %dma_wait3A_605 = tpu.memref_slice %arg3[%add3A_587] : memref<6400000xi32, #tpu.memory_space<hbm>> -> memref<20000xi32, #tpu.memory_space<hbm>>
    tpu.wait_dma2 semaphore(%arg12 : memref<!tpu.dma_semaphore, #tpu.memory_space<semaphore_mem>>) src(%dma_wait3A_605 : memref<20000xi32, #tpu.memory_space<hbm>>) dst(%dma_wait3A_604 : memref<20000xi32, #tpu.memory_space<vmem>>)
    %mul3A_606 = arith.constant 1250 : i32
    %mul3A_607 = vector.broadcast %mul3A_606 : i32 to vector<16xi32>
    %mul3A_608 = arith.muli %iota3A, %mul3A_607 : vector<16xi32>
    %gather3A_609 = arith.constant 0 : i32
    %gather3A_610 = arith.constant 0 : i32
    %gather3A_611 = tpu.memref_slice %arg6[%gather3A_609, %gather3A_610] : memref<2x20000xi32, #tpu.memory_space<vmem>> -> memref<1x20000xi32, #tpu.memory_space<vmem>>
    %gather3A_612 = tpu.memref_squeeze %gather3A_611 : memref<1x20000xi32, #tpu.memory_space<vmem>> -> memref<20000xi32, #tpu.memory_space<vmem>>
    %gather3A_613 = tpu.vector_load_idx %gather3A_612[%mul3A_608] : memref<20000xi32, #tpu.memory_space<vmem>>[vector<16xi32>], vector<16xi32>,
    %parallel_loop3A_614 = arith.constant 0 : i32
    %parallel_loop3A_615 = arith.constant 1250 : i32
    %parallel_loop3A_616 = arith.constant 1 : i32
    %parallel_loop3A_617:2 = scf.for %parallel_loop3A_640 = %parallel_loop3A_614 to %parallel_loop3A_615 step %parallel_loop3A_616 iter_args(%parallel_loop3A_641 = %gather3A_613, %parallel_loop3A_642 = %broadcast_in_dim3A_3) -> (vector<16xi32>, vector<16xf32>)  : i32 {
      %parallel_loop3A_643 = vector.broadcast %parallel_loop3A_640 : i32 to vector<16xi32>
      %parallel_loop3A_644 = arith.addi %mul3A_608, %parallel_loop3A_643 : vector<16xi32>
      %parallel_loop3A_645 = arith.constant 0 : i32
      %parallel_loop3A_646 = arith.constant 0 : i32
      %parallel_loop3A_647 = tpu.memref_slice %arg6[%parallel_loop3A_645, %parallel_loop3A_646] : memref<2x20000xi32, #tpu.memory_space<vmem>> -> memref<1x20000xi32, #tpu.memory_space<vmem>>
      %parallel_loop3A_648 = tpu.memref_squeeze %parallel_loop3A_647 : memref<1x20000xi32, #tpu.memory_space<vmem>> -> memref<20000xi32, #tpu.memory_space<vmem>>
      %parallel_loop3A_649 = tpu.vector_load_idx %parallel_loop3A_648[%parallel_loop3A_644] : memref<20000xi32, #tpu.memory_space<vmem>>[vector<16xi32>], vector<16xi32>,
      %parallel_loop3A_650 = arith.constant 0 : i32
      %parallel_loop3A_651 = arith.constant 0 : i32
      %parallel_loop3A_652 = tpu.memref_slice %arg5[%parallel_loop3A_650, %parallel_loop3A_651] : memref<2x20000xf32, #tpu.memory_space<vmem>> -> memref<1x20000xf32, #tpu.memory_space<vmem>>
      %parallel_loop3A_653 = tpu.memref_squeeze %parallel_loop3A_652 : memref<1x20000xf32, #tpu.memory_space<vmem>> -> memref<20000xf32, #tpu.memory_space<vmem>>
      %parallel_loop3A_654 = tpu.vector_load_idx %parallel_loop3A_653[%parallel_loop3A_644] : memref<20000xf32, #tpu.memory_space<vmem>>[vector<16xi32>], vector<16xf32>,
      %parallel_loop3A_655 = arith.cmpi ne, %parallel_loop3A_649, %parallel_loop3A_641 : vector<16xi32>
      tpu.vector_store_idx %arg7[%parallel_loop3A_641], %parallel_loop3A_642 masked %parallel_loop3A_655 : memref<10240xf32, #tpu.memory_space<vmem>>[vector<16xi32>], vector<16xf32>, vector<16xi1>
      %parallel_loop3A_656 = arith.maximumf %parallel_loop3A_642, %parallel_loop3A_654 : vector<16xf32>
      %parallel_loop3A_657 = arith.select %parallel_loop3A_655, %parallel_loop3A_654, %parallel_loop3A_656 : vector<16xi1>, vector<16xf32>
      scf.yield %parallel_loop3A_649, %parallel_loop3A_657 : vector<16xi32>, vector<16xf32>
    } {sc.loop_unroll_factor = 5 : i64, sc.parallel_access}
    %swap3A_618 = arith.constant 160 : index
    %swap3A_619 = tpu.vector_load %arg8[%swap3A_618] {strides = array<i32>} : memref<176xi32, #tpu.memory_space<vmem>>, vector<16xi32>,
    tpu.vector_store %arg8[%swap3A_618], %parallel_loop3A_617#0 {strides = array<i32>} : memref<176xi32, #tpu.memory_space<vmem>>, vector<16xi32>,
    %swap3A_620 = arith.constant 160 : index
    %swap3A_621 = tpu.vector_load %arg9[%swap3A_620] {strides = array<i32>} : memref<176xf32, #tpu.memory_space<vmem>>, vector<16xf32>,
    tpu.vector_store %arg9[%swap3A_620], %parallel_loop3A_617#1 {strides = array<i32>} : memref<176xf32, #tpu.memory_space<vmem>>, vector<16xf32>,
    %scan3A_622 = arith.constant 0 : i32
    %scan3A_623 = arith.constant 0 : i32
    %scan3A_624 = arith.constant 11 : i32
    %scan3A_625 = arith.addi %scan3A_623, %scan3A_624 : i32
    %scan3A_626 = arith.constant 1 : i32
    scf.for %scan3A_640 = %scan3A_623 to %scan3A_625 step %scan3A_626  : i32 {
      %mul3A_641 = arith.constant 16 : i32
      %mul3A_642 = arith.muli %scan3A_640, %mul3A_641 : i32
      %get3A = arith.index_cast %mul3A_642 : i32 to index
      %get3A_643 = tpu.vector_load %arg8[%get3A] {strides = array<i32>} : memref<176xi32, #tpu.memory_space<vmem>>, vector<16xi32>,
      %mul3A_644 = arith.constant 16 : i32
      %mul3A_645 = arith.muli %scan3A_640, %mul3A_644 : i32
      %get3A_646 = arith.index_cast %mul3A_645 : i32 to index
      %get3A_647 = tpu.vector_load %arg9[%get3A_646] {strides = array<i32>} : memref<176xf32, #tpu.memory_space<vmem>>, vector<16xf32>,
      %sub3A = arith.constant 1 : i32
      %sub3A_648 = vector.broadcast %sub3A : i32 to vector<16xi32>
      %sub3A_649 = arith.subi %iota3A, %sub3A_648 : vector<16xi32>
      %max3A = arith.constant 0 : i32
      %max3A_650 = vector.broadcast %max3A : i32 to vector<16xi32>
      %max3A_651 = arith.maxsi %sub3A_649, %max3A_650 : vector<16xi32>
      %lt3A = arith.constant 0 : i32
      %lt3A_652 = vector.broadcast %lt3A : i32 to vector<16xi32>
      %lt3A_653 = arith.cmpi slt, %max3A_651, %lt3A_652 : vector<16xi32>
      %add3A_654 = arith.constant 16 : i32
      %add3A_655 = vector.broadcast %add3A_654 : i32 to vector<16xi32>
      %add3A_656 = arith.addi %max3A_651, %add3A_655 : vector<16xi32>
      %select_n3A = arith.select %lt3A_653, %add3A_656, %max3A_651 : vector<16xi1>, vector<16xi32>
      %reshape3A = vector.shape_cast %select_n3A : vector<16xi32> to vector<16x1xi32>
      %gather3A_657 = vector.shape_cast %reshape3A : vector<16x1xi32> to vector<16xi32>
      %gather3A_658 = tpu.dynamic_gather %get3A_643[%gather3A_657] in [0] : vector<16xi32>, vector<16xi32> -> vector<16xi32>
      %lt3A_659 = arith.constant 0 : i32
      %lt3A_660 = vector.broadcast %lt3A_659 : i32 to vector<16xi32>
      %lt3A_661 = arith.cmpi slt, %max3A_651, %lt3A_660 : vector<16xi32>
      %add3A_662 = arith.constant 16 : i32
      %add3A_663 = vector.broadcast %add3A_662 : i32 to vector<16xi32>
      %add3A_664 = arith.addi %max3A_651, %add3A_663 : vector<16xi32>
      %select_n3A_665 = arith.select %lt3A_661, %add3A_664, %max3A_651 : vector<16xi1>, vector<16xi32>
      %reshape3A_666 = vector.shape_cast %select_n3A_665 : vector<16xi32> to vector<16x1xi32>
      %gather3A_667 = vector.shape_cast %reshape3A_666 : vector<16x1xi32> to vector<16xi32>
      %gather3A_668 = tpu.dynamic_gather %get3A_647[%gather3A_667] in [0] : vector<16xf32>, vector<16xi32> -> vector<16xf32>
      %eq3A = arith.cmpi eq, %get3A_643, %gather3A_658 : vector<16xi32>
      %max3A_669 = arith.maximumf %get3A_647, %gather3A_668 : vector<16xf32>
      %select_n3A_670 = arith.select %eq3A, %max3A_669, %get3A_647 : vector<16xi1>, vector<16xf32>
      %sub3A_671 = arith.constant 2 : i32
      %sub3A_672 = vector.broadcast %sub3A_671 : i32 to vector<16xi32>
      %sub3A_673 = arith.subi %iota3A, %sub3A_672 : vector<16xi32>
      %max3A_674 = arith.constant 0 : i32
      %max3A_675 = vector.broadcast %max3A_674 : i32 to vector<16xi32>
      %max3A_676 = arith.maxsi %sub3A_673, %max3A_675 : vector<16xi32>
      %lt3A_677 = arith.constant 0 : i32
      %lt3A_678 = vector.broadcast %lt3A_677 : i32 to vector<16xi32>
      %lt3A_679 = arith.cmpi slt, %max3A_676, %lt3A_678 : vector<16xi32>
      %add3A_680 = arith.constant 16 : i32
      %add3A_681 = vector.broadcast %add3A_680 : i32 to vector<16xi32>
      %add3A_682 = arith.addi %max3A_676, %add3A_681 : vector<16xi32>
      %select_n3A_683 = arith.select %lt3A_679, %add3A_682, %max3A_676 : vector<16xi1>, vector<16xi32>
      %reshape3A_684 = vector.shape_cast %select_n3A_683 : vector<16xi32> to vector<16x1xi32>
      %gather3A_685 = vector.shape_cast %reshape3A_684 : vector<16x1xi32> to vector<16xi32>
      %gather3A_686 = tpu.dynamic_gather %get3A_643[%gather3A_685] in [0] : vector<16xi32>, vector<16xi32> -> vector<16xi32>
      %lt3A_687 = arith.constant 0 : i32
      %lt3A_688 = vector.broadcast %lt3A_687 : i32 to vector<16xi32>
      %lt3A_689 = arith.cmpi slt, %max3A_676, %lt3A_688 : vector<16xi32>
      %add3A_690 = arith.constant 16 : i32
      %add3A_691 = vector.broadcast %add3A_690 : i32 to vector<16xi32>
      %add3A_692 = arith.addi %max3A_676, %add3A_691 : vector<16xi32>
      %select_n3A_693 = arith.select %lt3A_689, %add3A_692, %max3A_676 : vector<16xi1>, vector<16xi32>
      %reshape3A_694 = vector.shape_cast %select_n3A_693 : vector<16xi32> to vector<16x1xi32>
      %gather3A_695 = vector.shape_cast %reshape3A_694 : vector<16x1xi32> to vector<16xi32>
      %gather3A_696 = tpu.dynamic_gather %select_n3A_670[%gather3A_695] in [0] : vector<16xf32>, vector<16xi32> -> vector<16xf32>
      %eq3A_697 = arith.cmpi eq, %get3A_643, %gather3A_686 : vector<16xi32>
      %max3A_698 = arith.maximumf %select_n3A_670, %gather3A_696 : vector<16xf32>
      %select_n3A_699 = arith.select %eq3A_697, %max3A_698, %select_n3A_670 : vector<16xi1>, vector<16xf32>
      %sub3A_700 = arith.constant 4 : i32
      %sub3A_701 = vector.broadcast %sub3A_700 : i32 to vector<16xi32>
      %sub3A_702 = arith.subi %iota3A, %sub3A_701 : vector<16xi32>
      %max3A_703 = arith.constant 0 : i32
      %max3A_704 = vector.broadcast %max3A_703 : i32 to vector<16xi32>
      %max3A_705 = arith.maxsi %sub3A_702, %max3A_704 : vector<16xi32>
      %lt3A_706 = arith.constant 0 : i32
      %lt3A_707 = vector.broadcast %lt3A_706 : i32 to vector<16xi32>
      %lt3A_708 = arith.cmpi slt, %max3A_705, %lt3A_707 : vector<16xi32>
      %add3A_709 = arith.constant 16 : i32
      %add3A_710 = vector.broadcast %add3A_709 : i32 to vector<16xi32>
      %add3A_711 = arith.addi %max3A_705, %add3A_710 : vector<16xi32>
      %select_n3A_712 = arith.select %lt3A_708, %add3A_711, %max3A_705 : vector<16xi1>, vector<16xi32>
      %reshape3A_713 = vector.shape_cast %select_n3A_712 : vector<16xi32> to vector<16x1xi32>
      %gather3A_714 = vector.shape_cast %reshape3A_713 : vector<16x1xi32> to vector<16xi32>
      %gather3A_715 = tpu.dynamic_gather %get3A_643[%gather3A_714] in [0] : vector<16xi32>, vector<16xi32> -> vector<16xi32>
      %lt3A_716 = arith.constant 0 : i32
      %lt3A_717 = vector.broadcast %lt3A_716 : i32 to vector<16xi32>
      %lt3A_718 = arith.cmpi slt, %max3A_705, %lt3A_717 : vector<16xi32>
      %add3A_719 = arith.constant 16 : i32
      %add3A_720 = vector.broadcast %add3A_719 : i32 to vector<16xi32>
      %add3A_721 = arith.addi %max3A_705, %add3A_720 : vector<16xi32>
      %select_n3A_722 = arith.select %lt3A_718, %add3A_721, %max3A_705 : vector<16xi1>, vector<16xi32>
      %reshape3A_723 = vector.shape_cast %select_n3A_722 : vector<16xi32> to vector<16x1xi32>
      %gather3A_724 = vector.shape_cast %reshape3A_723 : vector<16x1xi32> to vector<16xi32>
      %gather3A_725 = tpu.dynamic_gather %select_n3A_699[%gather3A_724] in [0] : vector<16xf32>, vector<16xi32> -> vector<16xf32>
      %eq3A_726 = arith.cmpi eq, %get3A_643, %gather3A_715 : vector<16xi32>
      %max3A_727 = arith.maximumf %select_n3A_699, %gather3A_725 : vector<16xf32>
      %select_n3A_728 = arith.select %eq3A_726, %max3A_727, %select_n3A_699 : vector<16xi1>, vector<16xf32>
      %sub3A_729 = arith.constant 8 : i32
      %sub3A_730 = vector.broadcast %sub3A_729 : i32 to vector<16xi32>
      %sub3A_731 = arith.subi %iota3A, %sub3A_730 : vector<16xi32>
      %max3A_732 = arith.constant 0 : i32
      %max3A_733 = vector.broadcast %max3A_732 : i32 to vector<16xi32>
      %max3A_734 = arith.maxsi %sub3A_731, %max3A_733 : vector<16xi32>
      %lt3A_735 = arith.constant 0 : i32
      %lt3A_736 = vector.broadcast %lt3A_735 : i32 to vector<16xi32>
      %lt3A_737 = arith.cmpi slt, %max3A_734, %lt3A_736 : vector<16xi32>
      %add3A_738 = arith.constant 16 : i32
      %add3A_739 = vector.broadcast %add3A_738 : i32 to vector<16xi32>
      %add3A_740 = arith.addi %max3A_734, %add3A_739 : vector<16xi32>
      %select_n3A_741 = arith.select %lt3A_737, %add3A_740, %max3A_734 : vector<16xi1>, vector<16xi32>
      %reshape3A_742 = vector.shape_cast %select_n3A_741 : vector<16xi32> to vector<16x1xi32>
      %gather3A_743 = vector.shape_cast %reshape3A_742 : vector<16x1xi32> to vector<16xi32>
      %gather3A_744 = tpu.dynamic_gather %get3A_643[%gather3A_743] in [0] : vector<16xi32>, vector<16xi32> -> vector<16xi32>
      %lt3A_745 = arith.constant 0 : i32
      %lt3A_746 = vector.broadcast %lt3A_745 : i32 to vector<16xi32>
      %lt3A_747 = arith.cmpi slt, %max3A_734, %lt3A_746 : vector<16xi32>
      %add3A_748 = arith.constant 16 : i32
      %add3A_749 = vector.broadcast %add3A_748 : i32 to vector<16xi32>
      %add3A_750 = arith.addi %max3A_734, %add3A_749 : vector<16xi32>
      %select_n3A_751 = arith.select %lt3A_747, %add3A_750, %max3A_734 : vector<16xi1>, vector<16xi32>
      %reshape3A_752 = vector.shape_cast %select_n3A_751 : vector<16xi32> to vector<16x1xi32>
      %gather3A_753 = vector.shape_cast %reshape3A_752 : vector<16x1xi32> to vector<16xi32>
      %gather3A_754 = tpu.dynamic_gather %select_n3A_728[%gather3A_753] in [0] : vector<16xf32>, vector<16xi32> -> vector<16xf32>
      %eq3A_755 = arith.cmpi eq, %get3A_643, %gather3A_744 : vector<16xi32>
      %max3A_756 = arith.maximumf %select_n3A_728, %gather3A_754 : vector<16xf32>
      %select_n3A_757 = arith.select %eq3A_755, %max3A_756, %select_n3A_728 : vector<16xi1>, vector<16xf32>
      %add3A_758 = arith.constant 1 : i32
      %add3A_759 = vector.broadcast %add3A_758 : i32 to vector<16xi32>
      %add3A_760 = arith.addi %iota3A, %add3A_759 : vector<16xi32>
      %min3A = arith.minsi %add3A_760, %broadcast_in_dim3A_5 : vector<16xi32>
      %lt3A_761 = arith.constant 0 : i32
      %lt3A_762 = vector.broadcast %lt3A_761 : i32 to vector<16xi32>
      %lt3A_763 = arith.cmpi slt, %min3A, %lt3A_762 : vector<16xi32>
      %add3A_764 = arith.constant 16 : i32
      %add3A_765 = vector.broadcast %add3A_764 : i32 to vector<16xi32>
      %add3A_766 = arith.addi %min3A, %add3A_765 : vector<16xi32>
      %select_n3A_767 = arith.select %lt3A_763, %add3A_766, %min3A : vector<16xi1>, vector<16xi32>
      %reshape3A_768 = vector.shape_cast %select_n3A_767 : vector<16xi32> to vector<16x1xi32>
      %gather3A_769 = vector.shape_cast %reshape3A_768 : vector<16x1xi32> to vector<16xi32>
      %gather3A_770 = tpu.dynamic_gather %get3A_643[%gather3A_769] in [0] : vector<16xi32>, vector<16xi32> -> vector<16xi32>
      %ne3A = arith.cmpi ne, %get3A_643, %gather3A_770 : vector<16xi32>
      %eq3A_771 = arith.cmpi eq, %iota3A, %broadcast_in_dim3A_5 : vector<16xi32>
      %or3A = arith.ori %ne3A, %eq3A_771 : vector<16xi1>
      %gather3A_772 = tpu.vector_load_idx %arg7[%get3A_643] : memref<10240xf32, #tpu.memory_space<vmem>>[vector<16xi32>], vector<16xf32>,
      %max3A_773 = arith.maximumf %gather3A_772, %select_n3A_757 : vector<16xf32>
      tpu.vector_store_idx %arg7[%get3A_643], %max3A_773 masked %or3A : memref<10240xf32, #tpu.memory_space<vmem>>[vector<16xi32>], vector<16xf32>, vector<16xi1>
    }
    %scan3A_627 = arith.constant 11 : i32
    %dma_start3A_628 = arith.constant 0 : i32
    %dma_start3A_629 = tpu.memref_slice %arg4[%add3A, %dma_start3A_628] : memref<32x10240xf32, #tpu.memory_space<hbm>> -> memref<1x10240xf32, #tpu.memory_space<hbm>>
    %dma_start3A_630 = tpu.memref_squeeze %dma_start3A_629 : memref<1x10240xf32, #tpu.memory_space<hbm>> -> memref<10240xf32, #tpu.memory_space<hbm>>
    %dma_start3A_631 = arith.constant 0 : i32
    %dma_start3A_632 = tpu.memref_slice %arg4[%add3A, %dma_start3A_631] : memref<32x10240xf32, #tpu.memory_space<hbm>> -> memref<1x10240xf32, #tpu.memory_space<hbm>>
    %dma_start3A_633 = tpu.memref_squeeze %dma_start3A_632 : memref<1x10240xf32, #tpu.memory_space<hbm>> -> memref<10240xf32, #tpu.memory_space<hbm>>
    tpu.enqueue_dma source(%arg7 : memref<10240xf32, #tpu.memory_space<vmem>>) target(%dma_start3A_633 : memref<10240xf32, #tpu.memory_space<hbm>>) target_semaphore(%arg14 : memref<!tpu.dma_semaphore, #tpu.memory_space<semaphore_mem>>)
    %dma_wait3A_634 = arith.constant 0 : i32
    %dma_wait3A_635 = tpu.memref_slice %arg4[%add3A, %dma_wait3A_634] : memref<32x10240xf32, #tpu.memory_space<hbm>> -> memref<1x10240xf32, #tpu.memory_space<hbm>>
    %dma_wait3A_636 = tpu.memref_squeeze %dma_wait3A_635 : memref<1x10240xf32, #tpu.memory_space<hbm>> -> memref<10240xf32, #tpu.memory_space<hbm>>
    %dma_wait3A_637 = arith.constant 0 : i32
    %dma_wait3A_638 = tpu.memref_slice %arg4[%add3A, %dma_wait3A_637] : memref<32x10240xf32, #tpu.memory_space<hbm>> -> memref<1x10240xf32, #tpu.memory_space<hbm>>
    %dma_wait3A_639 = tpu.memref_squeeze %dma_wait3A_638 : memref<1x10240xf32, #tpu.memory_space<hbm>> -> memref<10240xf32, #tpu.memory_space<hbm>>
    tpu.wait_dma2 semaphore(%arg14 : memref<!tpu.dma_semaphore, #tpu.memory_space<semaphore_mem>>) src(%arg7 : memref<10240xf32, #tpu.memory_space<vmem>>) dst(%dma_wait3A_639 : memref<10240xf32, #tpu.memory_space<hbm>>)
    return
  }
}

module attributes {stable_mosaic.version = 14 : i64} {
  func.func @k(%arg0: memref<32x10240xf32, #tpu.memory_space<vmem>>, %arg1: memref<10240xf32, #tpu.memory_space<vmem>>) attributes {dimension_semantics = [], scalar_prefetch = 0 : i64, scratch_operands = 0 : i64, tpu.core_type = #tpu.core_type<tc>} {
    %get3A = arith.constant 0 : index
    %get3A_0 = arith.constant 0 : index
    %get3A_1 = vector.load %arg0[%get3A, %get3A_0] : memref<32x10240xf32, #tpu.memory_space<vmem>>, vector<32x10240xf32>
    %reduce_max3A = arith.constant dense<0xFF800000> : vector<10240xf32>
    %reduce_max3A_2 = vector.multi_reduction <maximumf>, %get3A_1, %reduce_max3A [0] : vector<32x10240xf32> to vector<10240xf32>
    %swap3A = arith.constant 0 : index
    %swap3A_3 = vector.load %arg1[%swap3A] : memref<10240xf32, #tpu.memory_space<vmem>>, vector<10240xf32>
    tpu.vector_store %arg1[%swap3A], %reduce_max3A_2 {strides = array<i32>} : memref<10240xf32, #tpu.memory_space<vmem>>, vector<10240xf32>,
    return
  }
}

</mosaic_0001>

<sc_bundles>
// kernel: kernel.4.cloned.1.call-start
scs
__scs_entry_jumppad:
0x0: {  	(pc) =	sbr.rel $0x88, $3  }
0x1: {  	(tag) =	ssettag $0x0;
	lr =	simm.s32 $0x1  }
0x2: {  	[smem:$0x3F9F] =	sst lr;
	_ =	strace $0xD0000000  }
0x3: {  	_ = 	snop  }
0x4: {  	_ = 	snop  }
0x5: {  	_ = 	snop  }
0x6: {  	_ = 	snop  }
0x7: {  	_ = 	snop  }
__scs_overlays_trampoline_lowered:
0x8: {  	[smem:$0x3FAE] =	sst s0  }
0x9: {  	[smem:$0x3FAF] =	sst s1  }
0xa: {  	[smem:$0x3FB0] =	sst s2  }
0xb: {  	[smem:$0x3FB1] =	sst s3  }
0xc: {  	[smem:$0x3FB2] =	sst s4  }
0xd: {  	[smem:$0x3FB3] =	sst s5  }
0xe: {  	[smem:$0x3FB4] =	sst s6  }
0xf: {  	[smem:$0x3FB5] =	sst s7  }
0x10: {  	[smem:$0x3FB6] =	sst s8  }
0x11: {  	[smem:$0x3FB7] =	sst s9;
	s0 =	simm.s32 @!p0 $0x0  }
0x12: {  	s1 =	sld [smem:$0x3F9D];
	s0 =	simm.s32 @p0 $0x1  }
0x13: {  	[smem:$0x3FB8] =	sst s0;
	s0 =	simm.s32 @!p1 $0x0  }
0x14: {  	s2 =	sld [smem:$0x3F9C];
	s0 =	simm.s32 @p1 $0x1  }
0x15: {  	[smem:$0x3FB9] =	sst s0;
	s0 =	simm.s32 @!p2 $0x0  }
0x16: {  	s3 =	sld [smem:$0x3FDB];
	s0 =	simm.s32 @p2 $0x1  }
0x17: {  	s4 =	simm.s32 $0x1BF5;
	[smem:$0x3FBB] =	sst s0  }
0x18: {  	s0 =	sld [smem:$0x3F9E];
	_ =	swait.ge [sflag:s4], $0x0  }
0x19: {  	s7 =	sld [smem:$0x3F9F]  }
0x1a: {  	s8 =	sadd.s32 $0xFFFFE003, lr  }
0x1b: {  	s9 =	sadd.s32 $0xFFFFFEF7, lr;
	s5 =	simm.s32 $0xFFFFFFFF;
	p2 =	slt.u32 s8, $0xFFFFF086  }
0x1c: {  	p1 =	slt.u32 s9, $0xF7A;
	s5 =	simm.s32 @!p2 $0x0  }
0x1d: {  	s5 =	simm.s32 @p1 $0x1;
	p0 =	seq.s32 s7, s2  }
0x1e: {  	s7 =	smul.u32 @!p0 $0xF7A, s2;
	p2 =	seq.s32 @!p0 s5, $0x0  }
0x1f: {  	s9 =	smul.u32 $0xF7A, s1;
	s8 =	simm.s32 @!p0 $0x1BF5;
	p2 =	por !p2, p0  }
0x20: {  	[sflag:s8] =	ssyncset.s32 @!p0 $0xFFFFF086;
	s6 =	sadd.s32 @!p0 s3, s7;
	s7 =	simm.s32 @!p0 $0x108  }
0x21: {  	s3 =	sadd.s32 s3, s9;
	s6 =	sadd.s32 @!p0 $0x88, s6;
	s7 =	simm.s32 @p2 $0x1082  }
0x22: {  	[simem:s7], [sflag:s8] =	dma.local @!p0 [hbm:s6], $0xF7A  }
0x23: {  	s9 =	sor.u32 $0xD0000000, s2;
	s6 =	simm.s32 $0x108;
	_ =	swait.ge @!p0 [sflag:s8], $0x0  }
0x24: {  	s3 =	sadd.s32 $0x88, s3;
	s6 =	simm.s32 @!p1 $0x1082;
	[sflag:s4] =	ssyncset.s32 $0xFFFFF086  }
0x25: {  	[simem:s6], [sflag:s4] =	dma.local [hbm:s3], $0xF7A  }
0x26: {  	[smem:$0x3F9F] =	sst s1;
	(tag) =	ssettag s2;
	_ =	strace s9  }
0x27: {  	s1 =	sld [smem:$0x3FAF]  }
0x28: {  	s2 =	sld [smem:$0x3FB0]  }
0x29: {  	s4 =	sld [smem:$0x3FB2]  }
0x2a: {  	p0 =	seq.s32 s5, $0x0;
	s5 =	sld [smem:$0x3FB3]  }
0x2b: {  	s6 =	sld [smem:$0x3FB4]  }
0x2c: {  	s7 =	sld [smem:$0x3FB5]  }
0x2d: {  	s3 =	simm.s32 $0x108;
	s8 =	sld [smem:$0x3FB6]  }
0x2e: {  	s3 =	simm.s32 @!p0 $0x1082;
	s9 =	sld [smem:$0x3FB7]  }
0x2f: {  	lr =	sadd.s32 s0, s3;
	s0 =	sld [smem:$0x3FAE]  }
0x30: {  	s3 =	sld [smem:$0x3FB1]  }
0x31: {  	[smem:$0x3FBA] =	sst s10  }
0x32: {  	s10 =	sld [smem:$0x3FB8];
	_ =	sdelay $0x3  }
0x33: {  	p0 =	seq.s32 s10, $0x1;
	s10 =	sld [smem:$0x3FBA];
	_ =	sdelay $0x3  }
0x34: {  	[smem:$0x3FBA] =	sst s10  }
0x35: {  	s10 =	sld [smem:$0x3FB9];
	_ =	sdelay $0x3  }
0x36: {  	p1 =	seq.s32 s10, $0x1;
	s10 =	sld [smem:$0x3FBA];
	_ =	sdelay $0x3  }
0x37: {  	[smem:$0x3FBA] =	sst s10  }
0x38: {  	s10 =	sld [smem:$0x3FBB]  }
0x39: {  	_ = 	snop;
	(pc) =	sbr.ind lr, $3  }
0x3a: {  	_ = 	snop  }
0x3b: {  	_ = 	snop  }
0x3c: {  	p2 =	seq.s32 s10, $0x1;
	s10 =	sld [smem:$0x3FBA]  }
0x3d: {  	_ =	shalt  }
0x3e: {  	_ =	shalt  }
0x3f: {  	_ =	shalt  }
0x40: {  	_ =	shalt  }
0x41: {  	_ =	shalt  }
0x42: {  	_ =	shalt  }
0x43: {  	_ =	shalt  }
0x44: {  	_ =	shalt  }
0x45: {  	_ =	shalt  }
0x46: {  	_ =	shalt  }
0x47: {  	_ =	shalt  }
0x48: {  	_ =	shalt  }
0x49: {  	_ =	shalt  }
0x4a: {  	_ =	shalt  }
0x4b: {  	_ =	shalt  }
0x4c: {  	_ =	shalt  }
0x4d: {  	_ =	shalt  }
0x4e: {  	_ =	shalt  }
0x4f: {  	_ =	shalt  }
0x50: {  	_ =	shalt  }
0x51: {  	_ =	shalt  }
0x52: {  	_ =	shalt  }
0x53: {  	_ =	shalt  }
0x54: {  	_ =	shalt  }
0x55: {  	_ =	shalt  }
0x56: {  	_ =	shalt  }
0x57: {  	_ =	shalt  }
0x58: {  	_ =	shalt  }
0x59: {  	_ =	shalt  }
0x5a: {  	_ =	shalt  }
0x5b: {  	_ =	shalt  }
0x5c: {  	_ =	shalt  }
0x5d: {  	_ =	shalt  }
0x5e: {  	_ =	shalt  }
0x5f: {  	_ =	shalt  }
0x60: {  	_ =	shalt  }
0x61: {  	_ =	shalt  }
0x62: {  	_ =	shalt  }
0x63: {  	_ =	shalt  }
0x64: {  	_ =	shalt  }
0x65: {  	_ =	shalt  }
0x66: {  	_ =	shalt  }
0x67: {  	_ =	shalt  }
0x68: {  	_ =	shalt  }
0x69: {  	_ =	shalt  }
0x6a: {  	_ =	shalt  }
0x6b: {  	_ =	shalt  }
0x6c: {  	_ =	shalt  }
0x6d: {  	_ =	shalt  }
0x6e: {  	_ =	shalt  }
0x6f: {  	_ =	shalt  }
0x70: {  	_ =	shalt  }
0x71: {  	_ =	shalt  }
0x72: {  	_ =	shalt  }
0x73: {  	_ =	shalt  }
0x74: {  	_ =	shalt  }
0x75: {  	_ =	shalt  }
0x76: {  	_ =	shalt  }
0x77: {  	_ =	shalt  }
0x78: {  	_ =	shalt  }
0x79: {  	_ =	shalt  }
0x7a: {  	_ =	shalt  }
0x7b: {  	_ =	shalt  }
0x7c: {  	_ =	shalt  }
0x7d: {  	_ =	shalt  }
0x7e: {  	_ =	shalt  }
0x7f: {  	_ =	shalt  }
0x80: {  	_ =	shalt  }
0x81: {  	_ =	shalt  }
0x82: {  	_ =	shalt  }
0x83: {  	_ =	shalt  }
0x84: {  	_ =	shalt  }
0x85: {  	_ =	shalt  }
0x86: {  	_ =	shalt  }
0x87: {  	_ =	shalt  }
.Lfunc_end0:
.L_simem_size_0:
called_computation_lowered:
.L_overlay_start_0:
0x88: {  	s2 =	sld [smem:$0x3FD9]  }
0x89: {  	s3 =	sld [smem:$0x3FFE];
	_ =	sdelay $0x1  }
0x8a: {  	s1 =	srdreg.scid  }
0x8b: {  	s0 =	sand.u32 $0x1, s1  }
0x8c: {  	s17 =	sshll.u32 s0, $0xA;
	s2 =	sadd.s32 s3, s2  }
0x8d: {  	s2 =	sadd.s32 s2, s17  }
0x8e: {  	[smem:$0x3FC6] =	sst s2  }
0x8f: {  	_ = 	snop  }
0x90: {  	s2 =	sld [smem:$0x3FC9]  }
0x91: {  	s18 =	sld [smem:$0x3FC8];
	(tm) =	ssettm $0x1  }
0x92: {  	s4 =	sld [smem:$0x3FFB];
	_ =	sdelay $0x3  }
0x93: {  	_ =	strace s4  }
0x94: {  	s4 =	sld [smem:$0x3FFC];
	_ =	sdelay $0x3  }
0x95: {  	_ =	strace s4  }
0x96: {  	s4 =	sld [smem:$0x3FFD];
	_ =	sdelay $0x3  }
0x97: {  	_ =	strace s4  }
0x98: {  	_ =	strace $0x8FFFFFFF  }
0x99: {  	s19 =	sld [smem:$0x3FDB];
	_ =	sdelay $0x1  }
0x9a: {  	s5 =	simm.s32 $_scs_section_size  }
0x9b: {  	s6 =	simm.s32 $_size__tile_overlayer_lowered;
	s7 =	simm.s32 $_tile_overlayer_lowered  }
0x9c: {  	s22 =	simm.s32 $0x1BFF;
	s21 =	sshll.u32 s7, $0x1;
	s4 =	sadd.s32 s5, s19  }
0x9d: {  	s8 =	simm.s32 $0x0;
	s20 =	sshll.u32 s6, $0x1;
	s6 =	sadd.s32 s21, s4  }
0x9e: {  	[timem:s8], [sflag:s22] =	dma.local [hbm:s6], s20  }
0x9f: {  	_ =	swait.ge [sflag:s22], s20  }
0xa0: {  	s5 =	ssub.s32 $0x0, s20;
	[sflag:s22] =	ssyncset.done $0x0  }
0xa1: {  	[sflag:s22] =	ssyncadd.s32 s5;
	_ =	sdelay $0x1  }
0xa2: {  	s23 =	simm.s32 $0x1B8B  }
0xa3: {  	_ =	swait.ge [sflag:s23], $0x1  }
0xa4: {  	[sflag:s23] =	ssyncset.done $0x0  }
0xa5: {  	s25 =	simm.s32 $0x1B8E;
	s24 =	sld [smem:$0x3FFE];
	[sflag:s23] =	ssyncadd.s32 $0xFFFFFFFF  }
0xa6: {  	s26 =	simm.s32 $execute0_lowered;
	[smem:$0x3FD2] =	sst s25  }
0xa7: {  	s6 =	sshll.u32 s26, $0x1;
	_ =	strace $0x80000046;
	[dreg:$0x1] =	wrdreg $0xFFFFFFFF  }
0xa8: {  	s28 =	simm.s32 $_size_execute0_lowered;
	s4 =	sadd.s32 s4, s6;
	[dreg:$0x0] =	wrdreg $0x0  }
0xa9: {  	s6 =	sshll.u32 s28, $0x1;
	[dreg:$0x2] =	wrdreg s4  }
0xaa: {  	[dreg:$0x3] =	wrdreg s6  }
0xab: {  	[dreg:$0x4] =	wrdreg $0xC0  }
0xac: {  	_ =	task [dreg:s8], $0x5FFFF  }
0xad: {  	[dreg:$0x1] =	wrdreg $0xFFFFFFFF  }
0xae: {  	[dreg:$0x0] =	wrdreg $0x60  }
0xaf: {  	[dreg:$0x2] =	wrdreg s2  }
0xb0: {  	[dreg:$0x3] =	wrdreg s18  }
0xb1: {  	[dreg:$0x4] =	wrdreg s24  }
0xb2: {  	[dreg:$0x5] =	wrdreg $0x9  }
0xb3: {  	_ =	task.clear_ibuf [dreg:s8], $0x6FFFF;
	_ =	strace $0x90000046  }
0xb4: {  	s29 =	simm.s32 $0x9;
	_ =	strace $0x80000048  }
0xb5: {  	_ =	swait.ge [sflag:s29], $0x1  }
0xb6: {  	[sflag:s29] =	ssyncadd.s32 $0xFFFFFFFF  }
0xb7: {  	_ =	strace $0x90000048  }
0xb8: {  	_ =	sfence  }
0xb9: {  	s30 =	sld [smem:$0x0];
	_ =	sdelay $0x2  }
0xba: {  	s31 =	sshll.u32 s1, $0xD;
	s1 =	sshrl.u32 s1, $0x2  }
0xbb: {  	s3 =	sand.u32 $0x4000, s31;
	s1 =	sadd.s32 s1, s30  }
0xbc: {  	s0 =	sor.u32 s3, s0;
	s1 =	sshll.u32 s1, $0x11  }
0xbd: {  	s0 =	sor.u32 s1, s0  }
0xbe: {  	s0 =	sadd.s32 $0x8F2B, s0  }
0xbf: {  	[sflag:s0] =	ssyncadd.remote.s32 $0x1  }
0xc0: {  	_ =	sfence.sel $0xFFFF  }
0xc1: {  	[dreg:$0x0] =	wrdreg $0xFFFFFFFF;
	(pc) =	sbr.abs _section_cstart, $3  }
0xc2: {  	[dreg:$0x1] =	wrdreg $0xFFFFFFFF  }
0xc3: {  	_ =	task.clear_ibuf [dreg:s8], $0x2FFFF;
	_ =	strace $0x9FFFFFFF  }
0xc4: {  	(tm) =	ssettm $0x7FFFFFFF  }
0xc5: {  	_ =	shalt  }
tec
execute0_lowered:
.L_overlay_start_1:
0x0: {  	(tag) =	ssettag $0x1  }
0x1: {  	s0 =	srdreg.scid  }
0x2: {  	s4 =	stileid.u32;
	s2 =	rddreg [dreg:$0x1]  }
0x3: {  	s5 =	rddreg [dreg:$0x2];
	s28 =	simm.s32 $0x9C40;
	s3 =	sand.u32 $0x1, s0  }
0x4: {  	s29 =	simm.s32 $0x4E20;
	s30 =	simm.s32 $0xEA60;
	s1 =	sshll.u32 s3, $0x4  }
0x5: {  	s31 =	simm.s32 $0x1;
	s0 =	rddreg [dreg:$0x0];
	s4 =	sor.u32 s4, s1  }
0x6: {  	s7 =	ssub.s32 $0x2, s3;
	s3 =	simm.s32 $0x4;
	s6 =	smul.u32 $0x30D40, s4  }
0x7: {  	s1 =	simm.s32 $0x0;
	s8 =	sshrl.u32 s7, $0x1;
	s4 =	smul.u32 $0x500, s4  }
0x8: {  	[smem:$0x7FF] =	sst s1;
	s8 =	ssub.s32 s7, s8;
	s6 =	sshrl.u32 s6, $0x3  }
0x9: {  	v0 =	vimm.s32 $0xEDCBA987;
	v1 =	vimm.s32 $0x65432100;
	s4 =	sadd.s32 s4, s5;
	s13 =	sadd.s32 $0x1F4, s6;
	s14 =	sadd.s32 s0, s6  }
0xa: {  	v3 =	vimm.s32 $0xE40000;
	v0 =	vunpack.c.l.s4.s8 v0;
	s16 =	sadd.s32 $0x9C4, s6;
	s18 =	sadd.s32 $0x1388, s6;
	s20 =	sadd.s32 $0x1D4C, s6  }
0xb: {  	v2 =	vimm.s32 $0xDCBA9876;
	v1 =	vunpack.c.l.s4.s8 v1;
	v3 =	vunpack.c.l.s2.s4 v3;
	s21 =	sadd.s32 $0x2710, s6;
	s22 =	sadd.s32 $0x30D4, s6;
	s23 =	sadd.s32 $0x3A98, s6  }
0xc: {  	v6 =	vimm.s32 $0x7060504;
	v2 =	vunpack.c.l.s4.s8 v2;
	v4 =	vunpack.c.0.s8.s32 v0;
	s24 =	sadd.s32 $0x445C, s6;
	s25 =	sadd.s32 $0x4E20, s6;
	s26 =	sadd.s32 $0x57E4, s6  }
0xd: {  	v0 =	vimm.s32 $0x54321000;
	v1 =	vunpack.c.0.s8.s32 v1;
	v3 =	vunpack.c.l.s4.s8 v3;
	[dreg:$0x4] =	wrdreg s14;
	s15 =	sadd.s32 s0, s13;
	s5 =	sadd.s32 s2, s13  }
0xe: {  	v2 =	vunpack.c.0.s8.s32 v2;
	v5 =	vunpack.c.l.s4.s8 v0;
	v4 =	vand.u32 $0xF, v4;
	s17 =	sadd.s32 s0, s16;
	s7 =	sadd.s32 s2, s16;
	s19 =	sadd.s32 s0, s18  }
0xf: {  	vm0 =	vcmask $0x3F30;
	v3 =	vunpack.c.0.s8.s32 v3;
	v1 =	vcombine.low v1, v4;
	s9 =	sadd.s32 s0, s20;
	s10 =	sadd.s32 s2, s20;
	[dreg:$0x5] =	wrdreg s15  }
0x10: {  	v4 =	vunpack.c.0.s8.s32 v5;
	v5 =	vand.u32 $0xF, v2;
	v2 =	vimm.s32 $0x32100000;
	s11 =	sadd.s32 s0, s21;
	s12 =	sadd.s32 s2, s21;
	[dreg:$0x6] =	wrdreg s5  }
0x11: {  	v6 =	vunpack.c.0.s8.s32 v6;
	v7 =	vunpack.c.l.s4.s8 v2;
	v2 =	vimm.s32 $0xBA987654;
	s13 =	sadd.s32 s0, s22;
	s14 =	sadd.s32 s2, s22;
	[dreg:$0x7] =	wrdreg s17  }
0x12: {  	v10 =	vlaneseq.u32;
	s16 =	sadd.s32 s2, s23;
	s20 =	sadd.s32 s2, s25;
	v8 =	vunpack.c.l.s4.s8 v2;
	v2 =	vand.u32 $0x3, v3;
	[dreg:$0x8] =	wrdreg s7  }
0x13: {  	s22 =	sadd.s32 s2, s6;
	v3 =	vimm.s32 $0xFFEDCBA9;
	s21 =	simm.s32 $0x3;
	[dreg:$0x9] =	wrdreg s19;
	v2 =	vsel vm0, v6, v2;
	v6 =	vimm.s32 $0x87654321  }
0x14: {  	s5 =	sadd.s32 s2, s18;
	s15 =	sadd.s32 s0, s23;
	s17 =	sadd.s32 s0, s24;
	v9 =	vunpack.c.l.s4.s8 v3;
	v8 =	vunpack.c.0.s8.s32 v8;
	v6 =	vunpack.c.l.s4.s8 v6  }
0x15: {  	s18 =	sadd.s32 s2, s24;
	s19 =	sadd.s32 s0, s25;
	s23 =	sadd.s32 s0, s26;
	v3 =	vcombine.low v4, v5;
	v5 =	vunpack.c.0.s8.s32 v7;
	v4 =	vmul.u32 $0xFA, v10  }
0x16: {  	s24 =	sadd.s32 s2, s26;
	s25 =	sadd.s32 $0x400, s4;
	s26 =	smax.u32 s8, $0x1;
	v7 =	vand.u32 $0xF, v8;
	v8 =	vunpack.c.0.s8.s32 v9;
	v9 =	vunpack.c.0.s8.s32 v6  }
0x17: {  	s0 =	simm.s32 $0x13880;
	s2 =	simm.s32 $0x2;
	[dreg:$0xa] =	wrdreg s5;
	v6 =	vmul.u32 $0x3E8, v10;
	v5 =	vcombine.low v5, v7;
	v7 =	vmul.u32 $0x4E2, v10  }
0x18: {  	v0 =	vimm.f32 $-Inf;
	vm0 =	vcmask $0x3F3C;
	s4 =	simm.s32 $0x5;
	s5 =	simm.s32 $0x0;
	_ =	strace $0x80000047;
	v8 =	vcombine.low v9, v8  }
.LBB2_1:
0x19: {  	s6 =	simm.s32 $0x40;
	s7 =	simm.s32 $0x0  }
.LBB2_2:
0x1a: {  	p0 =	sne.s32 s6, $0x9FC0;
	[tilespmem:s7+$0x13880] =	vst v0;
	s7 =	smov.u32 s6;
	s6 =	sadd.s32 $0x40, s6  }
.Ltmp0:
0x1b: {  	(pc) =	sbr.rel @p0 .LBB2_2-.Ltmp0, $2  }
0x1c: {  	_ =	sdelay $0x2  }
0x1d: {  	s7 =	sshra.s32 s7, $0x2  }
0x1e: {  	[tilespmem:s7+$0x13880] =	vst v0;
	s6 =	simm.s32 $0x0;
	s8 =	rddreg [dreg:$0x4]  }
0x1f: {  	[tilespmem:s6], [sflag:$0x1] =	stream.linear.gather [hbm4b:s8+s6], $0xFA0, $0x38;
	[tilespmem:$0x161E0] =	vst v63  }
0x20: {  	_ = 	snop  }
0x21: {  	[tilespmem:s28], [sflag:$0x3] =	stream.linear.gather [hbm4b:s22+s6], $0xFA0, $0x38;
	[tilespmem:$0x161E0] =	vst v63  }
0x22: {  	s8 =	rddreg [dreg:$0x5]  }
0x23: {  	[tilespmem:s29], [sflag:$0x2] =	stream.linear.gather [hbm4b:s8+s6], $0x3E80, $0x38;
	[tilespmem:$0x161E0] =	vst v63  }
0x24: {  	s8 =	rddreg [dreg:$0x6]  }
0x25: {  	[tilespmem:s30], [sflag:$0x4] =	stream.linear.gather [hbm4b:s8+s6], $0x3E80, $0x38;
	[tilespmem:$0x161E0] =	vst v63  }
0x26: {  	_ =	swait.ge [sflag:s31], $0xFA0  }
0x27: {  	[sflag:s31] =	ssyncset.done $0x0  }
0x28: {  	v9 =	vadd.s32 s6, v4;
	[sflag:s31] =	ssyncadd.s32 $0xFFFFF060  }
0x29: {  	s8 =	simm.s32 $0x1;
	_ =	swait.ge [sflag:s21], $0xFA0  }
0x2a: {  	v10 =	vadd.s32 s8, v4;
	[sflag:s21] =	ssyncset.done $0x0  }
0x2b: {  	s7 =	simm.s32 $0x2;
	[sflag:s21] =	ssyncadd.s32 $0xFFFFF060  }
0x2c: {  	v11 =	vadd.s32 s7, v4;
	v17 =	vld.idx.msk [tilespmem:v4+s28+$0x0], $0xffff  }
0x2d: {  	s8 =	simm.s32 $0x3;
	v20 =	vld.idx.msk [tilespmem:v9+s28+$0x0], $0xffff  }
0x2e: {  	v13 =	vadd.s32 s8, v4;
	v12 =	vld.idx.msk [tilespmem:v9+s1+$0x0], $0xffff  }
0x2f: {  	s7 =	simm.s32 $0x4;
	v9 =	vld.idx.msk [tilespmem:v10+s28+$0x0], $0xffff  }
0x30: {  	v15 =	vadd.s32 s7, v4;
	s7 =	simm.s32 $0x6;
	v14 =	vld.idx.msk [tilespmem:v10+s1+$0x0], $0xffff  }
0x31: {  	v19 =	vadd.s32 s7, v4;
	s8 =	simm.s32 $0x5;
	v16 =	vld.idx.msk [tilespmem:v11+s1+$0x0], $0xffff  }
0x32: {  	v18 =	vadd.s32 s8, v4;
	v10 =	vld.idx.msk [tilespmem:v11+s28+$0x0], $0xffff  }
0x33: {  	v21 =	vimm.f32 $-Inf;
	v26 =	vld.idx.msk [tilespmem:v13+s1+$0x0], $0xffff  }
0x34: {  	s8 =	simm.s32 $0x7;
	v11 =	vld.idx.msk [tilespmem:v13+s28+$0x0], $0xffff;
	vm3 =	vne.s32 v20, v17;
	v22 =	vmax.f32 v21, v12  }
0x35: {  	v27 =	vadd.s32 s8, v4;
	v29 =	vld.idx.msk [tilespmem:v15+s1+$0x0], $0xffff;
	v28 =	vsel vm3, v12, v22  }
0x36: {  	v23 =	vld.idx.msk [tilespmem:v19+s1+$0x0], $0xffff;
	vm4 =	vne.s32 v9, v20;
	v13 =	vmax.f32 v28, v14  }
0x37: {  	v24 =	vld.idx.msk [tilespmem:v18+s1+$0x0], $0xffff;
	v14 =	vsel vm4, v14, v13  }
0x38: {  	vm1 =	vne.s32 v10, v9;
	v22 =	vld.idx.msk [tilespmem:v15+s28+$0x0], $0xffff;
	v15 =	vmax.f32 v14, v16  }
0x39: {  	s7 =	simm.s32 $0x8;
	v12 =	vld.idx.msk [tilespmem:v18+s28+$0x0], $0xffff;
	v15 =	vsel vm1, v16, v15  }
0x3a: {  	v25 =	vadd.s32 s7, v4;
	vm2 =	vne.s32 v11, v10;
	v18 =	vld.idx.msk [tilespmem:v27+s28+$0x0], $0xffff;
	v16 =	vmax.f32 v15, v26  }
0x3b: {  	s8 =	simm.s32 $0x9;
	v13 =	vld.idx.msk [tilespmem:v19+s28+$0x0], $0xffff;
	v16 =	vsel vm2, v26, v16  }
0x3c: {  	v19 =	vld.idx.msk [tilespmem:v27+s1+$0x0], $0xffff;
	v27 =	vadd.s32 s8, v4;
	[tilespmem:v17+s0+$0x0] =	vst.idx.msk vm3, v21;
	v17 =	vmax.f32 v16, v29  }
0x3d: {  	s6 =	simm.s32 $0xA  }
0x3e: {  	vm3 =	vne.s32 v22, v11;
	v26 =	vadd.s32 s6, v4  }
0x3f: {  	s7 =	simm.s32 $0xF;
	s8 =	simm.s32 $0xB;
	v21 =	vld.idx.msk [tilespmem:v25+s1+$0x0], $0xffff;
	[tilespmem:v20+s0+$0x0] =	vst.idx.msk vm4, v28;
	v20 =	vsel vm3, v29, v17;
	v17 =	vmov v22  }
.LBB2_4:
0x40: {  	p0 =	slt.u32 s7, $0xF5;
	v28 =	vadd.s32 s8, v4;
	vm5 =	vne.s32 v12, v22;
	v22 =	vmax.f32 v20, v24;
	v29 =	vld.idx.msk [tilespmem:v25+s28+$0x0], $0xffff  }
0x41: {  	s8 =	sadd.s32 $0x2, s6;
	v30 =	vsel vm5, v24, v22;
	v31 =	vld.idx.msk [tilespmem:v27+s1+$0x0], $0xffff;
	[tilespmem:v9+s0+$0x0] =	vst.idx.msk vm1, v14;
	v9 =	vmov v13  }
0x42: {  	v32 =	vadd.s32 s8, v4;
	vm4 =	vne.s32 v9, v12;
	v13 =	vmax.f32 v30, v23;
	v22 =	vld.idx.msk [tilespmem:v27+s28+$0x0], $0xffff  }
0x43: {  	s8 =	sadd.s32 $0x3, s6;
	v33 =	vld.idx.msk [tilespmem:v26+s28+$0x0], $0xffff;
	v14 =	vsel vm4, v23, v13;
	[tilespmem:v10+s0+$0x0] =	vst.idx.msk vm2, v15;
	v10 =	vmov v18  }
0x44: {  	v25 =	vadd.s32 s8, v4;
	v24 =	vld.idx.msk [tilespmem:v26+s1+$0x0], $0xffff;
	vm1 =	vne.s32 v10, v9;
	v15 =	vmax.f32 v14, v19  }
.Ltmp1:
0x45: {  	s8 =	sadd.s32 $0x4, s6;
	s6 =	smov.u32 s7;
	v13 =	vld.idx.msk [tilespmem:v28+s28+$0x0], $0xffff;
	v15 =	vsel vm1, v19, v15;
	[tilespmem:v11+s0+$0x0] =	vst.idx.msk vm3, v16;
	v11 =	vmov v29;
	(pc) =	sbr.rel @p0 .LBB2_4-.Ltmp1, $4  }
0x46: {  	v27 =	vadd.s32 s8, v4;
	v23 =	vld.idx.msk [tilespmem:v28+s1+$0x0], $0xffff;
	vm2 =	vne.s32 v11, v10;
	v16 =	vmax.f32 v15, v21  }
0x47: {  	v19 =	vld.idx.msk [tilespmem:v32+s1+$0x0], $0xffff;
	[tilespmem:v17+s0+$0x0] =	vst.idx.msk vm5, v20;
	v16 =	vsel vm2, v21, v16;
	v17 =	vmov v22  }
0x48: {  	v26 =	vadd.s32 s7, v4;
	vm3 =	vne.s32 v22, v11;
	v18 =	vld.idx.msk [tilespmem:v32+s28+$0x0], $0xffff;
	v20 =	vmax.f32 v16, v31  }
0x49: {  	s8 =	sadd.s32 $0x1, s6;
	s7 =	sadd.s32 $0x5, s7;
	v21 =	vld.idx.msk [tilespmem:v25+s1+$0x0], $0xffff;
	[tilespmem:v12+s0+$0x0] =	vst.idx.msk vm4, v30;
	v20 =	vsel vm3, v31, v20;
	v12 =	vmov v33  }
0x4a: {  	_ =	sdelay $0x3  }
0x4b: {  	v28 =	vadd.s32 s8, v4;
	v25 =	vld.idx.msk [tilespmem:v25+s28+$0x0], $0xffff  }
0x4c: {  	s7 =	sadd.s32 $0x2, s6;
	v29 =	vld.idx.msk [tilespmem:v27+s1+$0x0], $0xffff  }
0x4d: {  	vm4 =	vne.s32 v12, v22;
	v22 =	vmax.f32 v20, v24;
	v27 =	vld.idx.msk [tilespmem:v27+s28+$0x0], $0xffff;
	s8 =	sadd.s32 $0x3, s6;
	v30 =	vadd.s32 s7, v4  }
0x4e: {  	v22 =	vsel vm4, v24, v22;
	v24 =	vld.idx.msk [tilespmem:v26+s28+$0x0], $0xffff;
	v31 =	vadd.s32 s8, v4;
	s7 =	sadd.s32 $0x4, s6  }
0x4f: {  	vm5 =	vne.s32 v13, v12;
	v26 =	vld.idx.msk [tilespmem:v26+s1+$0x0], $0xffff;
	v32 =	vmax.f32 v22, v23;
	v33 =	vadd.s32 s7, v4  }
0x50: {  	v23 =	vsel vm5, v23, v32;
	v62 =	vld.idx.msk [tilespmem:v28+s28+$0x0], $0xffff  }
0x51: {  	vm6 =	vne.s32 v18, v13;
	v34 =	vmax.f32 v23, v19;
	v28 =	vld.idx.msk [tilespmem:v28+s1+$0x0], $0xffff  }
0x52: {  	v19 =	vsel vm6, v19, v34;
	v63 =	vld.idx.msk [tilespmem:v30+s28+$0x0], $0xffff  }
0x53: {  	[tilespmem:v9+s0+$0x0] =	vst.idx.msk vm1, v14;
	vm1 =	vne.s32 v25, v18;
	v9 =	vmax.f32 v19, v21;
	v14 =	vld.idx.msk [tilespmem:v31+s28+$0x0], $0xffff  }
0x54: {  	[tilespmem:v10+s0+$0x0] =	vst.idx.msk vm2, v15;
	vm2 =	vne.s32 v27, v25;
	v9 =	vsel vm1, v21, v9;
	v10 =	vld.idx.msk [tilespmem:v33+s28+$0x0], $0xffff  }
0x55: {  	[tilespmem:v11+s0+$0x0] =	vst.idx.msk vm3, v16;
	vm3 =	vne.s32 v24, v27;
	v11 =	vmax.f32 v9, v29  }
0x56: {  	[tilespmem:v17+s0+$0x0] =	vst.idx.msk vm4, v20;
	v15 =	vld.idx.msk [tilespmem:v30+s1+$0x0], $0xffff;
	v11 =	vsel vm2, v29, v11;
	vm4 =	vne.s32 v62, v24  }
0x57: {  	[tilespmem:v12+s0+$0x0] =	vst.idx.msk vm5, v22;
	v12 =	vmax.f32 v11, v26;
	vm5 =	vne.s32 v63, v62  }
0x58: {  	v16 =	vld.idx.msk [tilespmem:v31+s1+$0x0], $0xffff;
	[tilespmem:v13+s0+$0x0] =	vst.idx.msk vm6, v23;
	v12 =	vsel vm3, v26, v12;
	vm15 =	vne.s32 v14, v63  }
0x59: {  	[tilespmem:v18+s0+$0x0] =	vst.idx.msk vm1, v19;
	v13 =	vmax.f32 v12, v28;
	vm1 =	vne.s32 v10, v14  }
0x5a: {  	[tilespmem:v25+s0+$0x0] =	vst.idx.msk vm2, v9;
	v9 =	vld.idx.msk [tilespmem:v33+s1+$0x0], $0xffff;
	v13 =	vsel vm4, v28, v13  }
0x5b: {  	[tilespmem:v27+s0+$0x0] =	vst.idx.msk vm3, v11;
	v11 =	vmax.f32 v13, v15  }
0x5c: {  	v11 =	vsel vm5, v15, v11;
	[tilespmem:v24+s0+$0x0] =	vst.idx.msk vm4, v12  }
0x5d: {  	v12 =	vmax.f32 v11, v16;
	[tilespmem:v62+s0+$0x0] =	vst.idx.msk vm5, v13  }
0x5e: {  	v12 =	vsel vm15, v16, v12;
	[tilespmem:v63+s0+$0x0] =	vst.idx.msk vm15, v11  }
0x5f: {  	v11 =	vmax.f32 v12, v9;
	[tilespmem:v14+s0+$0x0] =	vst.idx.msk vm1, v12  }
0x60: {  	v9 =	vsel vm1, v9, v11;
	[tilespmem:$0x16080] =	vst v10  }
0x61: {  	s6 =	simm.s32 $0x0;
	s8 =	rddreg [dreg:$0x7];
	[tilespmem:$0x16130] =	vst v9  }
0x62: {  	[tilespmem:s6], [sflag:$0x1] =	stream.linear.gather [hbm4b:s8+s6], $0x4E20, $0x38;
	[tilespmem:$0x161E0] =	vst v63  }
0x63: {  	s8 =	rddreg [dreg:$0x8]  }
0x64: {  	[tilespmem:s28], [sflag:$0x3] =	stream.linear.gather [hbm4b:s8+s6], $0x4E20, $0x38;
	[tilespmem:$0x161E0] =	vst v63  }
0x65: {  	_ =	swait.ge [sflag:s2], $0x3E80  }
0x66: {  	[sflag:s2] =	ssyncset.done $0x0  }
0x67: {  	v9 =	vadd.s32 s6, v6;
	[sflag:s2] =	ssyncadd.s32 $0xFFFFC180  }
0x68: {  	s8 =	simm.s32 $0x1;
	_ =	swait.ge [sflag:s3], $0x3E80  }
0x69: {  	v10 =	vadd.s32 s8, v6;
	[sflag:s3] =	ssyncset.done $0x0  }
0x6a: {  	s7 =	simm.s32 $0x2;
	[sflag:s3] =	ssyncadd.s32 $0xFFFFC180  }
0x6b: {  	v11 =	vadd.s32 s7, v6;
	v17 =	vld.idx.msk [tilespmem:v6+s30+$0x0], $0xffff  }
0x6c: {  	s8 =	simm.s32 $0x3;
	v20 =	vld.idx.msk [tilespmem:v9+s30+$0x0], $0xffff  }
0x6d: {  	v13 =	vadd.s32 s8, v6;
	v12 =	vld.idx.msk [tilespmem:v9+s29+$0x0], $0xffff  }
0x6e: {  	s7 =	simm.s32 $0x4;
	v9 =	vld.idx.msk [tilespmem:v10+s30+$0x0], $0xffff  }
0x6f: {  	v15 =	vadd.s32 s7, v6;
	s7 =	simm.s32 $0x6;
	v14 =	vld.idx.msk [tilespmem:v10+s29+$0x0], $0xffff  }
0x70: {  	v19 =	vadd.s32 s7, v6;
	s8 =	simm.s32 $0x5;
	v16 =	vld.idx.msk [tilespmem:v11+s29+$0x0], $0xffff  }
0x71: {  	v18 =	vadd.s32 s8, v6;
	v10 =	vld.idx.msk [tilespmem:v11+s30+$0x0], $0xffff  }
0x72: {  	v21 =	vimm.f32 $-Inf;
	v26 =	vld.idx.msk [tilespmem:v13+s29+$0x0], $0xffff  }
0x73: {  	s8 =	simm.s32 $0x7;
	v11 =	vld.idx.msk [tilespmem:v13+s30+$0x0], $0xffff;
	vm3 =	vne.s32 v20, v17;
	v22 =	vmax.f32 v21, v12  }
0x74: {  	v27 =	vadd.s32 s8, v6;
	v29 =	vld.idx.msk [tilespmem:v15+s29+$0x0], $0xffff;
	v28 =	vsel vm3, v12, v22  }
0x75: {  	v23 =	vld.idx.msk [tilespmem:v19+s29+$0x0], $0xffff;
	vm4 =	vne.s32 v9, v20;
	v13 =	vmax.f32 v28, v14  }
0x76: {  	v24 =	vld.idx.msk [tilespmem:v18+s29+$0x0], $0xffff;
	v14 =	vsel vm4, v14, v13  }
0x77: {  	vm1 =	vne.s32 v10, v9;
	v22 =	vld.idx.msk [tilespmem:v15+s30+$0x0], $0xffff;
	v15 =	vmax.f32 v14, v16  }
0x78: {  	s7 =	simm.s32 $0x8;
	v12 =	vld.idx.msk [tilespmem:v18+s30+$0x0], $0xffff;
	v15 =	vsel vm1, v16, v15  }
0x79: {  	v25 =	vadd.s32 s7, v6;
	vm2 =	vne.s32 v11, v10;
	v18 =	vld.idx.msk [tilespmem:v27+s30+$0x0], $0xffff;
	v16 =	vmax.f32 v15, v26  }
0x7a: {  	s8 =	simm.s32 $0x9;
	v13 =	vld.idx.msk [tilespmem:v19+s30+$0x0], $0xffff;
	v16 =	vsel vm2, v26, v16  }
0x7b: {  	v19 =	vld.idx.msk [tilespmem:v27+s29+$0x0], $0xffff;
	v27 =	vadd.s32 s8, v6;
	[tilespmem:v17+s0+$0x0] =	vst.idx.msk vm3, v21;
	v17 =	vmax.f32 v16, v29  }
0x7c: {  	s6 =	simm.s32 $0xA  }
0x7d: {  	vm3 =	vne.s32 v22, v11;
	v26 =	vadd.s32 s6, v6  }
0x7e: {  	s7 =	simm.s32 $0xF;
	s8 =	simm.s32 $0xB;
	v21 =	vld.idx.msk [tilespmem:v25+s29+$0x0], $0xffff;
	[tilespmem:v20+s0+$0x0] =	vst.idx.msk vm4, v28;
	v20 =	vsel vm3, v29, v17;
	v17 =	vmov v22  }
.LBB2_6:
0x7f: {  	p0 =	slt.u32 s7, $0x3E3;
	v28 =	vadd.s32 s8, v6;
	vm5 =	vne.s32 v12, v22;
	v22 =	vmax.f32 v20, v24;
	v29 =	vld.idx.msk [tilespmem:v25+s30+$0x0], $0xffff  }
0x80: {  	s8 =	sadd.s32 $0x2, s6;
	v30 =	vsel vm5, v24, v22;
	v31 =	vld.idx.msk [tilespmem:v27+s29+$0x0], $0xffff;
	[tilespmem:v9+s0+$0x0] =	vst.idx.msk vm1, v14;
	v9 =	vmov v13  }
0x81: {  	v32 =	vadd.s32 s8, v6;
	vm4 =	vne.s32 v9, v12;
	v13 =	vmax.f32 v30, v23;
	v22 =	vld.idx.msk [tilespmem:v27+s30+$0x0], $0xffff  }
0x82: {  	s8 =	sadd.s32 $0x3, s6;
	v33 =	vld.idx.msk [tilespmem:v26+s30+$0x0], $0xffff;
	v14 =	vsel vm4, v23, v13;
	[tilespmem:v10+s0+$0x0] =	vst.idx.msk vm2, v15;
	v10 =	vmov v18  }
0x83: {  	v25 =	vadd.s32 s8, v6;
	v24 =	vld.idx.msk [tilespmem:v26+s29+$0x0], $0xffff;
	vm1 =	vne.s32 v10, v9;
	v15 =	vmax.f32 v14, v19  }
.Ltmp2:
0x84: {  	s8 =	sadd.s32 $0x4, s6;
	s6 =	smov.u32 s7;
	v13 =	vld.idx.msk [tilespmem:v28+s30+$0x0], $0xffff;
	v15 =	vsel vm1, v19, v15;
	[tilespmem:v11+s0+$0x0] =	vst.idx.msk vm3, v16;
	v11 =	vmov v29;
	(pc) =	sbr.rel @p0 .LBB2_6-.Ltmp2, $4  }
0x85: {  	v27 =	vadd.s32 s8, v6;
	v23 =	vld.idx.msk [tilespmem:v28+s29+$0x0], $0xffff;
	vm2 =	vne.s32 v11, v10;
	v16 =	vmax.f32 v15, v21  }
0x86: {  	v19 =	vld.idx.msk [tilespmem:v32+s29+$0x0], $0xffff;
	[tilespmem:v17+s0+$0x0] =	vst.idx.msk vm5, v20;
	v16 =	vsel vm2, v21, v16;
	v17 =	vmov v22  }
0x87: {  	v26 =	vadd.s32 s7, v6;
	vm3 =	vne.s32 v22, v11;
	v18 =	vld.idx.msk [tilespmem:v32+s30+$0x0], $0xffff;
	v20 =	vmax.f32 v16, v31  }
0x88: {  	s8 =	sadd.s32 $0x1, s6;
	s7 =	sadd.s32 $0x5, s7;
	v21 =	vld.idx.msk [tilespmem:v25+s29+$0x0], $0xffff;
	[tilespmem:v12+s0+$0x0] =	vst.idx.msk vm4, v30;
	v20 =	vsel vm3, v31, v20;
	v12 =	vmov v33  }
0x89: {  	_ =	sdelay $0x3  }
0x8a: {  	v28 =	vadd.s32 s8, v6;
	v25 =	vld.idx.msk [tilespmem:v25+s30+$0x0], $0xffff  }
0x8b: {  	s7 =	sadd.s32 $0x2, s6;
	v29 =	vld.idx.msk [tilespmem:v27+s29+$0x0], $0xffff  }
0x8c: {  	vm4 =	vne.s32 v12, v22;
	v22 =	vmax.f32 v20, v24;
	v27 =	vld.idx.msk [tilespmem:v27+s30+$0x0], $0xffff;
	s8 =	sadd.s32 $0x3, s6;
	v30 =	vadd.s32 s7, v6  }
0x8d: {  	v22 =	vsel vm4, v24, v22;
	v24 =	vld.idx.msk [tilespmem:v26+s30+$0x0], $0xffff;
	v31 =	vadd.s32 s8, v6;
	s7 =	sadd.s32 $0x4, s6  }
0x8e: {  	vm5 =	vne.s32 v13, v12;
	v26 =	vld.idx.msk [tilespmem:v26+s29+$0x0], $0xffff;
	v32 =	vmax.f32 v22, v23;
	v33 =	vadd.s32 s7, v6  }
0x8f: {  	v23 =	vsel vm5, v23, v32;
	v62 =	vld.idx.msk [tilespmem:v28+s30+$0x0], $0xffff  }
0x90: {  	vm6 =	vne.s32 v18, v13;
	v34 =	vmax.f32 v23, v19;
	v28 =	vld.idx.msk [tilespmem:v28+s29+$0x0], $0xffff  }
0x91: {  	v19 =	vsel vm6, v19, v34;
	v63 =	vld.idx.msk [tilespmem:v30+s30+$0x0], $0xffff  }
0x92: {  	[tilespmem:v9+s0+$0x0] =	vst.idx.msk vm1, v14;
	vm1 =	vne.s32 v25, v18;
	v9 =	vmax.f32 v19, v21;
	v14 =	vld.idx.msk [tilespmem:v31+s30+$0x0], $0xffff  }
0x93: {  	[tilespmem:v10+s0+$0x0] =	vst.idx.msk vm2, v15;
	vm2 =	vne.s32 v27, v25;
	v9 =	vsel vm1, v21, v9;
	v10 =	vld.idx.msk [tilespmem:v33+s30+$0x0], $0xffff  }
0x94: {  	[tilespmem:v11+s0+$0x0] =	vst.idx.msk vm3, v16;
	vm3 =	vne.s32 v24, v27;
	v11 =	vmax.f32 v9, v29  }
0x95: {  	[tilespmem:v17+s0+$0x0] =	vst.idx.msk vm4, v20;
	v15 =	vld.idx.msk [tilespmem:v30+s29+$0x0], $0xffff;
	v11 =	vsel vm2, v29, v11;
	vm4 =	vne.s32 v62, v24  }
0x96: {  	[tilespmem:v12+s0+$0x0] =	vst.idx.msk vm5, v22;
	v12 =	vmax.f32 v11, v26;
	vm5 =	vne.s32 v63, v62  }
0x97: {  	v16 =	vld.idx.msk [tilespmem:v31+s29+$0x0], $0xffff;
	[tilespmem:v13+s0+$0x0] =	vst.idx.msk vm6, v23;
	v12 =	vsel vm3, v26, v12;
	vm15 =	vne.s32 v14, v63  }
0x98: {  	[tilespmem:v18+s0+$0x0] =	vst.idx.msk vm1, v19;
	v13 =	vmax.f32 v12, v28;
	vm1 =	vne.s32 v10, v14  }
0x99: {  	[tilespmem:v25+s0+$0x0] =	vst.idx.msk vm2, v9;
	v9 =	vld.idx.msk [tilespmem:v33+s29+$0x0], $0xffff;
	v13 =	vsel vm4, v28, v13  }
0x9a: {  	[tilespmem:v27+s0+$0x0] =	vst.idx.msk vm3, v11;
	v11 =	vmax.f32 v13, v15  }
0x9b: {  	v11 =	vsel vm5, v15, v11;
	[tilespmem:v24+s0+$0x0] =	vst.idx.msk vm4, v12  }
0x9c: {  	v12 =	vmax.f32 v11, v16;
	[tilespmem:v62+s0+$0x0] =	vst.idx.msk vm5, v13  }
0x9d: {  	v12 =	vsel vm15, v16, v12;
	[tilespmem:v63+s0+$0x0] =	vst.idx.msk vm15, v11  }
0x9e: {  	v11 =	vmax.f32 v12, v9;
	[tilespmem:v14+s0+$0x0] =	vst.idx.msk vm1, v12  }
0x9f: {  	v9 =	vsel vm1, v9, v11;
	[tilespmem:$0x16090] =	vst v10  }
0xa0: {  	s6 =	simm.s32 $0x0;
	s8 =	rddreg [dreg:$0x9];
	[tilespmem:$0x16140] =	vst v9  }
0xa1: {  	[tilespmem:s29], [sflag:$0x2] =	stream.linear.gather [hbm4b:s8+s6], $0x4E20, $0x38;
	[tilespmem:$0x161E0] =	vst v63  }
0xa2: {  	s8 =	rddreg [dreg:$0xa]  }
0xa3: {  	[tilespmem:s30], [sflag:$0x4] =	stream.linear.gather [hbm4b:s8+s6], $0x4E20, $0x38;
	[tilespmem:$0x161E0] =	vst v63  }
0xa4: {  	_ =	swait.ge [sflag:s31], $0x4E20  }
0xa5: {  	[sflag:s31] =	ssyncset.done $0x0  }
0xa6: {  	v9 =	vadd.s32 s6, v7;
	[sflag:s31] =	ssyncadd.s32 $0xFFFFB1E0  }
0xa7: {  	s8 =	simm.s32 $0x1;
	_ =	swait.ge [sflag:s21], $0x4E20  }
0xa8: {  	v10 =	vadd.s32 s8, v7;
	[sflag:s21] =	ssyncset.done $0x0  }
0xa9: {  	s7 =	simm.s32 $0x2;
	[sflag:s21] =	ssyncadd.s32 $0xFFFFB1E0  }
0xaa: {  	v11 =	vadd.s32 s7, v7;
	v17 =	vld.idx.msk [tilespmem:v7+s28+$0x0], $0xffff  }
0xab: {  	s8 =	simm.s32 $0x3;
	v20 =	vld.idx.msk [tilespmem:v9+s28+$0x0], $0xffff  }
0xac: {  	v13 =	vadd.s32 s8, v7;
	v12 =	vld.idx.msk [tilespmem:v9+s1+$0x0], $0xffff  }
0xad: {  	s7 =	simm.s32 $0x4;
	v9 =	vld.idx.msk [tilespmem:v10+s28+$0x0], $0xffff  }
0xae: {  	v15 =	vadd.s32 s7, v7;
	s7 =	simm.s32 $0x6;
	v14 =	vld.idx.msk [tilespmem:v10+s1+$0x0], $0xffff  }
0xaf: {  	v19 =	vadd.s32 s7, v7;
	s8 =	simm.s32 $0x5;
	v16 =	vld.idx.msk [tilespmem:v11+s1+$0x0], $0xffff  }
0xb0: {  	v18 =	vadd.s32 s8, v7;
	v10 =	vld.idx.msk [tilespmem:v11+s28+$0x0], $0xffff  }
0xb1: {  	v21 =	vimm.f32 $-Inf;
	v26 =	vld.idx.msk [tilespmem:v13+s1+$0x0], $0xffff  }
0xb2: {  	s8 =	simm.s32 $0x7;
	v11 =	vld.idx.msk [tilespmem:v13+s28+$0x0], $0xffff;
	vm3 =	vne.s32 v20, v17;
	v22 =	vmax.f32 v21, v12  }
0xb3: {  	v27 =	vadd.s32 s8, v7;
	v29 =	vld.idx.msk [tilespmem:v15+s1+$0x0], $0xffff;
	v28 =	vsel vm3, v12, v22  }
0xb4: {  	v23 =	vld.idx.msk [tilespmem:v19+s1+$0x0], $0xffff;
	vm4 =	vne.s32 v9, v20;
	v13 =	vmax.f32 v28, v14  }
0xb5: {  	v24 =	vld.idx.msk [tilespmem:v18+s1+$0x0], $0xffff;
	v14 =	vsel vm4, v14, v13  }
0xb6: {  	vm1 =	vne.s32 v10, v9;
	v22 =	vld.idx.msk [tilespmem:v15+s28+$0x0], $0xffff;
	v15 =	vmax.f32 v14, v16  }
0xb7: {  	s7 =	simm.s32 $0x8;
	v12 =	vld.idx.msk [tilespmem:v18+s28+$0x0], $0xffff;
	v15 =	vsel vm1, v16, v15  }
0xb8: {  	v25 =	vadd.s32 s7, v7;
	vm2 =	vne.s32 v11, v10;
	v18 =	vld.idx.msk [tilespmem:v27+s28+$0x0], $0xffff;
	v16 =	vmax.f32 v15, v26  }
0xb9: {  	s8 =	simm.s32 $0x9;
	v13 =	vld.idx.msk [tilespmem:v19+s28+$0x0], $0xffff;
	v16 =	vsel vm2, v26, v16  }
0xba: {  	v19 =	vld.idx.msk [tilespmem:v27+s1+$0x0], $0xffff;
	v27 =	vadd.s32 s8, v7;
	[tilespmem:v17+s0+$0x0] =	vst.idx.msk vm3, v21;
	v17 =	vmax.f32 v16, v29  }
0xbb: {  	s6 =	simm.s32 $0xA  }
0xbc: {  	vm3 =	vne.s32 v22, v11;
	v26 =	vadd.s32 s6, v7  }
0xbd: {  	s7 =	simm.s32 $0xF;
	s8 =	simm.s32 $0xB;
	v21 =	vld.idx.msk [tilespmem:v25+s1+$0x0], $0xffff;
	[tilespmem:v20+s0+$0x0] =	vst.idx.msk vm4, v28;
	v20 =	vsel vm3, v29, v17;
	v17 =	vmov v22  }
.LBB2_8:
0xbe: {  	p0 =	slt.u32 s7, $0x4DD;
	v28 =	vadd.s32 s8, v7;
	vm5 =	vne.s32 v12, v22;
	v22 =	vmax.f32 v20, v24;
	v29 =	vld.idx.msk [tilespmem:v25+s28+$0x0], $0xffff  }
0xbf: {  	s8 =	sadd.s32 $0x2, s6;
	v30 =	vsel vm5, v24, v22;
	v31 =	vld.idx.msk [tilespmem:v27+s1+$0x0], $0xffff;
	[tilespmem:v9+s0+$0x0] =	vst.idx.msk vm1, v14;
	v9 =	vmov v13  }
0xc0: {  	v32 =	vadd.s32 s8, v7;
	vm4 =	vne.s32 v9, v12;
	v13 =	vmax.f32 v30, v23;
	v22 =	vld.idx.msk [tilespmem:v27+s28+$0x0], $0xffff  }
0xc1: {  	s8 =	sadd.s32 $0x3, s6;
	v33 =	vld.idx.msk [tilespmem:v26+s28+$0x0], $0xffff;
	v14 =	vsel vm4, v23, v13;
	[tilespmem:v10+s0+$0x0] =	vst.idx.msk vm2, v15;
	v10 =	vmov v18  }
0xc2: {  	v25 =	vadd.s32 s8, v7;
	v24 =	vld.idx.msk [tilespmem:v26+s1+$0x0], $0xffff;
	vm1 =	vne.s32 v10, v9;
	v15 =	vmax.f32 v14, v19  }
.Ltmp3:
0xc3: {  	s8 =	sadd.s32 $0x4, s6;
	s6 =	smov.u32 s7;
	v13 =	vld.idx.msk [tilespmem:v28+s28+$0x0], $0xffff;
	v15 =	vsel vm1, v19, v15;
	[tilespmem:v11+s0+$0x0] =	vst.idx.msk vm3, v16;
	v11 =	vmov v29;
	(pc) =	sbr.rel @p0 .LBB2_8-.Ltmp3, $4  }
0xc4: {  	v27 =	vadd.s32 s8, v7;
	v23 =	vld.idx.msk [tilespmem:v28+s1+$0x0], $0xffff;
	vm2 =	vne.s32 v11, v10;
	v16 =	vmax.f32 v15, v21  }
0xc5: {  	v19 =	vld.idx.msk [tilespmem:v32+s1+$0x0], $0xffff;
	[tilespmem:v17+s0+$0x0] =	vst.idx.msk vm5, v20;
	v16 =	vsel vm2, v21, v16;
	v17 =	vmov v22  }
0xc6: {  	v26 =	vadd.s32 s7, v7;
	vm3 =	vne.s32 v22, v11;
	v18 =	vld.idx.msk [tilespmem:v32+s28+$0x0], $0xffff;
	v20 =	vmax.f32 v16, v31  }
0xc7: {  	s8 =	sadd.s32 $0x1, s6;
	s7 =	sadd.s32 $0x5, s7;
	v21 =	vld.idx.msk [tilespmem:v25+s1+$0x0], $0xffff;
	[tilespmem:v12+s0+$0x0] =	vst.idx.msk vm4, v30;
	v20 =	vsel vm3, v31, v20;
	v12 =	vmov v33  }
0xc8: {  	_ =	sdelay $0x3  }
0xc9: {  	v28 =	vadd.s32 s8, v7;
	v25 =	vld.idx.msk [tilespmem:v25+s28+$0x0], $0xffff  }
0xca: {  	s7 =	sadd.s32 $0x2, s6;
	v29 =	vld.idx.msk [tilespmem:v27+s1+$0x0], $0xffff  }
0xcb: {  	vm4 =	vne.s32 v12, v22;
	v22 =	vmax.f32 v20, v24;
	v27 =	vld.idx.msk [tilespmem:v27+s28+$0x0], $0xffff;
	s8 =	sadd.s32 $0x3, s6;
	v30 =	vadd.s32 s7, v7  }
0xcc: {  	v22 =	vsel vm4, v24, v22;
	v24 =	vld.idx.msk [tilespmem:v26+s28+$0x0], $0xffff;
	v31 =	vadd.s32 s8, v7;
	s8 =	sadd.s32 $0x4, s6  }
0xcd: {  	vm5 =	vne.s32 v13, v12;
	v26 =	vld.idx.msk [tilespmem:v26+s1+$0x0], $0xffff;
	v32 =	vmax.f32 v22, v23;
	v33 =	vadd.s32 s8, v7  }
0xce: {  	v23 =	vsel vm5, v23, v32;
	v62 =	vld.idx.msk [tilespmem:v28+s28+$0x0], $0xffff  }
0xcf: {  	vm6 =	vne.s32 v18, v13;
	v34 =	vmax.f32 v23, v19;
	v28 =	vld.idx.msk [tilespmem:v28+s1+$0x0], $0xffff  }
0xd0: {  	v19 =	vsel vm6, v19, v34;
	v63 =	vld.idx.msk [tilespmem:v30+s28+$0x0], $0xffff  }
0xd1: {  	[tilespmem:v9+s0+$0x0] =	vst.idx.msk vm1, v14;
	vm1 =	vne.s32 v25, v18;
	v9 =	vmax.f32 v19, v21;
	v14 =	vld.idx.msk [tilespmem:v31+s28+$0x0], $0xffff  }
0xd2: {  	[tilespmem:v10+s0+$0x0] =	vst.idx.msk vm2, v15;
	vm2 =	vne.s32 v27, v25;
	v9 =	vsel vm1, v21, v9;
	v10 =	vld.idx.msk [tilespmem:v33+s28+$0x0], $0xffff  }
0xd3: {  	[tilespmem:v11+s0+$0x0] =	vst.idx.msk vm3, v16;
	vm3 =	vne.s32 v24, v27;
	v11 =	vmax.f32 v9, v29  }
0xd4: {  	[tilespmem:v17+s0+$0x0] =	vst.idx.msk vm4, v20;
	v15 =	vld.idx.msk [tilespmem:v30+s1+$0x0], $0xffff;
	v11 =	vsel vm2, v29, v11;
	vm4 =	vne.s32 v62, v24  }
0xd5: {  	[tilespmem:v12+s0+$0x0] =	vst.idx.msk vm5, v22;
	v12 =	vmax.f32 v11, v26;
	vm5 =	vne.s32 v63, v62  }
0xd6: {  	v16 =	vld.idx.msk [tilespmem:v31+s1+$0x0], $0xffff;
	[tilespmem:v13+s0+$0x0] =	vst.idx.msk vm6, v23;
	v12 =	vsel vm3, v26, v12;
	vm15 =	vne.s32 v14, v63  }
0xd7: {  	[tilespmem:v18+s0+$0x0] =	vst.idx.msk vm1, v19;
	v13 =	vmax.f32 v12, v28;
	vm1 =	vne.s32 v10, v14  }
0xd8: {  	[tilespmem:v25+s0+$0x0] =	vst.idx.msk vm2, v9;
	v9 =	vld.idx.msk [tilespmem:v33+s1+$0x0], $0xffff;
	v13 =	vsel vm4, v28, v13  }
0xd9: {  	[tilespmem:v27+s0+$0x0] =	vst.idx.msk vm3, v11;
	v11 =	vmax.f32 v13, v15  }
0xda: {  	v11 =	vsel vm5, v15, v11;
	[tilespmem:v24+s0+$0x0] =	vst.idx.msk vm4, v12  }
0xdb: {  	v12 =	vmax.f32 v11, v16;
	[tilespmem:v62+s0+$0x0] =	vst.idx.msk vm5, v13  }
0xdc: {  	v12 =	vsel vm15, v16, v12;
	[tilespmem:v63+s0+$0x0] =	vst.idx.msk vm15, v11  }
0xdd: {  	v11 =	vmax.f32 v12, v9;
	[tilespmem:v14+s0+$0x0] =	vst.idx.msk vm1, v12  }
0xde: {  	v9 =	vsel vm1, v9, v11;
	[tilespmem:$0x160A0] =	vst v10  }
0xdf: {  	s7 =	simm.s32 $0x0;
	[tilespmem:$0x16150] =	vst v9  }
0xe0: {  	[tilespmem:s7], [sflag:$0x1] =	stream.linear.gather [hbm4b:s9+s7], $0x4E20, $0x38;
	[tilespmem:$0x161E0] =	vst v63  }
0xe1: {  	_ = 	snop  }
0xe2: {  	[tilespmem:s28], [sflag:$0x3] =	stream.linear.gather [hbm4b:s10+s7], $0x4E20, $0x38;
	[tilespmem:$0x161E0] =	vst v63  }
0xe3: {  	_ =	swait.ge [sflag:s2], $0x4E20  }
0xe4: {  	[sflag:s2] =	ssyncset.done $0x0  }
0xe5: {  	v9 =	vadd.s32 s7, v7;
	[sflag:s2] =	ssyncadd.s32 $0xFFFFB1E0  }
0xe6: {  	s8 =	simm.s32 $0x1;
	_ =	swait.ge [sflag:s3], $0x4E20  }
0xe7: {  	v10 =	vadd.s32 s8, v7;
	[sflag:s3] =	ssyncset.done $0x0  }
0xe8: {  	s7 =	simm.s32 $0x2;
	[sflag:s3] =	ssyncadd.s32 $0xFFFFB1E0  }
0xe9: {  	v11 =	vadd.s32 s7, v7;
	v17 =	vld.idx.msk [tilespmem:v7+s30+$0x0], $0xffff  }
0xea: {  	s8 =	simm.s32 $0x3;
	v20 =	vld.idx.msk [tilespmem:v9+s30+$0x0], $0xffff  }
0xeb: {  	v13 =	vadd.s32 s8, v7;
	v12 =	vld.idx.msk [tilespmem:v9+s29+$0x0], $0xffff  }
0xec: {  	s7 =	simm.s32 $0x4;
	v9 =	vld.idx.msk [tilespmem:v10+s30+$0x0], $0xffff  }
0xed: {  	s8 =	simm.s32 $0x5;
	v15 =	vadd.s32 s7, v7;
	v14 =	vld.idx.msk [tilespmem:v10+s29+$0x0], $0xffff  }
0xee: {  	v18 =	vadd.s32 s8, v7;
	s7 =	simm.s32 $0x6;
	v16 =	vld.idx.msk [tilespmem:v11+s29+$0x0], $0xffff  }
0xef: {  	v19 =	vadd.s32 s7, v7;
	v10 =	vld.idx.msk [tilespmem:v11+s30+$0x0], $0xffff  }
0xf0: {  	v21 =	vimm.f32 $-Inf;
	v26 =	vld.idx.msk [tilespmem:v13+s29+$0x0], $0xffff  }
0xf1: {  	s8 =	simm.s32 $0x7;
	v11 =	vld.idx.msk [tilespmem:v13+s30+$0x0], $0xffff;
	vm3 =	vne.s32 v20, v17;
	v22 =	vmax.f32 v21, v12  }
0xf2: {  	v27 =	vadd.s32 s8, v7;
	v29 =	vld.idx.msk [tilespmem:v15+s29+$0x0], $0xffff;
	v28 =	vsel vm3, v12, v22  }
0xf3: {  	v24 =	vld.idx.msk [tilespmem:v18+s29+$0x0], $0xffff;
	vm4 =	vne.s32 v9, v20;
	v13 =	vmax.f32 v28, v14  }
0xf4: {  	v23 =	vld.idx.msk [tilespmem:v19+s29+$0x0], $0xffff;
	v14 =	vsel vm4, v14, v13  }
0xf5: {  	vm1 =	vne.s32 v10, v9;
	v22 =	vld.idx.msk [tilespmem:v15+s30+$0x0], $0xffff;
	v15 =	vmax.f32 v14, v16  }
0xf6: {  	s7 =	simm.s32 $0x8;
	v12 =	vld.idx.msk [tilespmem:v18+s30+$0x0], $0xffff;
	v15 =	vsel vm1, v16, v15  }
0xf7: {  	v25 =	vadd.s32 s7, v7;
	vm2 =	vne.s32 v11, v10;
	v18 =	vld.idx.msk [tilespmem:v27+s30+$0x0], $0xffff;
	v16 =	vmax.f32 v15, v26  }
0xf8: {  	s8 =	simm.s32 $0x9;
	v13 =	vld.idx.msk [tilespmem:v19+s30+$0x0], $0xffff;
	v16 =	vsel vm2, v26, v16  }
0xf9: {  	v19 =	vld.idx.msk [tilespmem:v27+s29+$0x0], $0xffff;
	v27 =	vadd.s32 s8, v7;
	[tilespmem:v17+s0+$0x0] =	vst.idx.msk vm3, v21;
	v17 =	vmax.f32 v16, v29  }
0xfa: {  	s6 =	simm.s32 $0xA  }
0xfb: {  	vm3 =	vne.s32 v22, v11;
	v26 =	vadd.s32 s6, v7  }
0xfc: {  	s7 =	simm.s32 $0xF;
	s8 =	simm.s32 $0xB;
	v21 =	vld.idx.msk [tilespmem:v25+s29+$0x0], $0xffff;
	[tilespmem:v20+s0+$0x0] =	vst.idx.msk vm4, v28;
	v20 =	vsel vm3, v29, v17;
	v17 =	vmov v22  }
.LBB2_10:
0xfd: {  	p0 =	slt.u32 s7, $0x4DD;
	v28 =	vadd.s32 s8, v7;
	vm5 =	vne.s32 v12, v22;
	v22 =	vmax.f32 v20, v24;
	v29 =	vld.idx.msk [tilespmem:v25+s30+$0x0], $0xffff  }
0xfe: {  	s8 =	sadd.s32 $0x2, s6;
	v30 =	vsel vm5, v24, v22;
	v31 =	vld.idx.msk [tilespmem:v27+s29+$0x0], $0xffff;
	[tilespmem:v9+s0+$0x0] =	vst.idx.msk vm1, v14;
	v9 =	vmov v13  }
0xff: {  	v32 =	vadd.s32 s8, v7;
	vm4 =	vne.s32 v9, v12;
	v13 =	vmax.f32 v30, v23;
	v22 =	vld.idx.msk [tilespmem:v27+s30+$0x0], $0xffff  }
0x100: {  	s8 =	sadd.s32 $0x3, s6;
	v33 =	vld.idx.msk [tilespmem:v26+s30+$0x0], $0xffff;
	v14 =	vsel vm4, v23, v13;
	[tilespmem:v10+s0+$0x0] =	vst.idx.msk vm2, v15;
	v10 =	vmov v18  }
0x101: {  	v25 =	vadd.s32 s8, v7;
	v24 =	vld.idx.msk [tilespmem:v26+s29+$0x0], $0xffff;
	vm1 =	vne.s32 v10, v9;
	v15 =	vmax.f32 v14, v19  }
.Ltmp4:
0x102: {  	s8 =	sadd.s32 $0x4, s6;
	s6 =	smov.u32 s7;
	v13 =	vld.idx.msk [tilespmem:v28+s30+$0x0], $0xffff;
	v15 =	vsel vm1, v19, v15;
	[tilespmem:v11+s0+$0x0] =	vst.idx.msk vm3, v16;
	v11 =	vmov v29;
	(pc) =	sbr.rel @p0 .LBB2_10-.Ltmp4, $4  }
0x103: {  	v27 =	vadd.s32 s8, v7;
	v23 =	vld.idx.msk [tilespmem:v28+s29+$0x0], $0xffff;
	vm2 =	vne.s32 v11, v10;
	v16 =	vmax.f32 v15, v21  }
0x104: {  	v19 =	vld.idx.msk [tilespmem:v32+s29+$0x0], $0xffff;
	[tilespmem:v17+s0+$0x0] =	vst.idx.msk vm5, v20;
	v16 =	vsel vm2, v21, v16;
	v17 =	vmov v22  }
0x105: {  	v26 =	vadd.s32 s7, v7;
	vm3 =	vne.s32 v22, v11;
	v18 =	vld.idx.msk [tilespmem:v32+s30+$0x0], $0xffff;
	v20 =	vmax.f32 v16, v31  }
0x106: {  	s8 =	sadd.s32 $0x1, s6;
	s7 =	sadd.s32 $0x5, s7;
	v21 =	vld.idx.msk [tilespmem:v25+s29+$0x0], $0xffff;
	[tilespmem:v12+s0+$0x0] =	vst.idx.msk vm4, v30;
	v20 =	vsel vm3, v31, v20;
	v12 =	vmov v33  }
0x107: {  	_ =	sdelay $0x3  }
0x108: {  	v28 =	vadd.s32 s8, v7;
	v25 =	vld.idx.msk [tilespmem:v25+s30+$0x0], $0xffff  }
0x109: {  	s7 =	sadd.s32 $0x2, s6;
	v29 =	vld.idx.msk [tilespmem:v27+s29+$0x0], $0xffff  }
0x10a: {  	vm4 =	vne.s32 v12, v22;
	v22 =	vmax.f32 v20, v24;
	v27 =	vld.idx.msk [tilespmem:v27+s30+$0x0], $0xffff;
	s8 =	sadd.s32 $0x3, s6;
	v30 =	vadd.s32 s7, v7  }
0x10b: {  	v22 =	vsel vm4, v24, v22;
	v24 =	vld.idx.msk [tilespmem:v26+s30+$0x0], $0xffff;
	v31 =	vadd.s32 s8, v7;
	s8 =	sadd.s32 $0x4, s6  }
0x10c: {  	vm5 =	vne.s32 v13, v12;
	v26 =	vld.idx.msk [tilespmem:v26+s29+$0x0], $0xffff;
	v32 =	vmax.f32 v22, v23;
	v33 =	vadd.s32 s8, v7  }
0x10d: {  	v23 =	vsel vm5, v23, v32;
	v62 =	vld.idx.msk [tilespmem:v28+s30+$0x0], $0xffff  }
0x10e: {  	vm6 =	vne.s32 v18, v13;
	v34 =	vmax.f32 v23, v19;
	v28 =	vld.idx.msk [tilespmem:v28+s29+$0x0], $0xffff  }
0x10f: {  	v19 =	vsel vm6, v19, v34;
	v63 =	vld.idx.msk [tilespmem:v30+s30+$0x0], $0xffff  }
0x110: {  	[tilespmem:v9+s0+$0x0] =	vst.idx.msk vm1, v14;
	vm1 =	vne.s32 v25, v18;
	v9 =	vmax.f32 v19, v21;
	v14 =	vld.idx.msk [tilespmem:v31+s30+$0x0], $0xffff  }
0x111: {  	[tilespmem:v10+s0+$0x0] =	vst.idx.msk vm2, v15;
	vm2 =	vne.s32 v27, v25;
	v9 =	vsel vm1, v21, v9;
	v10 =	vld.idx.msk [tilespmem:v33+s30+$0x0], $0xffff  }
0x112: {  	[tilespmem:v11+s0+$0x0] =	vst.idx.msk vm3, v16;
	vm3 =	vne.s32 v24, v27;
	v11 =	vmax.f32 v9, v29  }
0x113: {  	[tilespmem:v17+s0+$0x0] =	vst.idx.msk vm4, v20;
	v15 =	vld.idx.msk [tilespmem:v30+s29+$0x0], $0xffff;
	v11 =	vsel vm2, v29, v11;
	vm4 =	vne.s32 v62, v24  }
0x114: {  	[tilespmem:v12+s0+$0x0] =	vst.idx.msk vm5, v22;
	v12 =	vmax.f32 v11, v26;
	vm5 =	vne.s32 v63, v62  }
0x115: {  	v16 =	vld.idx.msk [tilespmem:v31+s29+$0x0], $0xffff;
	[tilespmem:v13+s0+$0x0] =	vst.idx.msk vm6, v23;
	v12 =	vsel vm3, v26, v12;
	vm15 =	vne.s32 v14, v63  }
0x116: {  	[tilespmem:v18+s0+$0x0] =	vst.idx.msk vm1, v19;
	v13 =	vmax.f32 v12, v28;
	vm1 =	vne.s32 v10, v14  }
0x117: {  	[tilespmem:v25+s0+$0x0] =	vst.idx.msk vm2, v9;
	v9 =	vld.idx.msk [tilespmem:v33+s29+$0x0], $0xffff;
	v13 =	vsel vm4, v28, v13  }
0x118: {  	[tilespmem:v27+s0+$0x0] =	vst.idx.msk vm3, v11;
	v11 =	vmax.f32 v13, v15  }
0x119: {  	v11 =	vsel vm5, v15, v11;
	[tilespmem:v24+s0+$0x0] =	vst.idx.msk vm4, v12  }
0x11a: {  	v12 =	vmax.f32 v11, v16;
	[tilespmem:v62+s0+$0x0] =	vst.idx.msk vm5, v13  }
0x11b: {  	v12 =	vsel vm15, v16, v12;
	[tilespmem:v63+s0+$0x0] =	vst.idx.msk vm15, v11  }
0x11c: {  	v11 =	vmax.f32 v12, v9;
	[tilespmem:v14+s0+$0x0] =	vst.idx.msk vm1, v12  }
0x11d: {  	v9 =	vsel vm1, v9, v11;
	[tilespmem:$0x160B0] =	vst v10  }
0x11e: {  	s7 =	simm.s32 $0x0;
	[tilespmem:$0x16160] =	vst v9  }
0x11f: {  	[tilespmem:s29], [sflag:$0x2] =	stream.linear.gather [hbm4b:s11+s7], $0x4E20, $0x38;
	[tilespmem:$0x161E0] =	vst v63  }
0x120: {  	_ = 	snop  }
0x121: {  	[tilespmem:s30], [sflag:$0x4] =	stream.linear.gather [hbm4b:s12+s7], $0x4E20, $0x38;
	[tilespmem:$0x161E0] =	vst v63  }
0x122: {  	_ =	swait.ge [sflag:s31], $0x4E20  }
0x123: {  	[sflag:s31] =	ssyncset.done $0x0  }
0x124: {  	v9 =	vadd.s32 s7, v7;
	[sflag:s31] =	ssyncadd.s32 $0xFFFFB1E0  }
0x125: {  	s8 =	simm.s32 $0x1;
	_ =	swait.ge [sflag:s21], $0x4E20  }
0x126: {  	v10 =	vadd.s32 s8, v7;
	[sflag:s21] =	ssyncset.done $0x0  }
0x127: {  	s7 =	simm.s32 $0x2;
	[sflag:s21] =	ssyncadd.s32 $0xFFFFB1E0  }
0x128: {  	v11 =	vadd.s32 s7, v7;
	v17 =	vld.idx.msk [tilespmem:v7+s28+$0x0], $0xffff  }
0x129: {  	s8 =	simm.s32 $0x3;
	v20 =	vld.idx.msk [tilespmem:v9+s28+$0x0], $0xffff  }
0x12a: {  	v13 =	vadd.s32 s8, v7;
	v12 =	vld.idx.msk [tilespmem:v9+s1+$0x0], $0xffff  }
0x12b: {  	s7 =	simm.s32 $0x4;
	v9 =	vld.idx.msk [tilespmem:v10+s28+$0x0], $0xffff  }
0x12c: {  	s8 =	simm.s32 $0x5;
	v15 =	vadd.s32 s7, v7;
	v14 =	vld.idx.msk [tilespmem:v10+s1+$0x0], $0xffff  }
0x12d: {  	v18 =	vadd.s32 s8, v7;
	s7 =	simm.s32 $0x6;
	v16 =	vld.idx.msk [tilespmem:v11+s1+$0x0], $0xffff  }
0x12e: {  	v19 =	vadd.s32 s7, v7;
	v10 =	vld.idx.msk [tilespmem:v11+s28+$0x0], $0xffff  }
0x12f: {  	v21 =	vimm.f32 $-Inf;
	v26 =	vld.idx.msk [tilespmem:v13+s1+$0x0], $0xffff  }
0x130: {  	s8 =	simm.s32 $0x7;
	v11 =	vld.idx.msk [tilespmem:v13+s28+$0x0], $0xffff;
	vm3 =	vne.s32 v20, v17;
	v22 =	vmax.f32 v21, v12  }
0x131: {  	v27 =	vadd.s32 s8, v7;
	v29 =	vld.idx.msk [tilespmem:v15+s1+$0x0], $0xffff;
	v28 =	vsel vm3, v12, v22  }
0x132: {  	v24 =	vld.idx.msk [tilespmem:v18+s1+$0x0], $0xffff;
	vm4 =	vne.s32 v9, v20;
	v13 =	vmax.f32 v28, v14  }
0x133: {  	v23 =	vld.idx.msk [tilespmem:v19+s1+$0x0], $0xffff;
	v14 =	vsel vm4, v14, v13  }
0x134: {  	vm1 =	vne.s32 v10, v9;
	v22 =	vld.idx.msk [tilespmem:v15+s28+$0x0], $0xffff;
	v15 =	vmax.f32 v14, v16  }
0x135: {  	s7 =	simm.s32 $0x8;
	v12 =	vld.idx.msk [tilespmem:v18+s28+$0x0], $0xffff;
	v15 =	vsel vm1, v16, v15  }
0x136: {  	v25 =	vadd.s32 s7, v7;
	vm2 =	vne.s32 v11, v10;
	v18 =	vld.idx.msk [tilespmem:v27+s28+$0x0], $0xffff;
	v16 =	vmax.f32 v15, v26  }
0x137: {  	s8 =	simm.s32 $0x9;
	v13 =	vld.idx.msk [tilespmem:v19+s28+$0x0], $0xffff;
	v16 =	vsel vm2, v26, v16  }
0x138: {  	v19 =	vld.idx.msk [tilespmem:v27+s1+$0x0], $0xffff;
	v27 =	vadd.s32 s8, v7;
	[tilespmem:v17+s0+$0x0] =	vst.idx.msk vm3, v21;
	v17 =	vmax.f32 v16, v29  }
0x139: {  	s6 =	simm.s32 $0xA  }
0x13a: {  	vm3 =	vne.s32 v22, v11;
	v26 =	vadd.s32 s6, v7  }
0x13b: {  	s7 =	simm.s32 $0xF;
	s8 =	simm.s32 $0xB;
	v21 =	vld.idx.msk [tilespmem:v25+s1+$0x0], $0xffff;
	[tilespmem:v20+s0+$0x0] =	vst.idx.msk vm4, v28;
	v20 =	vsel vm3, v29, v17;
	v17 =	vmov v22  }
.LBB2_12:
0x13c: {  	p0 =	slt.u32 s7, $0x4DD;
	v28 =	vadd.s32 s8, v7;
	vm5 =	vne.s32 v12, v22;
	v22 =	vmax.f32 v20, v24;
	v29 =	vld.idx.msk [tilespmem:v25+s28+$0x0], $0xffff  }
0x13d: {  	s8 =	sadd.s32 $0x2, s6;
	v30 =	vsel vm5, v24, v22;
	v31 =	vld.idx.msk [tilespmem:v27+s1+$0x0], $0xffff;
	[tilespmem:v9+s0+$0x0] =	vst.idx.msk vm1, v14;
	v9 =	vmov v13  }
0x13e: {  	v32 =	vadd.s32 s8, v7;
	vm4 =	vne.s32 v9, v12;
	v13 =	vmax.f32 v30, v23;
	v22 =	vld.idx.msk [tilespmem:v27+s28+$0x0], $0xffff  }
0x13f: {  	s8 =	sadd.s32 $0x3, s6;
	v33 =	vld.idx.msk [tilespmem:v26+s28+$0x0], $0xffff;
	v14 =	vsel vm4, v23, v13;
	[tilespmem:v10+s0+$0x0] =	vst.idx.msk vm2, v15;
	v10 =	vmov v18  }
0x140: {  	v25 =	vadd.s32 s8, v7;
	v24 =	vld.idx.msk [tilespmem:v26+s1+$0x0], $0xffff;
	vm1 =	vne.s32 v10, v9;
	v15 =	vmax.f32 v14, v19  }
.Ltmp5:
0x141: {  	s8 =	sadd.s32 $0x4, s6;
	s6 =	smov.u32 s7;
	v13 =	vld.idx.msk [tilespmem:v28+s28+$0x0], $0xffff;
	v15 =	vsel vm1, v19, v15;
	[tilespmem:v11+s0+$0x0] =	vst.idx.msk vm3, v16;
	v11 =	vmov v29;
	(pc) =	sbr.rel @p0 .LBB2_12-.Ltmp5, $4  }
0x142: {  	v27 =	vadd.s32 s8, v7;
	v23 =	vld.idx.msk [tilespmem:v28+s1+$0x0], $0xffff;
	vm2 =	vne.s32 v11, v10;
	v16 =	vmax.f32 v15, v21  }
0x143: {  	v19 =	vld.idx.msk [tilespmem:v32+s1+$0x0], $0xffff;
	[tilespmem:v17+s0+$0x0] =	vst.idx.msk vm5, v20;
	v16 =	vsel vm2, v21, v16;
	v17 =	vmov v22  }
0x144: {  	v26 =	vadd.s32 s7, v7;
	vm3 =	vne.s32 v22, v11;
	v18 =	vld.idx.msk [tilespmem:v32+s28+$0x0], $0xffff;
	v20 =	vmax.f32 v16, v31  }
0x145: {  	s8 =	sadd.s32 $0x1, s6;
	s7 =	sadd.s32 $0x5, s7;
	v21 =	vld.idx.msk [tilespmem:v25+s1+$0x0], $0xffff;
	[tilespmem:v12+s0+$0x0] =	vst.idx.msk vm4, v30;
	v20 =	vsel vm3, v31, v20;
	v12 =	vmov v33  }
0x146: {  	_ =	sdelay $0x3  }
0x147: {  	v28 =	vadd.s32 s8, v7;
	v25 =	vld.idx.msk [tilespmem:v25+s28+$0x0], $0xffff  }
0x148: {  	s7 =	sadd.s32 $0x2, s6;
	v29 =	vld.idx.msk [tilespmem:v27+s1+$0x0], $0xffff  }
0x149: {  	vm4 =	vne.s32 v12, v22;
	v22 =	vmax.f32 v20, v24;
	v27 =	vld.idx.msk [tilespmem:v27+s28+$0x0], $0xffff;
	s8 =	sadd.s32 $0x3, s6;
	v30 =	vadd.s32 s7, v7  }
0x14a: {  	v22 =	vsel vm4, v24, v22;
	v24 =	vld.idx.msk [tilespmem:v26+s28+$0x0], $0xffff;
	v31 =	vadd.s32 s8, v7;
	s8 =	sadd.s32 $0x4, s6  }
0x14b: {  	vm5 =	vne.s32 v13, v12;
	v26 =	vld.idx.msk [tilespmem:v26+s1+$0x0], $0xffff;
	v32 =	vmax.f32 v22, v23;
	v33 =	vadd.s32 s8, v7  }
0x14c: {  	v23 =	vsel vm5, v23, v32;
	v62 =	vld.idx.msk [tilespmem:v28+s28+$0x0], $0xffff  }
0x14d: {  	vm6 =	vne.s32 v18, v13;
	v34 =	vmax.f32 v23, v19;
	v28 =	vld.idx.msk [tilespmem:v28+s1+$0x0], $0xffff  }
0x14e: {  	v19 =	vsel vm6, v19, v34;
	v63 =	vld.idx.msk [tilespmem:v30+s28+$0x0], $0xffff  }
0x14f: {  	[tilespmem:v9+s0+$0x0] =	vst.idx.msk vm1, v14;
	vm1 =	vne.s32 v25, v18;
	v9 =	vmax.f32 v19, v21;
	v14 =	vld.idx.msk [tilespmem:v31+s28+$0x0], $0xffff  }
0x150: {  	[tilespmem:v10+s0+$0x0] =	vst.idx.msk vm2, v15;
	vm2 =	vne.s32 v27, v25;
	v9 =	vsel vm1, v21, v9;
	v10 =	vld.idx.msk [tilespmem:v33+s28+$0x0], $0xffff  }
0x151: {  	[tilespmem:v11+s0+$0x0] =	vst.idx.msk vm3, v16;
	vm3 =	vne.s32 v24, v27;
	v11 =	vmax.f32 v9, v29  }
0x152: {  	[tilespmem:v17+s0+$0x0] =	vst.idx.msk vm4, v20;
	v15 =	vld.idx.msk [tilespmem:v30+s1+$0x0], $0xffff;
	v11 =	vsel vm2, v29, v11;
	vm4 =	vne.s32 v62, v24  }
0x153: {  	[tilespmem:v12+s0+$0x0] =	vst.idx.msk vm5, v22;
	v12 =	vmax.f32 v11, v26;
	vm5 =	vne.s32 v63, v62  }
0x154: {  	v16 =	vld.idx.msk [tilespmem:v31+s1+$0x0], $0xffff;
	[tilespmem:v13+s0+$0x0] =	vst.idx.msk vm6, v23;
	v12 =	vsel vm3, v26, v12;
	vm15 =	vne.s32 v14, v63  }
0x155: {  	[tilespmem:v18+s0+$0x0] =	vst.idx.msk vm1, v19;
	v13 =	vmax.f32 v12, v28;
	vm1 =	vne.s32 v10, v14  }
0x156: {  	[tilespmem:v25+s0+$0x0] =	vst.idx.msk vm2, v9;
	v9 =	vld.idx.msk [tilespmem:v33+s1+$0x0], $0xffff;
	v13 =	vsel vm4, v28, v13  }
0x157: {  	[tilespmem:v27+s0+$0x0] =	vst.idx.msk vm3, v11;
	v11 =	vmax.f32 v13, v15  }
0x158: {  	v11 =	vsel vm5, v15, v11;
	[tilespmem:v24+s0+$0x0] =	vst.idx.msk vm4, v12  }
0x159: {  	v12 =	vmax.f32 v11, v16;
	[tilespmem:v62+s0+$0x0] =	vst.idx.msk vm5, v13  }
0x15a: {  	v12 =	vsel vm15, v16, v12;
	[tilespmem:v63+s0+$0x0] =	vst.idx.msk vm15, v11  }
0x15b: {  	v11 =	vmax.f32 v12, v9;
	[tilespmem:v14+s0+$0x0] =	vst.idx.msk vm1, v12  }
0x15c: {  	v9 =	vsel vm1, v9, v11;
	[tilespmem:$0x160C0] =	vst v10  }
0x15d: {  	s7 =	simm.s32 $0x0;
	[tilespmem:$0x16170] =	vst v9  }
0x15e: {  	[tilespmem:s7], [sflag:$0x1] =	stream.linear.gather [hbm4b:s13+s7], $0x4E20, $0x38;
	[tilespmem:$0x161E0] =	vst v63  }
0x15f: {  	_ = 	snop  }
0x160: {  	[tilespmem:s28], [sflag:$0x3] =	stream.linear.gather [hbm4b:s14+s7], $0x4E20, $0x38;
	[tilespmem:$0x161E0] =	vst v63  }
0x161: {  	_ =	swait.ge [sflag:s2], $0x4E20  }
0x162: {  	[sflag:s2] =	ssyncset.done $0x0  }
0x163: {  	v9 =	vadd.s32 s7, v7;
	[sflag:s2] =	ssyncadd.s32 $0xFFFFB1E0  }
0x164: {  	s8 =	simm.s32 $0x1;
	_ =	swait.ge [sflag:s3], $0x4E20  }
0x165: {  	v10 =	vadd.s32 s8, v7;
	[sflag:s3] =	ssyncset.done $0x0  }
0x166: {  	s7 =	simm.s32 $0x2;
	[sflag:s3] =	ssyncadd.s32 $0xFFFFB1E0  }
0x167: {  	v11 =	vadd.s32 s7, v7;
	v17 =	vld.idx.msk [tilespmem:v7+s30+$0x0], $0xffff  }
0x168: {  	s8 =	simm.s32 $0x3;
	v20 =	vld.idx.msk [tilespmem:v9+s30+$0x0], $0xffff  }
0x169: {  	v13 =	vadd.s32 s8, v7;
	v12 =	vld.idx.msk [tilespmem:v9+s29+$0x0], $0xffff  }
0x16a: {  	s7 =	simm.s32 $0x4;
	v9 =	vld.idx.msk [tilespmem:v10+s30+$0x0], $0xffff  }
0x16b: {  	s8 =	simm.s32 $0x5;
	v15 =	vadd.s32 s7, v7;
	v14 =	vld.idx.msk [tilespmem:v10+s29+$0x0], $0xffff  }
0x16c: {  	v18 =	vadd.s32 s8, v7;
	s7 =	simm.s32 $0x6;
	v16 =	vld.idx.msk [tilespmem:v11+s29+$0x0], $0xffff  }
0x16d: {  	v19 =	vadd.s32 s7, v7;
	v10 =	vld.idx.msk [tilespmem:v11+s30+$0x0], $0xffff  }
0x16e: {  	v21 =	vimm.f32 $-Inf;
	v26 =	vld.idx.msk [tilespmem:v13+s29+$0x0], $0xffff  }
0x16f: {  	s8 =	simm.s32 $0x7;
	v11 =	vld.idx.msk [tilespmem:v13+s30+$0x0], $0xffff;
	vm3 =	vne.s32 v20, v17;
	v22 =	vmax.f32 v21, v12  }
0x170: {  	v27 =	vadd.s32 s8, v7;
	v29 =	vld.idx.msk [tilespmem:v15+s29+$0x0], $0xffff;
	v28 =	vsel vm3, v12, v22  }
0x171: {  	v24 =	vld.idx.msk [tilespmem:v18+s29+$0x0], $0xffff;
	vm4 =	vne.s32 v9, v20;
	v13 =	vmax.f32 v28, v14  }
0x172: {  	v23 =	vld.idx.msk [tilespmem:v19+s29+$0x0], $0xffff;
	v14 =	vsel vm4, v14, v13  }
0x173: {  	vm1 =	vne.s32 v10, v9;
	v22 =	vld.idx.msk [tilespmem:v15+s30+$0x0], $0xffff;
	v15 =	vmax.f32 v14, v16  }
0x174: {  	s7 =	simm.s32 $0x8;
	v12 =	vld.idx.msk [tilespmem:v18+s30+$0x0], $0xffff;
	v15 =	vsel vm1, v16, v15  }
0x175: {  	v25 =	vadd.s32 s7, v7;
	vm2 =	vne.s32 v11, v10;
	v18 =	vld.idx.msk [tilespmem:v27+s30+$0x0], $0xffff;
	v16 =	vmax.f32 v15, v26  }
0x176: {  	s8 =	simm.s32 $0x9;
	v13 =	vld.idx.msk [tilespmem:v19+s30+$0x0], $0xffff;
	v16 =	vsel vm2, v26, v16  }
0x177: {  	v19 =	vld.idx.msk [tilespmem:v27+s29+$0x0], $0xffff;
	v27 =	vadd.s32 s8, v7;
	[tilespmem:v17+s0+$0x0] =	vst.idx.msk vm3, v21;
	v17 =	vmax.f32 v16, v29  }
0x178: {  	s6 =	simm.s32 $0xA  }
0x179: {  	vm3 =	vne.s32 v22, v11;
	v26 =	vadd.s32 s6, v7  }
0x17a: {  	s7 =	simm.s32 $0xF;
	s8 =	simm.s32 $0xB;
	v21 =	vld.idx.msk [tilespmem:v25+s29+$0x0], $0xffff;
	[tilespmem:v20+s0+$0x0] =	vst.idx.msk vm4, v28;
	v20 =	vsel vm3, v29, v17;
	v17 =	vmov v22  }
.LBB2_14:
0x17b: {  	p0 =	slt.u32 s7, $0x4DD;
	v28 =	vadd.s32 s8, v7;
	vm5 =	vne.s32 v12, v22;
	v22 =	vmax.f32 v20, v24;
	v29 =	vld.idx.msk [tilespmem:v25+s30+$0x0], $0xffff  }
0x17c: {  	s8 =	sadd.s32 $0x2, s6;
	v30 =	vsel vm5, v24, v22;
	v31 =	vld.idx.msk [tilespmem:v27+s29+$0x0], $0xffff;
	[tilespmem:v9+s0+$0x0] =	vst.idx.msk vm1, v14;
	v9 =	vmov v13  }
0x17d: {  	v32 =	vadd.s32 s8, v7;
	vm4 =	vne.s32 v9, v12;
	v13 =	vmax.f32 v30, v23;
	v22 =	vld.idx.msk [tilespmem:v27+s30+$0x0], $0xffff  }
0x17e: {  	s8 =	sadd.s32 $0x3, s6;
	v33 =	vld.idx.msk [tilespmem:v26+s30+$0x0], $0xffff;
	v14 =	vsel vm4, v23, v13;
	[tilespmem:v10+s0+$0x0] =	vst.idx.msk vm2, v15;
	v10 =	vmov v18  }
0x17f: {  	v25 =	vadd.s32 s8, v7;
	v24 =	vld.idx.msk [tilespmem:v26+s29+$0x0], $0xffff;
	vm1 =	vne.s32 v10, v9;
	v15 =	vmax.f32 v14, v19  }
.Ltmp6:
0x180: {  	s8 =	sadd.s32 $0x4, s6;
	s6 =	smov.u32 s7;
	v13 =	vld.idx.msk [tilespmem:v28+s30+$0x0], $0xffff;
	v15 =	vsel vm1, v19, v15;
	[tilespmem:v11+s0+$0x0] =	vst.idx.msk vm3, v16;
	v11 =	vmov v29;
	(pc) =	sbr.rel @p0 .LBB2_14-.Ltmp6, $4  }
0x181: {  	v27 =	vadd.s32 s8, v7;
	v23 =	vld.idx.msk [tilespmem:v28+s29+$0x0], $0xffff;
	vm2 =	vne.s32 v11, v10;
	v16 =	vmax.f32 v15, v21  }
0x182: {  	v19 =	vld.idx.msk [tilespmem:v32+s29+$0x0], $0xffff;
	[tilespmem:v17+s0+$0x0] =	vst.idx.msk vm5, v20;
	v16 =	vsel vm2, v21, v16;
	v17 =	vmov v22  }
0x183: {  	v26 =	vadd.s32 s7, v7;
	vm3 =	vne.s32 v22, v11;
	v18 =	vld.idx.msk [tilespmem:v32+s30+$0x0], $0xffff;
	v20 =	vmax.f32 v16, v31  }
0x184: {  	s8 =	sadd.s32 $0x1, s6;
	s7 =	sadd.s32 $0x5, s7;
	v21 =	vld.idx.msk [tilespmem:v25+s29+$0x0], $0xffff;
	[tilespmem:v12+s0+$0x0] =	vst.idx.msk vm4, v30;
	v20 =	vsel vm3, v31, v20;
	v12 =	vmov v33  }
0x185: {  	_ =	sdelay $0x3  }
0x186: {  	v28 =	vadd.s32 s8, v7;
	v25 =	vld.idx.msk [tilespmem:v25+s30+$0x0], $0xffff  }
0x187: {  	s7 =	sadd.s32 $0x2, s6;
	v29 =	vld.idx.msk [tilespmem:v27+s29+$0x0], $0xffff  }
0x188: {  	vm4 =	vne.s32 v12, v22;
	v22 =	vmax.f32 v20, v24;
	v27 =	vld.idx.msk [tilespmem:v27+s30+$0x0], $0xffff;
	s8 =	sadd.s32 $0x3, s6;
	v30 =	vadd.s32 s7, v7  }
0x189: {  	v22 =	vsel vm4, v24, v22;
	v24 =	vld.idx.msk [tilespmem:v26+s30+$0x0], $0xffff;
	v31 =	vadd.s32 s8, v7;
	s8 =	sadd.s32 $0x4, s6  }
0x18a: {  	vm5 =	vne.s32 v13, v12;
	v26 =	vld.idx.msk [tilespmem:v26+s29+$0x0], $0xffff;
	v32 =	vmax.f32 v22, v23;
	v33 =	vadd.s32 s8, v7  }
0x18b: {  	v23 =	vsel vm5, v23, v32;
	v62 =	vld.idx.msk [tilespmem:v28+s30+$0x0], $0xffff  }
0x18c: {  	vm6 =	vne.s32 v18, v13;
	v34 =	vmax.f32 v23, v19;
	v28 =	vld.idx.msk [tilespmem:v28+s29+$0x0], $0xffff  }
0x18d: {  	v19 =	vsel vm6, v19, v34;
	v63 =	vld.idx.msk [tilespmem:v30+s30+$0x0], $0xffff  }
0x18e: {  	[tilespmem:v9+s0+$0x0] =	vst.idx.msk vm1, v14;
	vm1 =	vne.s32 v25, v18;
	v9 =	vmax.f32 v19, v21;
	v14 =	vld.idx.msk [tilespmem:v31+s30+$0x0], $0xffff  }
0x18f: {  	[tilespmem:v10+s0+$0x0] =	vst.idx.msk vm2, v15;
	vm2 =	vne.s32 v27, v25;
	v9 =	vsel vm1, v21, v9;
	v10 =	vld.idx.msk [tilespmem:v33+s30+$0x0], $0xffff  }
0x190: {  	[tilespmem:v11+s0+$0x0] =	vst.idx.msk vm3, v16;
	vm3 =	vne.s32 v24, v27;
	v11 =	vmax.f32 v9, v29  }
0x191: {  	[tilespmem:v17+s0+$0x0] =	vst.idx.msk vm4, v20;
	v15 =	vld.idx.msk [tilespmem:v30+s29+$0x0], $0xffff;
	v11 =	vsel vm2, v29, v11;
	vm4 =	vne.s32 v62, v24  }
0x192: {  	[tilespmem:v12+s0+$0x0] =	vst.idx.msk vm5, v22;
	v12 =	vmax.f32 v11, v26;
	vm5 =	vne.s32 v63, v62  }
0x193: {  	v16 =	vld.idx.msk [tilespmem:v31+s29+$0x0], $0xffff;
	[tilespmem:v13+s0+$0x0] =	vst.idx.msk vm6, v23;
	v12 =	vsel vm3, v26, v12;
	vm15 =	vne.s32 v14, v63  }
0x194: {  	[tilespmem:v18+s0+$0x0] =	vst.idx.msk vm1, v19;
	v13 =	vmax.f32 v12, v28;
	vm1 =	vne.s32 v10, v14  }
0x195: {  	[tilespmem:v25+s0+$0x0] =	vst.idx.msk vm2, v9;
	v9 =	vld.idx.msk [tilespmem:v33+s29+$0x0], $0xffff;
	v13 =	vsel vm4, v28, v13  }
0x196: {  	[tilespmem:v27+s0+$0x0] =	vst.idx.msk vm3, v11;
	v11 =	vmax.f32 v13, v15  }
0x197: {  	v11 =	vsel vm5, v15, v11;
	[tilespmem:v24+s0+$0x0] =	vst.idx.msk vm4, v12  }
0x198: {  	v12 =	vmax.f32 v11, v16;
	[tilespmem:v62+s0+$0x0] =	vst.idx.msk vm5, v13  }
0x199: {  	v12 =	vsel vm15, v16, v12;
	[tilespmem:v63+s0+$0x0] =	vst.idx.msk vm15, v11  }
0x19a: {  	v11 =	vmax.f32 v12, v9;
	[tilespmem:v14+s0+$0x0] =	vst.idx.msk vm1, v12  }
0x19b: {  	v9 =	vsel vm1, v9, v11;
	[tilespmem:$0x160D0] =	vst v10  }
0x19c: {  	s7 =	simm.s32 $0x0;
	[tilespmem:$0x16180] =	vst v9  }
0x19d: {  	[tilespmem:s29], [sflag:$0x2] =	stream.linear.gather [hbm4b:s15+s7], $0x4E20, $0x38;
	[tilespmem:$0x161E0] =	vst v63  }
0x19e: {  	_ = 	snop  }
0x19f: {  	[tilespmem:s30], [sflag:$0x4] =	stream.linear.gather [hbm4b:s16+s7], $0x4E20, $0x38;
	[tilespmem:$0x161E0] =	vst v63  }
0x1a0: {  	_ =	swait.ge [sflag:s31], $0x4E20  }
0x1a1: {  	[sflag:s31] =	ssyncset.done $0x0  }
0x1a2: {  	v9 =	vadd.s32 s7, v7;
	[sflag:s31] =	ssyncadd.s32 $0xFFFFB1E0  }
0x1a3: {  	s8 =	simm.s32 $0x1;
	_ =	swait.ge [sflag:s21], $0x4E20  }
0x1a4: {  	v10 =	vadd.s32 s8, v7;
	[sflag:s21] =	ssyncset.done $0x0  }
0x1a5: {  	s7 =	simm.s32 $0x2;
	[sflag:s21] =	ssyncadd.s32 $0xFFFFB1E0  }
0x1a6: {  	v11 =	vadd.s32 s7, v7;
	v17 =	vld.idx.msk [tilespmem:v7+s28+$0x0], $0xffff  }
0x1a7: {  	s8 =	simm.s32 $0x3;
	v20 =	vld.idx.msk [tilespmem:v9+s28+$0x0], $0xffff  }
0x1a8: {  	v13 =	vadd.s32 s8, v7;
	v12 =	vld.idx.msk [tilespmem:v9+s1+$0x0], $0xffff  }
0x1a9: {  	s7 =	simm.s32 $0x4;
	v9 =	vld.idx.msk [tilespmem:v10+s28+$0x0], $0xffff  }
0x1aa: {  	s8 =	simm.s32 $0x5;
	v15 =	vadd.s32 s7, v7;
	v14 =	vld.idx.msk [tilespmem:v10+s1+$0x0], $0xffff  }
0x1ab: {  	v18 =	vadd.s32 s8, v7;
	s7 =	simm.s32 $0x6;
	v16 =	vld.idx.msk [tilespmem:v11+s1+$0x0], $0xffff  }
0x1ac: {  	v19 =	vadd.s32 s7, v7;
	v10 =	vld.idx.msk [tilespmem:v11+s28+$0x0], $0xffff  }
0x1ad: {  	v21 =	vimm.f32 $-Inf;
	v26 =	vld.idx.msk [tilespmem:v13+s1+$0x0], $0xffff  }
0x1ae: {  	s8 =	simm.s32 $0x7;
	v11 =	vld.idx.msk [tilespmem:v13+s28+$0x0], $0xffff;
	vm3 =	vne.s32 v20, v17;
	v22 =	vmax.f32 v21, v12  }
0x1af: {  	v27 =	vadd.s32 s8, v7;
	v29 =	vld.idx.msk [tilespmem:v15+s1+$0x0], $0xffff;
	v28 =	vsel vm3, v12, v22  }
0x1b0: {  	v24 =	vld.idx.msk [tilespmem:v18+s1+$0x0], $0xffff;
	vm4 =	vne.s32 v9, v20;
	v13 =	vmax.f32 v28, v14  }
0x1b1: {  	v23 =	vld.idx.msk [tilespmem:v19+s1+$0x0], $0xffff;
	v14 =	vsel vm4, v14, v13  }
0x1b2: {  	vm1 =	vne.s32 v10, v9;
	v22 =	vld.idx.msk [tilespmem:v15+s28+$0x0], $0xffff;
	v15 =	vmax.f32 v14, v16  }
0x1b3: {  	s7 =	simm.s32 $0x8;
	v12 =	vld.idx.msk [tilespmem:v18+s28+$0x0], $0xffff;
	v15 =	vsel vm1, v16, v15  }
0x1b4: {  	v25 =	vadd.s32 s7, v7;
	vm2 =	vne.s32 v11, v10;
	v18 =	vld.idx.msk [tilespmem:v27+s28+$0x0], $0xffff;
	v16 =	vmax.f32 v15, v26  }
0x1b5: {  	s8 =	simm.s32 $0x9;
	v13 =	vld.idx.msk [tilespmem:v19+s28+$0x0], $0xffff;
	v16 =	vsel vm2, v26, v16  }
0x1b6: {  	v19 =	vld.idx.msk [tilespmem:v27+s1+$0x0], $0xffff;
	v27 =	vadd.s32 s8, v7;
	[tilespmem:v17+s0+$0x0] =	vst.idx.msk vm3, v21;
	v17 =	vmax.f32 v16, v29  }
0x1b7: {  	s6 =	simm.s32 $0xA  }
0x1b8: {  	vm3 =	vne.s32 v22, v11;
	v26 =	vadd.s32 s6, v7  }
0x1b9: {  	s7 =	simm.s32 $0xF;
	s8 =	simm.s32 $0xB;
	v21 =	vld.idx.msk [tilespmem:v25+s1+$0x0], $0xffff;
	[tilespmem:v20+s0+$0x0] =	vst.idx.msk vm4, v28;
	v20 =	vsel vm3, v29, v17;
	v17 =	vmov v22  }
.LBB2_16:
0x1ba: {  	p0 =	slt.u32 s7, $0x4DD;
	v28 =	vadd.s32 s8, v7;
	vm5 =	vne.s32 v12, v22;
	v22 =	vmax.f32 v20, v24;
	v29 =	vld.idx.msk [tilespmem:v25+s28+$0x0], $0xffff  }
0x1bb: {  	s8 =	sadd.s32 $0x2, s6;
	v30 =	vsel vm5, v24, v22;
	v31 =	vld.idx.msk [tilespmem:v27+s1+$0x0], $0xffff;
	[tilespmem:v9+s0+$0x0] =	vst.idx.msk vm1, v14;
	v9 =	vmov v13  }
0x1bc: {  	v32 =	vadd.s32 s8, v7;
	vm4 =	vne.s32 v9, v12;
	v13 =	vmax.f32 v30, v23;
	v22 =	vld.idx.msk [tilespmem:v27+s28+$0x0], $0xffff  }
0x1bd: {  	s8 =	sadd.s32 $0x3, s6;
	v33 =	vld.idx.msk [tilespmem:v26+s28+$0x0], $0xffff;
	v14 =	vsel vm4, v23, v13;
	[tilespmem:v10+s0+$0x0] =	vst.idx.msk vm2, v15;
	v10 =	vmov v18  }
0x1be: {  	v25 =	vadd.s32 s8, v7;
	v24 =	vld.idx.msk [tilespmem:v26+s1+$0x0], $0xffff;
	vm1 =	vne.s32 v10, v9;
	v15 =	vmax.f32 v14, v19  }
.Ltmp7:
0x1bf: {  	s8 =	sadd.s32 $0x4, s6;
	s6 =	smov.u32 s7;
	v13 =	vld.idx.msk [tilespmem:v28+s28+$0x0], $0xffff;
	v15 =	vsel vm1, v19, v15;
	[tilespmem:v11+s0+$0x0] =	vst.idx.msk vm3, v16;
	v11 =	vmov v29;
	(pc) =	sbr.rel @p0 .LBB2_16-.Ltmp7, $4  }
0x1c0: {  	v27 =	vadd.s32 s8, v7;
	v23 =	vld.idx.msk [tilespmem:v28+s1+$0x0], $0xffff;
	vm2 =	vne.s32 v11, v10;
	v16 =	vmax.f32 v15, v21  }
0x1c1: {  	v19 =	vld.idx.msk [tilespmem:v32+s1+$0x0], $0xffff;
	[tilespmem:v17+s0+$0x0] =	vst.idx.msk vm5, v20;
	v16 =	vsel vm2, v21, v16;
	v17 =	vmov v22  }
0x1c2: {  	v26 =	vadd.s32 s7, v7;
	vm3 =	vne.s32 v22, v11;
	v18 =	vld.idx.msk [tilespmem:v32+s28+$0x0], $0xffff;
	v20 =	vmax.f32 v16, v31  }
0x1c3: {  	s8 =	sadd.s32 $0x1, s6;
	s7 =	sadd.s32 $0x5, s7;
	v21 =	vld.idx.msk [tilespmem:v25+s1+$0x0], $0xffff;
	[tilespmem:v12+s0+$0x0] =	vst.idx.msk vm4, v30;
	v20 =	vsel vm3, v31, v20;
	v12 =	vmov v33  }
0x1c4: {  	_ =	sdelay $0x3  }
0x1c5: {  	v28 =	vadd.s32 s8, v7;
	v25 =	vld.idx.msk [tilespmem:v25+s28+$0x0], $0xffff  }
0x1c6: {  	s7 =	sadd.s32 $0x2, s6;
	v29 =	vld.idx.msk [tilespmem:v27+s1+$0x0], $0xffff  }
0x1c7: {  	vm4 =	vne.s32 v12, v22;
	v22 =	vmax.f32 v20, v24;
	v27 =	vld.idx.msk [tilespmem:v27+s28+$0x0], $0xffff;
	s8 =	sadd.s32 $0x3, s6;
	v30 =	vadd.s32 s7, v7  }
0x1c8: {  	v22 =	vsel vm4, v24, v22;
	v24 =	vld.idx.msk [tilespmem:v26+s28+$0x0], $0xffff;
	v31 =	vadd.s32 s8, v7;
	s8 =	sadd.s32 $0x4, s6  }
0x1c9: {  	vm5 =	vne.s32 v13, v12;
	v26 =	vld.idx.msk [tilespmem:v26+s1+$0x0], $0xffff;
	v32 =	vmax.f32 v22, v23;
	v33 =	vadd.s32 s8, v7  }
0x1ca: {  	v23 =	vsel vm5, v23, v32;
	v62 =	vld.idx.msk [tilespmem:v28+s28+$0x0], $0xffff  }
0x1cb: {  	vm6 =	vne.s32 v18, v13;
	v34 =	vmax.f32 v23, v19;
	v28 =	vld.idx.msk [tilespmem:v28+s1+$0x0], $0xffff  }
0x1cc: {  	v19 =	vsel vm6, v19, v34;
	v63 =	vld.idx.msk [tilespmem:v30+s28+$0x0], $0xffff  }
0x1cd: {  	[tilespmem:v9+s0+$0x0] =	vst.idx.msk vm1, v14;
	vm1 =	vne.s32 v25, v18;
	v9 =	vmax.f32 v19, v21;
	v14 =	vld.idx.msk [tilespmem:v31+s28+$0x0], $0xffff  }
0x1ce: {  	[tilespmem:v10+s0+$0x0] =	vst.idx.msk vm2, v15;
	vm2 =	vne.s32 v27, v25;
	v9 =	vsel vm1, v21, v9;
	v10 =	vld.idx.msk [tilespmem:v33+s28+$0x0], $0xffff  }
0x1cf: {  	[tilespmem:v11+s0+$0x0] =	vst.idx.msk vm3, v16;
	vm3 =	vne.s32 v24, v27;
	v11 =	vmax.f32 v9, v29  }
0x1d0: {  	[tilespmem:v17+s0+$0x0] =	vst.idx.msk vm4, v20;
	v15 =	vld.idx.msk [tilespmem:v30+s1+$0x0], $0xffff;
	v11 =	vsel vm2, v29, v11;
	vm4 =	vne.s32 v62, v24  }
0x1d1: {  	[tilespmem:v12+s0+$0x0] =	vst.idx.msk vm5, v22;
	v12 =	vmax.f32 v11, v26;
	vm5 =	vne.s32 v63, v62  }
0x1d2: {  	v16 =	vld.idx.msk [tilespmem:v31+s1+$0x0], $0xffff;
	[tilespmem:v13+s0+$0x0] =	vst.idx.msk vm6, v23;
	v12 =	vsel vm3, v26, v12;
	vm15 =	vne.s32 v14, v63  }
0x1d3: {  	[tilespmem:v18+s0+$0x0] =	vst.idx.msk vm1, v19;
	v13 =	vmax.f32 v12, v28;
	vm1 =	vne.s32 v10, v14  }
0x1d4: {  	[tilespmem:v25+s0+$0x0] =	vst.idx.msk vm2, v9;
	v9 =	vld.idx.msk [tilespmem:v33+s1+$0x0], $0xffff;
	v13 =	vsel vm4, v28, v13  }
0x1d5: {  	[tilespmem:v27+s0+$0x0] =	vst.idx.msk vm3, v11;
	v11 =	vmax.f32 v13, v15  }
0x1d6: {  	v11 =	vsel vm5, v15, v11;
	[tilespmem:v24+s0+$0x0] =	vst.idx.msk vm4, v12  }
0x1d7: {  	v12 =	vmax.f32 v11, v16;
	[tilespmem:v62+s0+$0x0] =	vst.idx.msk vm5, v13  }
0x1d8: {  	v12 =	vsel vm15, v16, v12;
	[tilespmem:v63+s0+$0x0] =	vst.idx.msk vm15, v11  }
0x1d9: {  	v11 =	vmax.f32 v12, v9;
	[tilespmem:v14+s0+$0x0] =	vst.idx.msk vm1, v12  }
0x1da: {  	v9 =	vsel vm1, v9, v11;
	[tilespmem:$0x160E0] =	vst v10  }
0x1db: {  	s7 =	simm.s32 $0x0;
	[tilespmem:$0x16190] =	vst v9  }
0x1dc: {  	[tilespmem:s7], [sflag:$0x1] =	stream.linear.gather [hbm4b:s17+s7], $0x4E20, $0x38;
	[tilespmem:$0x161E0] =	vst v63  }
0x1dd: {  	_ = 	snop  }
0x1de: {  	[tilespmem:s28], [sflag:$0x3] =	stream.linear.gather [hbm4b:s18+s7], $0x4E20, $0x38;
	[tilespmem:$0x161E0] =	vst v63  }
0x1df: {  	_ =	swait.ge [sflag:s2], $0x4E20  }
0x1e0: {  	[sflag:s2] =	ssyncset.done $0x0  }
0x1e1: {  	v9 =	vadd.s32 s7, v7;
	[sflag:s2] =	ssyncadd.s32 $0xFFFFB1E0  }
0x1e2: {  	s8 =	simm.s32 $0x1;
	_ =	swait.ge [sflag:s3], $0x4E20  }
0x1e3: {  	v10 =	vadd.s32 s8, v7;
	[sflag:s3] =	ssyncset.done $0x0  }
0x1e4: {  	s7 =	simm.s32 $0x2;
	[sflag:s3] =	ssyncadd.s32 $0xFFFFB1E0  }
0x1e5: {  	v11 =	vadd.s32 s7, v7;
	v17 =	vld.idx.msk [tilespmem:v7+s30+$0x0], $0xffff  }
0x1e6: {  	s8 =	simm.s32 $0x3;
	v20 =	vld.idx.msk [tilespmem:v9+s30+$0x0], $0xffff  }
0x1e7: {  	v13 =	vadd.s32 s8, v7;
	v12 =	vld.idx.msk [tilespmem:v9+s29+$0x0], $0xffff  }
0x1e8: {  	s7 =	simm.s32 $0x4;
	v9 =	vld.idx.msk [tilespmem:v10+s30+$0x0], $0xffff  }
0x1e9: {  	s8 =	simm.s32 $0x5;
	v15 =	vadd.s32 s7, v7;
	v14 =	vld.idx.msk [tilespmem:v10+s29+$0x0], $0xffff  }
0x1ea: {  	v18 =	vadd.s32 s8, v7;
	s7 =	simm.s32 $0x6;
	v16 =	vld.idx.msk [tilespmem:v11+s29+$0x0], $0xffff  }
0x1eb: {  	v19 =	vadd.s32 s7, v7;
	v10 =	vld.idx.msk [tilespmem:v11+s30+$0x0], $0xffff  }
0x1ec: {  	v21 =	vimm.f32 $-Inf;
	v26 =	vld.idx.msk [tilespmem:v13+s29+$0x0], $0xffff  }
0x1ed: {  	s8 =	simm.s32 $0x7;
	v11 =	vld.idx.msk [tilespmem:v13+s30+$0x0], $0xffff;
	vm3 =	vne.s32 v20, v17;
	v22 =	vmax.f32 v21, v12  }
0x1ee: {  	v27 =	vadd.s32 s8, v7;
	v29 =	vld.idx.msk [tilespmem:v15+s29+$0x0], $0xffff;
	v28 =	vsel vm3, v12, v22  }
0x1ef: {  	v24 =	vld.idx.msk [tilespmem:v18+s29+$0x0], $0xffff;
	vm4 =	vne.s32 v9, v20;
	v13 =	vmax.f32 v28, v14  }
0x1f0: {  	v23 =	vld.idx.msk [tilespmem:v19+s29+$0x0], $0xffff;
	v14 =	vsel vm4, v14, v13  }
0x1f1: {  	vm1 =	vne.s32 v10, v9;
	v22 =	vld.idx.msk [tilespmem:v15+s30+$0x0], $0xffff;
	v15 =	vmax.f32 v14, v16  }
0x1f2: {  	s7 =	simm.s32 $0x8;
	v12 =	vld.idx.msk [tilespmem:v18+s30+$0x0], $0xffff;
	v15 =	vsel vm1, v16, v15  }
0x1f3: {  	v25 =	vadd.s32 s7, v7;
	vm2 =	vne.s32 v11, v10;
	v18 =	vld.idx.msk [tilespmem:v27+s30+$0x0], $0xffff;
	v16 =	vmax.f32 v15, v26  }
0x1f4: {  	s8 =	simm.s32 $0x9;
	v13 =	vld.idx.msk [tilespmem:v19+s30+$0x0], $0xffff;
	v16 =	vsel vm2, v26, v16  }
0x1f5: {  	v19 =	vld.idx.msk [tilespmem:v27+s29+$0x0], $0xffff;
	v27 =	vadd.s32 s8, v7;
	[tilespmem:v17+s0+$0x0] =	vst.idx.msk vm3, v21;
	v17 =	vmax.f32 v16, v29  }
0x1f6: {  	s6 =	simm.s32 $0xA  }
0x1f7: {  	vm3 =	vne.s32 v22, v11;
	v26 =	vadd.s32 s6, v7  }
0x1f8: {  	s7 =	simm.s32 $0xF;
	s8 =	simm.s32 $0xB;
	v21 =	vld.idx.msk [tilespmem:v25+s29+$0x0], $0xffff;
	[tilespmem:v20+s0+$0x0] =	vst.idx.msk vm4, v28;
	v20 =	vsel vm3, v29, v17;
	v17 =	vmov v22  }
.LBB2_18:
0x1f9: {  	p0 =	slt.u32 s7, $0x4DD;
	v28 =	vadd.s32 s8, v7;
	vm5 =	vne.s32 v12, v22;
	v22 =	vmax.f32 v20, v24;
	v29 =	vld.idx.msk [tilespmem:v25+s30+$0x0], $0xffff  }
0x1fa: {  	s8 =	sadd.s32 $0x2, s6;
	v30 =	vsel vm5, v24, v22;
	v31 =	vld.idx.msk [tilespmem:v27+s29+$0x0], $0xffff;
	[tilespmem:v9+s0+$0x0] =	vst.idx.msk vm1, v14;
	v9 =	vmov v13  }
0x1fb: {  	v32 =	vadd.s32 s8, v7;
	vm4 =	vne.s32 v9, v12;
	v13 =	vmax.f32 v30, v23;
	v22 =	vld.idx.msk [tilespmem:v27+s30+$0x0], $0xffff  }
0x1fc: {  	s8 =	sadd.s32 $0x3, s6;
	v33 =	vld.idx.msk [tilespmem:v26+s30+$0x0], $0xffff;
	v14 =	vsel vm4, v23, v13;
	[tilespmem:v10+s0+$0x0] =	vst.idx.msk vm2, v15;
	v10 =	vmov v18  }
0x1fd: {  	v25 =	vadd.s32 s8, v7;
	v24 =	vld.idx.msk [tilespmem:v26+s29+$0x0], $0xffff;
	vm1 =	vne.s32 v10, v9;
	v15 =	vmax.f32 v14, v19  }
.Ltmp8:
0x1fe: {  	s8 =	sadd.s32 $0x4, s6;
	s6 =	smov.u32 s7;
	v13 =	vld.idx.msk [tilespmem:v28+s30+$0x0], $0xffff;
	v15 =	vsel vm1, v19, v15;
	[tilespmem:v11+s0+$0x0] =	vst.idx.msk vm3, v16;
	v11 =	vmov v29;
	(pc) =	sbr.rel @p0 .LBB2_18-.Ltmp8, $4  }
0x1ff: {  	v27 =	vadd.s32 s8, v7;
	v23 =	vld.idx.msk [tilespmem:v28+s29+$0x0], $0xffff;
	vm2 =	vne.s32 v11, v10;
	v16 =	vmax.f32 v15, v21  }
0x200: {  	v19 =	vld.idx.msk [tilespmem:v32+s29+$0x0], $0xffff;
	[tilespmem:v17+s0+$0x0] =	vst.idx.msk vm5, v20;
	v16 =	vsel vm2, v21, v16;
	v17 =	vmov v22  }
0x201: {  	v26 =	vadd.s32 s7, v7;
	vm3 =	vne.s32 v22, v11;
	v18 =	vld.idx.msk [tilespmem:v32+s30+$0x0], $0xffff;
	v20 =	vmax.f32 v16, v31  }
0x202: {  	s8 =	sadd.s32 $0x1, s6;
	s7 =	sadd.s32 $0x5, s7;
	v21 =	vld.idx.msk [tilespmem:v25+s29+$0x0], $0xffff;
	[tilespmem:v12+s0+$0x0] =	vst.idx.msk vm4, v30;
	v20 =	vsel vm3, v31, v20;
	v12 =	vmov v33  }
0x203: {  	_ =	sdelay $0x3  }
0x204: {  	v28 =	vadd.s32 s8, v7;
	v25 =	vld.idx.msk [tilespmem:v25+s30+$0x0], $0xffff  }
0x205: {  	s7 =	sadd.s32 $0x2, s6;
	v29 =	vld.idx.msk [tilespmem:v27+s29+$0x0], $0xffff  }
0x206: {  	vm4 =	vne.s32 v12, v22;
	v22 =	vmax.f32 v20, v24;
	v27 =	vld.idx.msk [tilespmem:v27+s30+$0x0], $0xffff;
	s8 =	sadd.s32 $0x3, s6;
	v30 =	vadd.s32 s7, v7  }
0x207: {  	v22 =	vsel vm4, v24, v22;
	v24 =	vld.idx.msk [tilespmem:v26+s30+$0x0], $0xffff;
	v31 =	vadd.s32 s8, v7;
	s8 =	sadd.s32 $0x4, s6  }
0x208: {  	vm5 =	vne.s32 v13, v12;
	v26 =	vld.idx.msk [tilespmem:v26+s29+$0x0], $0xffff;
	v32 =	vmax.f32 v22, v23;
	v33 =	vadd.s32 s8, v7  }
0x209: {  	v23 =	vsel vm5, v23, v32;
	v62 =	vld.idx.msk [tilespmem:v28+s30+$0x0], $0xffff  }
0x20a: {  	vm6 =	vne.s32 v18, v13;
	v34 =	vmax.f32 v23, v19;
	v28 =	vld.idx.msk [tilespmem:v28+s29+$0x0], $0xffff  }
0x20b: {  	v19 =	vsel vm6, v19, v34;
	v63 =	vld.idx.msk [tilespmem:v30+s30+$0x0], $0xffff  }
0x20c: {  	[tilespmem:v9+s0+$0x0] =	vst.idx.msk vm1, v14;
	vm1 =	vne.s32 v25, v18;
	v9 =	vmax.f32 v19, v21;
	v14 =	vld.idx.msk [tilespmem:v31+s30+$0x0], $0xffff  }
0x20d: {  	[tilespmem:v10+s0+$0x0] =	vst.idx.msk vm2, v15;
	vm2 =	vne.s32 v27, v25;
	v9 =	vsel vm1, v21, v9;
	v10 =	vld.idx.msk [tilespmem:v33+s30+$0x0], $0xffff  }
0x20e: {  	[tilespmem:v11+s0+$0x0] =	vst.idx.msk vm3, v16;
	vm3 =	vne.s32 v24, v27;
	v11 =	vmax.f32 v9, v29  }
0x20f: {  	[tilespmem:v17+s0+$0x0] =	vst.idx.msk vm4, v20;
	v15 =	vld.idx.msk [tilespmem:v30+s29+$0x0], $0xffff;
	v11 =	vsel vm2, v29, v11;
	vm4 =	vne.s32 v62, v24  }
0x210: {  	[tilespmem:v12+s0+$0x0] =	vst.idx.msk vm5, v22;
	v12 =	vmax.f32 v11, v26;
	vm5 =	vne.s32 v63, v62  }
0x211: {  	v16 =	vld.idx.msk [tilespmem:v31+s29+$0x0], $0xffff;
	[tilespmem:v13+s0+$0x0] =	vst.idx.msk vm6, v23;
	v12 =	vsel vm3, v26, v12;
	vm15 =	vne.s32 v14, v63  }
0x212: {  	[tilespmem:v18+s0+$0x0] =	vst.idx.msk vm1, v19;
	v13 =	vmax.f32 v12, v28;
	vm1 =	vne.s32 v10, v14  }
0x213: {  	[tilespmem:v25+s0+$0x0] =	vst.idx.msk vm2, v9;
	v9 =	vld.idx.msk [tilespmem:v33+s29+$0x0], $0xffff;
	v13 =	vsel vm4, v28, v13  }
0x214: {  	[tilespmem:v27+s0+$0x0] =	vst.idx.msk vm3, v11;
	v11 =	vmax.f32 v13, v15  }
0x215: {  	v11 =	vsel vm5, v15, v11;
	[tilespmem:v24+s0+$0x0] =	vst.idx.msk vm4, v12  }
0x216: {  	v12 =	vmax.f32 v11, v16;
	[tilespmem:v62+s0+$0x0] =	vst.idx.msk vm5, v13  }
0x217: {  	v12 =	vsel vm15, v16, v12;
	[tilespmem:v63+s0+$0x0] =	vst.idx.msk vm15, v11  }
0x218: {  	v11 =	vmax.f32 v12, v9;
	[tilespmem:v14+s0+$0x0] =	vst.idx.msk vm1, v12  }
0x219: {  	v9 =	vsel vm1, v9, v11;
	[tilespmem:$0x160F0] =	vst v10  }
0x21a: {  	s7 =	simm.s32 $0x0;
	[tilespmem:$0x161A0] =	vst v9  }
0x21b: {  	[tilespmem:s29], [sflag:$0x2] =	stream.linear.gather [hbm4b:s19+s7], $0x4E20, $0x38;
	[tilespmem:$0x161E0] =	vst v63  }
0x21c: {  	_ = 	snop  }
0x21d: {  	[tilespmem:s30], [sflag:$0x4] =	stream.linear.gather [hbm4b:s20+s7], $0x4E20, $0x38;
	[tilespmem:$0x161E0] =	vst v63  }
0x21e: {  	_ =	swait.ge [sflag:s31], $0x4E20  }
0x21f: {  	[sflag:s31] =	ssyncset.done $0x0  }
0x220: {  	v9 =	vadd.s32 s7, v7;
	[sflag:s31] =	ssyncadd.s32 $0xFFFFB1E0  }
0x221: {  	s8 =	simm.s32 $0x1;
	_ =	swait.ge [sflag:s21], $0x4E20  }
0x222: {  	v10 =	vadd.s32 s8, v7;
	[sflag:s21] =	ssyncset.done $0x0  }
0x223: {  	s7 =	simm.s32 $0x2;
	[sflag:s21] =	ssyncadd.s32 $0xFFFFB1E0  }
0x224: {  	v11 =	vadd.s32 s7, v7;
	v17 =	vld.idx.msk [tilespmem:v7+s28+$0x0], $0xffff  }
0x225: {  	s8 =	simm.s32 $0x3;
	v20 =	vld.idx.msk [tilespmem:v9+s28+$0x0], $0xffff  }
0x226: {  	v13 =	vadd.s32 s8, v7;
	v12 =	vld.idx.msk [tilespmem:v9+s1+$0x0], $0xffff  }
0x227: {  	s7 =	simm.s32 $0x4;
	v9 =	vld.idx.msk [tilespmem:v10+s28+$0x0], $0xffff  }
0x228: {  	s8 =	simm.s32 $0x5;
	v15 =	vadd.s32 s7, v7;
	v14 =	vld.idx.msk [tilespmem:v10+s1+$0x0], $0xffff  }
0x229: {  	v18 =	vadd.s32 s8, v7;
	s7 =	simm.s32 $0x6;
	v16 =	vld.idx.msk [tilespmem:v11+s1+$0x0], $0xffff  }
0x22a: {  	v19 =	vadd.s32 s7, v7;
	v10 =	vld.idx.msk [tilespmem:v11+s28+$0x0], $0xffff  }
0x22b: {  	v21 =	vimm.f32 $-Inf;
	v26 =	vld.idx.msk [tilespmem:v13+s1+$0x0], $0xffff  }
0x22c: {  	s8 =	simm.s32 $0x7;
	v11 =	vld.idx.msk [tilespmem:v13+s28+$0x0], $0xffff;
	vm3 =	vne.s32 v20, v17;
	v22 =	vmax.f32 v21, v12  }
0x22d: {  	v27 =	vadd.s32 s8, v7;
	v29 =	vld.idx.msk [tilespmem:v15+s1+$0x0], $0xffff;
	v28 =	vsel vm3, v12, v22  }
0x22e: {  	v24 =	vld.idx.msk [tilespmem:v18+s1+$0x0], $0xffff;
	vm4 =	vne.s32 v9, v20;
	v13 =	vmax.f32 v28, v14  }
0x22f: {  	v23 =	vld.idx.msk [tilespmem:v19+s1+$0x0], $0xffff;
	v14 =	vsel vm4, v14, v13  }
0x230: {  	vm1 =	vne.s32 v10, v9;
	v22 =	vld.idx.msk [tilespmem:v15+s28+$0x0], $0xffff;
	v15 =	vmax.f32 v14, v16  }
0x231: {  	s7 =	simm.s32 $0x8;
	v12 =	vld.idx.msk [tilespmem:v18+s28+$0x0], $0xffff;
	v15 =	vsel vm1, v16, v15  }
0x232: {  	v25 =	vadd.s32 s7, v7;
	vm2 =	vne.s32 v11, v10;
	v18 =	vld.idx.msk [tilespmem:v27+s28+$0x0], $0xffff;
	v16 =	vmax.f32 v15, v26  }
0x233: {  	s8 =	simm.s32 $0x9;
	v13 =	vld.idx.msk [tilespmem:v19+s28+$0x0], $0xffff;
	v16 =	vsel vm2, v26, v16  }
0x234: {  	v19 =	vld.idx.msk [tilespmem:v27+s1+$0x0], $0xffff;
	v27 =	vadd.s32 s8, v7;
	[tilespmem:v17+s0+$0x0] =	vst.idx.msk vm3, v21;
	v17 =	vmax.f32 v16, v29  }
0x235: {  	s6 =	simm.s32 $0xA  }
0x236: {  	vm3 =	vne.s32 v22, v11;
	v26 =	vadd.s32 s6, v7  }
0x237: {  	s7 =	simm.s32 $0xF;
	s8 =	simm.s32 $0xB;
	v21 =	vld.idx.msk [tilespmem:v25+s1+$0x0], $0xffff;
	[tilespmem:v20+s0+$0x0] =	vst.idx.msk vm4, v28;
	v20 =	vsel vm3, v29, v17;
	v17 =	vmov v22  }
.LBB2_20:
0x238: {  	p0 =	slt.u32 s7, $0x4DD;
	v28 =	vadd.s32 s8, v7;
	vm5 =	vne.s32 v12, v22;
	v22 =	vmax.f32 v20, v24;
	v29 =	vld.idx.msk [tilespmem:v25+s28+$0x0], $0xffff  }
0x239: {  	s8 =	sadd.s32 $0x2, s6;
	v30 =	vsel vm5, v24, v22;
	v31 =	vld.idx.msk [tilespmem:v27+s1+$0x0], $0xffff;
	[tilespmem:v9+s0+$0x0] =	vst.idx.msk vm1, v14;
	v9 =	vmov v13  }
0x23a: {  	v32 =	vadd.s32 s8, v7;
	vm4 =	vne.s32 v9, v12;
	v13 =	vmax.f32 v30, v23;
	v22 =	vld.idx.msk [tilespmem:v27+s28+$0x0], $0xffff  }
0x23b: {  	s8 =	sadd.s32 $0x3, s6;
	v33 =	vld.idx.msk [tilespmem:v26+s28+$0x0], $0xffff;
	v14 =	vsel vm4, v23, v13;
	[tilespmem:v10+s0+$0x0] =	vst.idx.msk vm2, v15;
	v10 =	vmov v18  }
0x23c: {  	v25 =	vadd.s32 s8, v7;
	v24 =	vld.idx.msk [tilespmem:v26+s1+$0x0], $0xffff;
	vm1 =	vne.s32 v10, v9;
	v15 =	vmax.f32 v14, v19  }
.Ltmp9:
0x23d: {  	s8 =	sadd.s32 $0x4, s6;
	s6 =	smov.u32 s7;
	v13 =	vld.idx.msk [tilespmem:v28+s28+$0x0], $0xffff;
	v15 =	vsel vm1, v19, v15;
	[tilespmem:v11+s0+$0x0] =	vst.idx.msk vm3, v16;
	v11 =	vmov v29;
	(pc) =	sbr.rel @p0 .LBB2_20-.Ltmp9, $4  }
0x23e: {  	v27 =	vadd.s32 s8, v7;
	v23 =	vld.idx.msk [tilespmem:v28+s1+$0x0], $0xffff;
	vm2 =	vne.s32 v11, v10;
	v16 =	vmax.f32 v15, v21  }
0x23f: {  	v19 =	vld.idx.msk [tilespmem:v32+s1+$0x0], $0xffff;
	[tilespmem:v17+s0+$0x0] =	vst.idx.msk vm5, v20;
	v16 =	vsel vm2, v21, v16;
	v17 =	vmov v22  }
0x240: {  	v26 =	vadd.s32 s7, v7;
	vm3 =	vne.s32 v22, v11;
	v18 =	vld.idx.msk [tilespmem:v32+s28+$0x0], $0xffff;
	v20 =	vmax.f32 v16, v31  }
0x241: {  	s8 =	sadd.s32 $0x1, s6;
	s7 =	sadd.s32 $0x5, s7;
	v21 =	vld.idx.msk [tilespmem:v25+s1+$0x0], $0xffff;
	[tilespmem:v12+s0+$0x0] =	vst.idx.msk vm4, v30;
	v20 =	vsel vm3, v31, v20;
	v12 =	vmov v33  }
0x242: {  	_ =	sdelay $0x3  }
0x243: {  	v28 =	vadd.s32 s8, v7;
	v25 =	vld.idx.msk [tilespmem:v25+s28+$0x0], $0xffff  }
0x244: {  	s7 =	sadd.s32 $0x2, s6;
	v29 =	vld.idx.msk [tilespmem:v27+s1+$0x0], $0xffff  }
0x245: {  	vm4 =	vne.s32 v12, v22;
	v22 =	vmax.f32 v20, v24;
	v27 =	vld.idx.msk [tilespmem:v27+s28+$0x0], $0xffff;
	s8 =	sadd.s32 $0x3, s6;
	v30 =	vadd.s32 s7, v7  }
0x246: {  	v22 =	vsel vm4, v24, v22;
	v24 =	vld.idx.msk [tilespmem:v26+s28+$0x0], $0xffff;
	v31 =	vadd.s32 s8, v7;
	s8 =	sadd.s32 $0x4, s6  }
0x247: {  	vm5 =	vne.s32 v13, v12;
	v26 =	vld.idx.msk [tilespmem:v26+s1+$0x0], $0xffff;
	v32 =	vmax.f32 v22, v23;
	v33 =	vadd.s32 s8, v7  }
0x248: {  	v23 =	vsel vm5, v23, v32;
	v62 =	vld.idx.msk [tilespmem:v28+s28+$0x0], $0xffff  }
0x249: {  	vm6 =	vne.s32 v18, v13;
	v34 =	vmax.f32 v23, v19;
	v28 =	vld.idx.msk [tilespmem:v28+s1+$0x0], $0xffff  }
0x24a: {  	v19 =	vsel vm6, v19, v34;
	v63 =	vld.idx.msk [tilespmem:v30+s28+$0x0], $0xffff  }
0x24b: {  	[tilespmem:v9+s0+$0x0] =	vst.idx.msk vm1, v14;
	vm1 =	vne.s32 v25, v18;
	v9 =	vmax.f32 v19, v21;
	v14 =	vld.idx.msk [tilespmem:v31+s28+$0x0], $0xffff  }
0x24c: {  	[tilespmem:v10+s0+$0x0] =	vst.idx.msk vm2, v15;
	vm2 =	vne.s32 v27, v25;
	v9 =	vsel vm1, v21, v9;
	v10 =	vld.idx.msk [tilespmem:v33+s28+$0x0], $0xffff  }
0x24d: {  	[tilespmem:v11+s0+$0x0] =	vst.idx.msk vm3, v16;
	vm3 =	vne.s32 v24, v27;
	v11 =	vmax.f32 v9, v29  }
0x24e: {  	[tilespmem:v17+s0+$0x0] =	vst.idx.msk vm4, v20;
	v15 =	vld.idx.msk [tilespmem:v30+s1+$0x0], $0xffff;
	v11 =	vsel vm2, v29, v11;
	vm4 =	vne.s32 v62, v24  }
0x24f: {  	[tilespmem:v12+s0+$0x0] =	vst.idx.msk vm5, v22;
	v12 =	vmax.f32 v11, v26;
	vm5 =	vne.s32 v63, v62  }
0x250: {  	v16 =	vld.idx.msk [tilespmem:v31+s1+$0x0], $0xffff;
	[tilespmem:v13+s0+$0x0] =	vst.idx.msk vm6, v23;
	v12 =	vsel vm3, v26, v12;
	vm15 =	vne.s32 v14, v63  }
0x251: {  	[tilespmem:v18+s0+$0x0] =	vst.idx.msk vm1, v19;
	v13 =	vmax.f32 v12, v28;
	vm1 =	vne.s32 v10, v14  }
0x252: {  	[tilespmem:v25+s0+$0x0] =	vst.idx.msk vm2, v9;
	v9 =	vld.idx.msk [tilespmem:v33+s1+$0x0], $0xffff;
	v13 =	vsel vm4, v28, v13  }
0x253: {  	[tilespmem:v27+s0+$0x0] =	vst.idx.msk vm3, v11;
	v11 =	vmax.f32 v13, v15  }
0x254: {  	v11 =	vsel vm5, v15, v11;
	[tilespmem:v24+s0+$0x0] =	vst.idx.msk vm4, v12  }
0x255: {  	v12 =	vmax.f32 v11, v16;
	[tilespmem:v62+s0+$0x0] =	vst.idx.msk vm5, v13  }
0x256: {  	v12 =	vsel vm15, v16, v12;
	[tilespmem:v63+s0+$0x0] =	vst.idx.msk vm15, v11  }
0x257: {  	v11 =	vmax.f32 v12, v9;
	[tilespmem:v14+s0+$0x0] =	vst.idx.msk vm1, v12  }
0x258: {  	v9 =	vsel vm1, v9, v11;
	[tilespmem:$0x16100] =	vst v10  }
0x259: {  	s7 =	simm.s32 $0x0;
	[tilespmem:$0x161B0] =	vst v9  }
0x25a: {  	[tilespmem:s7], [sflag:$0x1] =	stream.linear.gather [hbm4b:s23+s7], $0x4E20, $0x38;
	[tilespmem:$0x161E0] =	vst v63  }
0x25b: {  	_ = 	snop  }
0x25c: {  	[tilespmem:s28], [sflag:$0x3] =	stream.linear.gather [hbm4b:s24+s7], $0x4E20, $0x38;
	[tilespmem:$0x161E0] =	vst v63  }
0x25d: {  	_ =	swait.ge [sflag:s2], $0x4E20  }
0x25e: {  	[sflag:s2] =	ssyncset.done $0x0  }
0x25f: {  	v9 =	vadd.s32 s7, v7;
	[sflag:s2] =	ssyncadd.s32 $0xFFFFB1E0  }
0x260: {  	s8 =	simm.s32 $0x1;
	_ =	swait.ge [sflag:s3], $0x4E20  }
0x261: {  	v10 =	vadd.s32 s8, v7;
	[sflag:s3] =	ssyncset.done $0x0  }
0x262: {  	s7 =	simm.s32 $0x2;
	[sflag:s3] =	ssyncadd.s32 $0xFFFFB1E0  }
0x263: {  	v11 =	vadd.s32 s7, v7;
	v17 =	vld.idx.msk [tilespmem:v7+s30+$0x0], $0xffff  }
0x264: {  	s8 =	simm.s32 $0x3;
	v20 =	vld.idx.msk [tilespmem:v9+s30+$0x0], $0xffff  }
0x265: {  	v13 =	vadd.s32 s8, v7;
	v12 =	vld.idx.msk [tilespmem:v9+s29+$0x0], $0xffff  }
0x266: {  	s7 =	simm.s32 $0x4;
	v9 =	vld.idx.msk [tilespmem:v10+s30+$0x0], $0xffff  }
0x267: {  	s8 =	simm.s32 $0x5;
	v15 =	vadd.s32 s7, v7;
	v14 =	vld.idx.msk [tilespmem:v10+s29+$0x0], $0xffff  }
0x268: {  	v18 =	vadd.s32 s8, v7;
	s7 =	simm.s32 $0x6;
	v16 =	vld.idx.msk [tilespmem:v11+s29+$0x0], $0xffff  }
0x269: {  	v19 =	vadd.s32 s7, v7;
	v10 =	vld.idx.msk [tilespmem:v11+s30+$0x0], $0xffff  }
0x26a: {  	v21 =	vimm.f32 $-Inf;
	v26 =	vld.idx.msk [tilespmem:v13+s29+$0x0], $0xffff  }
0x26b: {  	s8 =	simm.s32 $0x7;
	v11 =	vld.idx.msk [tilespmem:v13+s30+$0x0], $0xffff;
	vm3 =	vne.s32 v20, v17;
	v22 =	vmax.f32 v21, v12  }
0x26c: {  	v27 =	vadd.s32 s8, v7;
	v29 =	vld.idx.msk [tilespmem:v15+s29+$0x0], $0xffff;
	v28 =	vsel vm3, v12, v22  }
0x26d: {  	v24 =	vld.idx.msk [tilespmem:v18+s29+$0x0], $0xffff;
	vm4 =	vne.s32 v9, v20;
	v13 =	vmax.f32 v28, v14  }
0x26e: {  	v23 =	vld.idx.msk [tilespmem:v19+s29+$0x0], $0xffff;
	v14 =	vsel vm4, v14, v13  }
0x26f: {  	vm1 =	vne.s32 v10, v9;
	v22 =	vld.idx.msk [tilespmem:v15+s30+$0x0], $0xffff;
	v15 =	vmax.f32 v14, v16  }
0x270: {  	s7 =	simm.s32 $0x8;
	v12 =	vld.idx.msk [tilespmem:v18+s30+$0x0], $0xffff;
	v15 =	vsel vm1, v16, v15  }
0x271: {  	v25 =	vadd.s32 s7, v7;
	vm2 =	vne.s32 v11, v10;
	v18 =	vld.idx.msk [tilespmem:v27+s30+$0x0], $0xffff;
	v16 =	vmax.f32 v15, v26  }
0x272: {  	s8 =	simm.s32 $0x9;
	v13 =	vld.idx.msk [tilespmem:v19+s30+$0x0], $0xffff;
	v16 =	vsel vm2, v26, v16  }
0x273: {  	v19 =	vld.idx.msk [tilespmem:v27+s29+$0x0], $0xffff;
	v27 =	vadd.s32 s8, v7;
	[tilespmem:v17+s0+$0x0] =	vst.idx.msk vm3, v21;
	v17 =	vmax.f32 v16, v29  }
0x274: {  	s6 =	simm.s32 $0xA  }
0x275: {  	vm3 =	vne.s32 v22, v11;
	v26 =	vadd.s32 s6, v7  }
0x276: {  	s7 =	simm.s32 $0xF;
	s8 =	simm.s32 $0xB;
	v21 =	vld.idx.msk [tilespmem:v25+s29+$0x0], $0xffff;
	[tilespmem:v20+s0+$0x0] =	vst.idx.msk vm4, v28;
	v20 =	vsel vm3, v29, v17;
	v17 =	vmov v22  }
.LBB2_22:
0x277: {  	p0 =	slt.u32 s7, $0x4DD;
	v28 =	vadd.s32 s8, v7;
	vm5 =	vne.s32 v12, v22;
	v22 =	vmax.f32 v20, v24;
	v29 =	vld.idx.msk [tilespmem:v25+s30+$0x0], $0xffff  }
0x278: {  	s8 =	sadd.s32 $0x2, s6;
	v30 =	vsel vm5, v24, v22;
	v31 =	vld.idx.msk [tilespmem:v27+s29+$0x0], $0xffff;
	[tilespmem:v9+s0+$0x0] =	vst.idx.msk vm1, v14;
	v9 =	vmov v13  }
0x279: {  	v32 =	vadd.s32 s8, v7;
	vm4 =	vne.s32 v9, v12;
	v13 =	vmax.f32 v30, v23;
	v22 =	vld.idx.msk [tilespmem:v27+s30+$0x0], $0xffff  }
0x27a: {  	s8 =	sadd.s32 $0x3, s6;
	v33 =	vld.idx.msk [tilespmem:v26+s30+$0x0], $0xffff;
	v14 =	vsel vm4, v23, v13;
	[tilespmem:v10+s0+$0x0] =	vst.idx.msk vm2, v15;
	v10 =	vmov v18  }
0x27b: {  	v25 =	vadd.s32 s8, v7;
	v24 =	vld.idx.msk [tilespmem:v26+s29+$0x0], $0xffff;
	vm1 =	vne.s32 v10, v9;
	v15 =	vmax.f32 v14, v19  }
.Ltmp10:
0x27c: {  	s8 =	sadd.s32 $0x4, s6;
	s6 =	smov.u32 s7;
	v13 =	vld.idx.msk [tilespmem:v28+s30+$0x0], $0xffff;
	v15 =	vsel vm1, v19, v15;
	[tilespmem:v11+s0+$0x0] =	vst.idx.msk vm3, v16;
	v11 =	vmov v29;
	(pc) =	sbr.rel @p0 .LBB2_22-.Ltmp10, $4  }
0x27d: {  	v27 =	vadd.s32 s8, v7;
	v23 =	vld.idx.msk [tilespmem:v28+s29+$0x0], $0xffff;
	vm2 =	vne.s32 v11, v10;
	v16 =	vmax.f32 v15, v21  }
0x27e: {  	v19 =	vld.idx.msk [tilespmem:v32+s29+$0x0], $0xffff;
	[tilespmem:v17+s0+$0x0] =	vst.idx.msk vm5, v20;
	v16 =	vsel vm2, v21, v16;
	v17 =	vmov v22  }
0x27f: {  	v26 =	vadd.s32 s7, v7;
	vm3 =	vne.s32 v22, v11;
	v18 =	vld.idx.msk [tilespmem:v32+s30+$0x0], $0xffff;
	v20 =	vmax.f32 v16, v31  }
0x280: {  	s8 =	sadd.s32 $0x1, s6;
	s7 =	sadd.s32 $0x5, s7;
	v21 =	vld.idx.msk [tilespmem:v25+s29+$0x0], $0xffff;
	[tilespmem:v12+s0+$0x0] =	vst.idx.msk vm4, v30;
	v20 =	vsel vm3, v31, v20;
	v12 =	vmov v33  }
0x281: {  	_ =	sdelay $0x3  }
0x282: {  	v28 =	vadd.s32 s8, v7;
	v25 =	vld.idx.msk [tilespmem:v25+s30+$0x0], $0xffff  }
0x283: {  	s7 =	sadd.s32 $0x2, s6;
	v29 =	vld.idx.msk [tilespmem:v27+s29+$0x0], $0xffff  }
0x284: {  	vm4 =	vne.s32 v12, v22;
	v22 =	vmax.f32 v20, v24;
	v27 =	vld.idx.msk [tilespmem:v27+s30+$0x0], $0xffff;
	s8 =	sadd.s32 $0x3, s6;
	v30 =	vadd.s32 s7, v7  }
0x285: {  	v22 =	vsel vm4, v24, v22;
	v24 =	vld.idx.msk [tilespmem:v26+s30+$0x0], $0xffff;
	v31 =	vadd.s32 s8, v7;
	s8 =	sadd.s32 $0x4, s6  }
0x286: {  	vm5 =	vne.s32 v13, v12;
	v26 =	vld.idx.msk [tilespmem:v26+s29+$0x0], $0xffff;
	v32 =	vmax.f32 v22, v23;
	v33 =	vadd.s32 s8, v7  }
0x287: {  	v23 =	vsel vm5, v23, v32;
	v62 =	vld.idx.msk [tilespmem:v28+s30+$0x0], $0xffff  }
0x288: {  	vm6 =	vne.s32 v18, v13;
	v34 =	vmax.f32 v23, v19;
	v28 =	vld.idx.msk [tilespmem:v28+s29+$0x0], $0xffff  }
0x289: {  	v19 =	vsel vm6, v19, v34;
	v63 =	vld.idx.msk [tilespmem:v30+s30+$0x0], $0xffff  }
0x28a: {  	[tilespmem:v9+s0+$0x0] =	vst.idx.msk vm1, v14;
	vm1 =	vne.s32 v25, v18;
	v9 =	vmax.f32 v19, v21;
	v14 =	vld.idx.msk [tilespmem:v31+s30+$0x0], $0xffff  }
0x28b: {  	[tilespmem:v10+s0+$0x0] =	vst.idx.msk vm2, v15;
	vm2 =	vne.s32 v27, v25;
	v9 =	vsel vm1, v21, v9;
	v10 =	vld.idx.msk [tilespmem:v33+s30+$0x0], $0xffff  }
0x28c: {  	[tilespmem:v11+s0+$0x0] =	vst.idx.msk vm3, v16;
	vm3 =	vne.s32 v24, v27;
	v11 =	vmax.f32 v9, v29  }
0x28d: {  	[tilespmem:v17+s0+$0x0] =	vst.idx.msk vm4, v20;
	v15 =	vld.idx.msk [tilespmem:v30+s29+$0x0], $0xffff;
	v11 =	vsel vm2, v29, v11;
	vm4 =	vne.s32 v62, v24  }
0x28e: {  	[tilespmem:v12+s0+$0x0] =	vst.idx.msk vm5, v22;
	v12 =	vmax.f32 v11, v26;
	vm5 =	vne.s32 v63, v62  }
0x28f: {  	v16 =	vld.idx.msk [tilespmem:v31+s29+$0x0], $0xffff;
	[tilespmem:v13+s0+$0x0] =	vst.idx.msk vm6, v23;
	v12 =	vsel vm3, v26, v12;
	vm15 =	vne.s32 v14, v63  }
0x290: {  	[tilespmem:v18+s0+$0x0] =	vst.idx.msk vm1, v19;
	v13 =	vmax.f32 v12, v28;
	vm1 =	vne.s32 v10, v14  }
0x291: {  	[tilespmem:v25+s0+$0x0] =	vst.idx.msk vm2, v9;
	v9 =	vld.idx.msk [tilespmem:v33+s29+$0x0], $0xffff;
	v13 =	vsel vm4, v28, v13  }
0x292: {  	[tilespmem:v27+s0+$0x0] =	vst.idx.msk vm3, v11;
	v11 =	vmax.f32 v13, v15  }
0x293: {  	v11 =	vsel vm5, v15, v11;
	[tilespmem:v24+s0+$0x0] =	vst.idx.msk vm4, v12  }
0x294: {  	v12 =	vmax.f32 v11, v16;
	[tilespmem:v62+s0+$0x0] =	vst.idx.msk vm5, v13  }
0x295: {  	v12 =	vsel vm15, v16, v12;
	[tilespmem:v63+s0+$0x0] =	vst.idx.msk vm15, v11  }
0x296: {  	v11 =	vmax.f32 v12, v9;
	[tilespmem:v14+s0+$0x0] =	vst.idx.msk vm1, v12  }
0x297: {  	v9 =	vsel vm1, v9, v11;
	[tilespmem:$0x16110] =	vst v10  }
0x298: {  	[tilespmem:$0x161C0] =	vst v9  }
0x299: {  	_ =	swait.ge [sflag:s31], $0x4E20  }
0x29a: {  	s7 =	simm.s32 $0x0;
	[sflag:s31] =	ssyncset.done $0x0  }
0x29b: {  	v9 =	vadd.s32 s7, v7;
	[sflag:s31] =	ssyncadd.s32 $0xFFFFB1E0  }
0x29c: {  	s8 =	simm.s32 $0x1;
	_ =	swait.ge [sflag:s21], $0x4E20  }
0x29d: {  	v10 =	vadd.s32 s8, v7;
	[sflag:s21] =	ssyncset.done $0x0  }
0x29e: {  	s7 =	simm.s32 $0x2;
	[sflag:s21] =	ssyncadd.s32 $0xFFFFB1E0  }
0x29f: {  	v11 =	vadd.s32 s7, v7;
	v17 =	vld.idx.msk [tilespmem:v7+s28+$0x0], $0xffff  }
0x2a0: {  	s8 =	simm.s32 $0x3;
	v20 =	vld.idx.msk [tilespmem:v9+s28+$0x0], $0xffff  }
0x2a1: {  	v13 =	vadd.s32 s8, v7;
	v12 =	vld.idx.msk [tilespmem:v9+s1+$0x0], $0xffff  }
0x2a2: {  	s7 =	simm.s32 $0x4;
	v9 =	vld.idx.msk [tilespmem:v10+s28+$0x0], $0xffff  }
0x2a3: {  	s8 =	simm.s32 $0x5;
	v15 =	vadd.s32 s7, v7;
	v14 =	vld.idx.msk [tilespmem:v10+s1+$0x0], $0xffff  }
0x2a4: {  	v18 =	vadd.s32 s8, v7;
	s7 =	simm.s32 $0x6;
	v16 =	vld.idx.msk [tilespmem:v11+s1+$0x0], $0xffff  }
0x2a5: {  	v19 =	vadd.s32 s7, v7;
	v10 =	vld.idx.msk [tilespmem:v11+s28+$0x0], $0xffff  }
0x2a6: {  	v21 =	vimm.f32 $-Inf;
	v26 =	vld.idx.msk [tilespmem:v13+s1+$0x0], $0xffff  }
0x2a7: {  	s8 =	simm.s32 $0x7;
	v11 =	vld.idx.msk [tilespmem:v13+s28+$0x0], $0xffff;
	vm3 =	vne.s32 v20, v17;
	v22 =	vmax.f32 v21, v12  }
0x2a8: {  	v27 =	vadd.s32 s8, v7;
	v29 =	vld.idx.msk [tilespmem:v15+s1+$0x0], $0xffff;
	v28 =	vsel vm3, v12, v22  }
0x2a9: {  	v24 =	vld.idx.msk [tilespmem:v18+s1+$0x0], $0xffff;
	vm4 =	vne.s32 v9, v20;
	v13 =	vmax.f32 v28, v14  }
0x2aa: {  	v23 =	vld.idx.msk [tilespmem:v19+s1+$0x0], $0xffff;
	v14 =	vsel vm4, v14, v13  }
0x2ab: {  	vm1 =	vne.s32 v10, v9;
	v22 =	vld.idx.msk [tilespmem:v15+s28+$0x0], $0xffff;
	v15 =	vmax.f32 v14, v16  }
0x2ac: {  	s7 =	simm.s32 $0x8;
	v12 =	vld.idx.msk [tilespmem:v18+s28+$0x0], $0xffff;
	v15 =	vsel vm1, v16, v15  }
0x2ad: {  	v25 =	vadd.s32 s7, v7;
	vm2 =	vne.s32 v11, v10;
	v18 =	vld.idx.msk [tilespmem:v27+s28+$0x0], $0xffff;
	v16 =	vmax.f32 v15, v26  }
0x2ae: {  	s8 =	simm.s32 $0x9;
	v13 =	vld.idx.msk [tilespmem:v19+s28+$0x0], $0xffff;
	v16 =	vsel vm2, v26, v16  }
0x2af: {  	v19 =	vld.idx.msk [tilespmem:v27+s1+$0x0], $0xffff;
	v27 =	vadd.s32 s8, v7;
	[tilespmem:v17+s0+$0x0] =	vst.idx.msk vm3, v21;
	v17 =	vmax.f32 v16, v29  }
0x2b0: {  	s6 =	simm.s32 $0xA  }
0x2b1: {  	vm3 =	vne.s32 v22, v11;
	v26 =	vadd.s32 s6, v7  }
0x2b2: {  	s7 =	simm.s32 $0xF;
	s8 =	simm.s32 $0xB;
	v21 =	vld.idx.msk [tilespmem:v25+s1+$0x0], $0xffff;
	[tilespmem:v20+s0+$0x0] =	vst.idx.msk vm4, v28;
	v20 =	vsel vm3, v29, v17;
	v17 =	vmov v22  }
.LBB2_24:
0x2b3: {  	p0 =	slt.u32 s7, $0x4DD;
	v28 =	vadd.s32 s8, v7;
	vm5 =	vne.s32 v12, v22;
	v22 =	vmax.f32 v20, v24;
	v29 =	vld.idx.msk [tilespmem:v25+s28+$0x0], $0xffff  }
0x2b4: {  	s8 =	sadd.s32 $0x2, s6;
	v30 =	vsel vm5, v24, v22;
	v31 =	vld.idx.msk [tilespmem:v27+s1+$0x0], $0xffff;
	[tilespmem:v9+s0+$0x0] =	vst.idx.msk vm1, v14;
	v9 =	vmov v13  }
0x2b5: {  	v32 =	vadd.s32 s8, v7;
	vm4 =	vne.s32 v9, v12;
	v13 =	vmax.f32 v30, v23;
	v22 =	vld.idx.msk [tilespmem:v27+s28+$0x0], $0xffff  }
0x2b6: {  	s8 =	sadd.s32 $0x3, s6;
	v33 =	vld.idx.msk [tilespmem:v26+s28+$0x0], $0xffff;
	v14 =	vsel vm4, v23, v13;
	[tilespmem:v10+s0+$0x0] =	vst.idx.msk vm2, v15;
	v10 =	vmov v18  }
0x2b7: {  	v25 =	vadd.s32 s8, v7;
	v24 =	vld.idx.msk [tilespmem:v26+s1+$0x0], $0xffff;
	vm1 =	vne.s32 v10, v9;
	v15 =	vmax.f32 v14, v19  }
.Ltmp11:
0x2b8: {  	s8 =	sadd.s32 $0x4, s6;
	s6 =	smov.u32 s7;
	v13 =	vld.idx.msk [tilespmem:v28+s28+$0x0], $0xffff;
	v15 =	vsel vm1, v19, v15;
	[tilespmem:v11+s0+$0x0] =	vst.idx.msk vm3, v16;
	v11 =	vmov v29;
	(pc) =	sbr.rel @p0 .LBB2_24-.Ltmp11, $4  }
0x2b9: {  	v27 =	vadd.s32 s8, v7;
	v23 =	vld.idx.msk [tilespmem:v28+s1+$0x0], $0xffff;
	vm2 =	vne.s32 v11, v10;
	v16 =	vmax.f32 v15, v21  }
0x2ba: {  	v19 =	vld.idx.msk [tilespmem:v32+s1+$0x0], $0xffff;
	[tilespmem:v17+s0+$0x0] =	vst.idx.msk vm5, v20;
	v16 =	vsel vm2, v21, v16;
	v17 =	vmov v22  }
0x2bb: {  	v26 =	vadd.s32 s7, v7;
	vm3 =	vne.s32 v22, v11;
	v18 =	vld.idx.msk [tilespmem:v32+s28+$0x0], $0xffff;
	v20 =	vmax.f32 v16, v31  }
0x2bc: {  	s8 =	sadd.s32 $0x1, s6;
	s7 =	sadd.s32 $0x5, s7;
	v21 =	vld.idx.msk [tilespmem:v25+s1+$0x0], $0xffff;
	[tilespmem:v12+s0+$0x0] =	vst.idx.msk vm4, v30;
	v20 =	vsel vm3, v31, v20;
	v12 =	vmov v33  }
0x2bd: {  	_ =	sdelay $0x3  }
0x2be: {  	v28 =	vadd.s32 s8, v7;
	v25 =	vld.idx.msk [tilespmem:v25+s28+$0x0], $0xffff  }
0x2bf: {  	s7 =	sadd.s32 $0x2, s6;
	v29 =	vld.idx.msk [tilespmem:v27+s1+$0x0], $0xffff  }
0x2c0: {  	vm4 =	vne.s32 v12, v22;
	v52 =	vmax.f32 v20, v24;
	v53 =	vld.idx.msk [tilespmem:v27+s28+$0x0], $0xffff;
	s8 =	sadd.s32 $0x3, s6;
	v30 =	vadd.s32 s7, v7  }
0x2c1: {  	v54 =	vld.idx.msk [tilespmem:v26+s28+$0x0], $0xffff;
	v22 =	vsel vm4, v24, v52;
	v31 =	vadd.s32 s8, v7;
	s8 =	sadd.s32 $0x4, s6  }
0x2c2: {  	vm5 =	vne.s32 v13, v12;
	v55 =	vld.idx.msk [tilespmem:v26+s1+$0x0], $0xffff;
	v32 =	vmax.f32 v22, v23;
	v33 =	vadd.s32 s8, v7  }
0x2c3: {  	v23 =	vsel vm5, v23, v32;
	v56 =	vld.idx.msk [tilespmem:v28+s28+$0x0], $0xffff  }
0x2c4: {  	vm6 =	vne.s32 v18, v13;
	v34 =	vmax.f32 v23, v19;
	v28 =	vld.idx.msk [tilespmem:v28+s1+$0x0], $0xffff  }
0x2c5: {  	v19 =	vsel vm6, v19, v34;
	v57 =	vld.idx.msk [tilespmem:v30+s28+$0x0], $0xffff  }
0x2c6: {  	[tilespmem:v9+s0+$0x0] =	vst.idx.msk vm1, v14;
	vm1 =	vne.s32 v25, v18;
	v9 =	vmax.f32 v19, v21;
	v58 =	vld.idx.msk [tilespmem:v31+s28+$0x0], $0xffff  }
0x2c7: {  	[tilespmem:v10+s0+$0x0] =	vst.idx.msk vm2, v15;
	vm2 =	vne.s32 v53, v25;
	v9 =	vsel vm1, v21, v9;
	v10 =	vld.idx.msk [tilespmem:v33+s28+$0x0], $0xffff  }
0x2c8: {  	[tilespmem:v11+s0+$0x0] =	vst.idx.msk vm3, v16;
	vm3 =	vne.s32 v54, v53;
	v11 =	vmax.f32 v9, v29  }
0x2c9: {  	[tilespmem:v17+s0+$0x0] =	vst.idx.msk vm4, v20;
	v59 =	vld.idx.msk [tilespmem:v30+s1+$0x0], $0xffff;
	v11 =	vsel vm2, v29, v11;
	vm13 =	vne.s32 v56, v54  }
0x2ca: {  	[tilespmem:v12+s0+$0x0] =	vst.idx.msk vm5, v22;
	v60 =	vmax.f32 v11, v55;
	vm14 =	vne.s32 v57, v56  }
0x2cb: {  	v61 =	vld.idx.msk [tilespmem:v31+s1+$0x0], $0xffff;
	[tilespmem:v13+s0+$0x0] =	vst.idx.msk vm6, v23;
	v12 =	vsel vm3, v55, v60;
	vm15 =	vne.s32 v58, v57  }
0x2cc: {  	[tilespmem:v18+s0+$0x0] =	vst.idx.msk vm1, v19;
	v62 =	vmax.f32 v12, v28;
	vm1 =	vne.s32 v10, v58  }
0x2cd: {  	[tilespmem:v25+s0+$0x0] =	vst.idx.msk vm2, v9;
	v9 =	vld.idx.msk [tilespmem:v33+s1+$0x0], $0xffff;
	v13 =	vsel vm13, v28, v62  }
0x2ce: {  	[tilespmem:v53+s0+$0x0] =	vst.idx.msk vm3, v11;
	v11 =	vmax.f32 v13, v59  }
0x2cf: {  	v11 =	vsel vm14, v59, v11;
	[tilespmem:v54+s0+$0x0] =	vst.idx.msk vm13, v12  }
0x2d0: {  	v63 =	vmax.f32 v11, v61;
	[tilespmem:v56+s0+$0x0] =	vst.idx.msk vm14, v13  }
0x2d1: {  	v12 =	vsel vm15, v61, v63;
	[tilespmem:v57+s0+$0x0] =	vst.idx.msk vm15, v11  }
0x2d2: {  	v11 =	vmax.f32 v12, v9;
	[tilespmem:v58+s0+$0x0] =	vst.idx.msk vm1, v12  }
0x2d3: {  	v9 =	vsel vm1, v9, v11;
	[tilespmem:$0x16120] =	vst v10  }
0x2d4: {  	s7 =	simm.s32 $0x0;
	[tilespmem:$0x161D0] =	vst v9  }
0x2d5: {  	s6 =	simm.s32 $0x40;
	v9 =	vld [tilespmem:s7+$0x16130]  }
.LBB2_26:
0x2d6: {  	p0 =	sne.s32 s6, $0x280;
	v10 =	vld [tilespmem:s7+$0x16080];
	_ =	sdelay $0x4  }
0x2d7: {  	v12 =	vperm.xlane v9, v1;
	v11 =	vperm.xlane v10, v1;
	_ =	sdelay $0x1  }
0x2d8: {  	vm1 =	veq.s32 v10, v11;
	v11 =	vmax.f32 v9, v12  }
0x2d9: {  	v9 =	vsel vm1, v11, v9  }
0x2da: {  	v11 =	vperm.xlane v10, v3;
	v12 =	vperm.xlane v9, v3;
	_ =	sdelay $0x1  }
0x2db: {  	vm1 =	veq.s32 v10, v11;
	v11 =	vmax.f32 v9, v12  }
0x2dc: {  	v9 =	vsel vm1, v11, v9;
	v11 =	vperm.xlane v10, v5  }
0x2dd: {  	v13 =	vperm.xlane v10, v8;
	v12 =	vperm.xlane v9, v5;
	_ =	sdelay $0x1  }
0x2de: {  	vm2 =	vne.s32 v10, v13;
	vm1 =	veq.s32 v10, v11;
	v11 =	vmax.f32 v9, v12;
	v12 =	vld.idx.msk [tilespmem:v10+s0+$0x0], $0xffff  }
0x2df: {  	v9 =	vsel vm1, v11, v9;
	vm1 =	vmor vm2, vm0  }
0x2e0: {  	v11 =	vperm.xlane v10, v2;
	v13 =	vperm.xlane v9, v2;
	_ =	sdelay $0x1  }
.Ltmp12:
0x2e1: {  	vm2 =	veq.s32 v10, v11;
	v11 =	vmax.f32 v9, v13;
	(pc) =	sbr.rel @p0 .LBB2_26-.Ltmp12, $4  }
0x2e2: {  	v9 =	vsel vm2, v11, v9  }
0x2e3: {  	v9 =	vmax.f32 v12, v9  }
0x2e4: {  	s7 =	sshra.s32 s6, $0x2;
	[tilespmem:v10+s0+$0x0] =	vst.idx.msk vm1, v9  }
0x2e5: {  	s6 =	sadd.s32 $0x40, s6;
	v9 =	vld [tilespmem:s7+$0x16130]  }
0x2e6: {  	v10 =	vld [tilespmem:s7+$0x16080];
	_ =	sdelay $0x4  }
0x2e7: {  	v12 =	vperm.xlane v9, v1;
	v11 =	vperm.xlane v10, v1;
	_ =	sdelay $0x1  }
0x2e8: {  	vm1 =	veq.s32 v10, v11;
	v11 =	vmax.f32 v9, v12  }
0x2e9: {  	v9 =	vsel vm1, v11, v9  }
0x2ea: {  	v11 =	vperm.xlane v10, v3;
	v60 =	vperm.xlane v9, v3;
	_ =	sdelay $0x1  }
0x2eb: {  	vm1 =	veq.s32 v10, v11;
	v11 =	vmax.f32 v9, v60  }
0x2ec: {  	v13 =	vperm.xlane v10, v8;
	v9 =	vsel vm1, v11, v9  }
0x2ed: {  	v11 =	vperm.xlane v10, v5;
	v61 =	vperm.xlane v9, v5;
	_ =	sdelay $0x1  }
0x2ee: {  	vm2 =	vne.s32 v10, v13;
	vm1 =	veq.s32 v10, v11;
	v11 =	vmax.f32 v9, v61  }
0x2ef: {  	v62 =	vld.idx.msk [tilespmem:v10+s0+$0x0], $0xffff;
	v9 =	vsel vm1, v11, v9;
	vm1 =	vmor vm2, vm0  }
0x2f0: {  	v11 =	vperm.xlane v10, v2;
	v63 =	vperm.xlane v9, v2;
	_ =	sdelay $0x1  }
0x2f1: {  	vm2 =	veq.s32 v10, v11;
	v11 =	vmax.f32 v9, v63  }
0x2f2: {  	s5 =	sadd.s32 $0x1, s5;
	v9 =	vsel vm2, v11, v9  }
0x2f3: {  	p0 =	sne.s32 s5, s26;
	v9 =	vmax.f32 v62, v9  }
.Ltmp13:
0x2f4: {  	[tilespmem:v10+s0+$0x0] =	vst.idx.msk vm1, v9;
	(pc) =	sbr.rel @p0 .LBB2_1-.Ltmp13, $4  }
0x2f5: {  	[hbm4b:s25+s1] =	stream.linear.scatter [tilespmem:s0], [sflag:$0x5], $0x2800, $0x38;
	[tilespmem:$0x161E0] =	vst v63  }
0x2f6: {  	_ =	swait.ge [sflag:s4], $0x2800  }
0x2f7: {  	[sflag:s4] =	ssyncset.done $0x0  }
0x2f8: {  	[sflag:s4] =	ssyncadd.s32 $0xFFFFD800  }
0x2f9: {  	_ =	sfence.sel $0x180000  }
0x2fa: {  	[bflag:$0x0] =	sbarrier.arrive $0xFFFF  }
0x2fb: {  	_ =	strace $0x90000047  }
0x2fc: {  	s0 =	stileid.u32;
	[bflag:$0x2] =	sbarrier.arrive $0xFFFF  }
0x2fd: {  	p0 =	sne.s32 s0, $0x0;
	s0 =	rddreg [dreg:$0x3]  }
0x2fe: {  	s0 =	sadd.s32 @!p0 $0x100000, s0  }
0x2ff: {  	[sflag:s0] =	ssyncadd.tile.s32 @!p0 $0x1;
	_ =	shalt  }
.Lfunc_end2:
_tile_overlayer_lowered:
.L_overlay_start_2:
0x300: {  	(tag) =	ssettag $0x2  }
0x301: {  	s0 =	rddreg [dreg:$0x0];
	s2 =	stileid.u32  }
0x302: {  	s1 =	rddreg [dreg:$0x1];
	p0 =	sne.s32 s2, $0x0  }
0x303: {  	s3 =	rddreg [dreg:$0x2];
	[bflag:$0x3] =	sbarrier.arrive $0xFFFF;
	s2 =	simm.s32 @!p0 $0x1C06  }
0x304: {  	[timem:s3], [sflag:s2] =	dma.local @!p0 [hbm:s0], s1  }
0x305: {  	s0 =	simm.s32 @!p0 $0x6  }
0x306: {  	_ =	swait.ge @!p0 [sflag:s0], s1  }
0x307: {  	s1 =	ssub.s32 @!p0 $0x0, s1;
	[sflag:s0] =	ssyncset.done @!p0 $0x0  }
0x308: {  	[sflag:s0] =	ssyncadd.s32 @!p0 s1  }
0x309: {  	[bflag:$0x3] =	sbarrier.arrive $0xFFFF  }
0x30a: {  	_ =	shalt  }

</sc_bundles>
